<compile_context>
chip_gen: v7x
topology: tpu7x:2x2x1
jax: 0.10.2.dev20260603
libtpu: 0.0.44.dev20260713+nightly
codegen_flags: <defaults>
</compile_context>

<pallas_src>
import functools

import jax
import jax.numpy as jnp
from jax import lax
from jax.experimental import pallas as pl
from jax.experimental.pallas import tpu as pltpu
from jax.experimental.pallas import tpu_sc as plsc

N_ROWS = 4096
N_COLS = 200
D = 64
B = N_ROWS * N_COLS
V = 1000000

NC = 2
NS = 16
NW = NC * NS
B_PER_W = B // NW
C = 256
STEPS = B_PER_W // C

_mesh = plsc.VectorSubcoreMesh(core_axis_name="c", subcore_axis_name="s")


@functools.partial(
    pl.kernel,
    mesh=_mesh,
    out_type=jax.ShapeDtypeStruct((B, D), jnp.float32),
    scratch_types=[
        pltpu.VMEM((B_PER_W,), jnp.int32),
        pltpu.VMEM((C,), jnp.int32),
        pltpu.VMEM((C,), jnp.int32),
        pltpu.VMEM((2, C), jnp.int32),
        pltpu.VMEM((2, C, 128), jnp.float32),
        pltpu.VMEM((C, D), jnp.float32),
        pltpu.SemaphoreType.DMA,
        pltpu.SemaphoreType.DMA,
    ],
    compiler_params=pltpu.CompilerParams(needs_layout_passes=False),
)
def _gather_kernel(idx_hbm, p_hbm, out_hbm, idx_full, idxr0, idxr1, cbs,
                   rows, wbuf, sem_g, sem_o):
    wid = lax.axis_index("s") * NC + lax.axis_index("c")
    base = wid * B_PER_W

    pltpu.sync_copy(idx_hbm.at[pl.ds(base, B_PER_W)], idx_full)

    def prep(t, s):
        @pl.when(s == 0)
        def _():
            for g in range(C // 16):
                v = idx_full[pl.ds(t * C + 16 * g, 16)]
                idxr0[pl.ds(16 * g, 16)] = lax.shift_right_logical(v, 1)
                cbs[0, pl.ds(16 * g, 16)] = lax.shift_left(
                    lax.bitwise_and(v, 1), 6)
        @pl.when(s != 0)
        def _():
            for g in range(C // 16):
                v = idx_full[pl.ds(t * C + 16 * g, 16)]
                idxr1[pl.ds(16 * g, 16)] = lax.shift_right_logical(v, 1)
                cbs[1, pl.ds(16 * g, 16)] = lax.shift_left(
                    lax.bitwise_and(v, 1), 6)

    def start_gather(s):
        @pl.when(s == 0)
        def _():
            pltpu.make_async_copy(p_hbm.at[idxr0], rows.at[0], sem_g).start()
        @pl.when(s != 0)
        def _():
            pltpu.make_async_copy(p_hbm.at[idxr1], rows.at[1], sem_g).start()

    def wait_gather(s):
        pltpu.make_async_copy(p_hbm.at[idxr0], rows.at[0], sem_g).wait()

    def select(s):
        def body(g, carry):
            cbv = cbs[s, pl.ds(16 * g, 16)]
            for r in range(16):
                i = 16 * g + r
                cbi = cbv[r]
                for q in range(D // 16):
                    lo = rows[s, i, pl.ds(16 * q, 16)]
                    hi = rows[s, i, pl.ds(64 + 16 * q, 16)]
                    wbuf[i, pl.ds(16 * q, 16)] = jnp.where(cbi != 0, hi, lo)
            return carry
        lax.fori_loop(0, C // 16, body, 0)

    def wait_out():
        pltpu.make_async_copy(wbuf, out_hbm.at[pl.ds(0, C)], sem_o).wait()

    prep(0, 0)
    start_gather(0)
    prep(1, 1)

    def step(t, carry):
        s = lax.rem(t, 2)

        @pl.when(t + 1 < STEPS)
        def _():
            start_gather(1 - s)
        wait_gather(s)

        @pl.when(t >= 1)
        def _():
            wait_out()
        select(s)
        pltpu.make_async_copy(wbuf, out_hbm.at[pl.ds(base + t * C, C)],
                              sem_o).start()

        @pl.when(t + 2 < STEPS)
        def _():
            prep(t + 2, s)
        return carry

    lax.fori_loop(0, STEPS, step, 0)
    wait_out()


def kernel(x, W):
    idx = x.reshape(-1).astype(jnp.int32)
    p = W.reshape(V // 2, 128)
    out = _gather_kernel(idx, p)
    return out.reshape(N_ROWS, N_COLS, D)

# --- scband reference (transcript-rebuilt; emitter-appended) ---
"""Pipeline reference for scband-embeddings-35897336660134 (READ-ONLY COPY).

The authoritative reference and input builder live on the scoring server;
editing this copy changes nothing except your own understanding.
"""

import jax, jax.numpy as jnp
import numpy as np

N_VOCAB = 1000000
D_MODEL = 64

def setup_inputs(seed: int = 0) -> dict:
    key = jax.random.key(seed)
    k_idx, k_w = jax.random.split(key)
    x = jax.random.randint(k_idx, (4096, 200), 0, N_VOCAB, dtype=jnp.int64 if jax.config.jax_enable_x64 else jnp.int32)
    W = jax.random.normal(k_w, (N_VOCAB, D_MODEL), dtype=jnp.float32) * 0.02
    return {"x": x, "W": W}

def reference(x, W):
    # Faithful translation of Embeddings.forward: a plain nn.Embedding lookup
    # (no sqrt(d_model) scaling in this module's forward).
    return jnp.take(W, x, axis=0)

if __name__ == "__main__":
    import jax
    _d = setup_inputs()
    print(jax.jit(kernel)(*tuple(_d.values())))

</pallas_src>

<mosaic_0001>
#map = affine_map<(d0, d1) -> (0)>
#map1 = affine_map<(d0, d1) -> (0, 0)>
module attributes {stable_mosaic.version = 14 : i64} {
  func.func @_gather_kernel(%arg0: i32, %arg1: i32, %arg2: memref<819200xi32, #tpu.memory_space<hbm>>, %arg3: memref<500000x128xf32, #tpu.memory_space<hbm>>, %arg4: memref<819200x64xf32, #tpu.memory_space<hbm>>, %arg5: memref<25600xi32, #tpu.memory_space<vmem>>, %arg6: memref<256xi32, #tpu.memory_space<vmem>>, %arg7: memref<256xi32, #tpu.memory_space<vmem>>, %arg8: memref<2x256xi32, #tpu.memory_space<vmem>>, %arg9: memref<2x256x128xf32, #tpu.memory_space<vmem>>, %arg10: memref<256x64xf32, #tpu.memory_space<vmem>>, %arg11: memref<!tpu.dma_semaphore, #tpu.memory_space<semaphore_mem>>, %arg12: memref<!tpu.dma_semaphore, #tpu.memory_space<semaphore_mem>>) attributes {dimension_semantics = [#tpu.dimension_semantics<core_parallel>, #tpu.dimension_semantics<subcore_parallel>], iteration_bounds = array<i64: 2, 16>, scalar_prefetch = 0 : i64, scratch_operands = 8 : i64, tpu.core_type = #tpu.core_type<sc_vector_subcore>, window_params = [{transform_indices = #map}, {transform_indices = #map1}, {transform_indices = #map1}]} {
    %mul3A = arith.constant 2 : i32
    %mul3A_0 = arith.muli %arg1, %mul3A : i32
    %add3A = arith.addi %mul3A_0, %arg0 : i32
    %mul3A_1 = arith.constant 25600 : i32
    %mul3A_2 = arith.muli %add3A, %mul3A_1 : i32
    "tpu.region"() ({
      %run_scoped3A = tpu.sem_alloc : memref<!tpu.dma_semaphore, #tpu.memory_space<semaphore_mem>>
      %dma_start3A_559 = tpu.memref_slice %arg2[%mul3A_2] : memref<819200xi32, #tpu.memory_space<hbm>> -> memref<25600xi32, #tpu.memory_space<hbm>>
      %dma_start3A_560 = tpu.memref_slice %arg2[%mul3A_2] : memref<819200xi32, #tpu.memory_space<hbm>> -> memref<25600xi32, #tpu.memory_space<hbm>>
      tpu.enqueue_dma source(%dma_start3A_560 : memref<25600xi32, #tpu.memory_space<hbm>>) target(%arg5 : memref<25600xi32, #tpu.memory_space<vmem>>) target_semaphore(%run_scoped3A : memref<!tpu.dma_semaphore, #tpu.memory_space<semaphore_mem>>)
      %dma_wait3A_561 = tpu.memref_slice %arg2[%mul3A_2] : memref<819200xi32, #tpu.memory_space<hbm>> -> memref<25600xi32, #tpu.memory_space<hbm>>
      %dma_wait3A_562 = tpu.memref_slice %arg2[%mul3A_2] : memref<819200xi32, #tpu.memory_space<hbm>> -> memref<25600xi32, #tpu.memory_space<hbm>>
      tpu.wait_dma2 semaphore(%run_scoped3A : memref<!tpu.dma_semaphore, #tpu.memory_space<semaphore_mem>>) src(%dma_wait3A_562 : memref<25600xi32, #tpu.memory_space<hbm>>) dst(%arg5 : memref<25600xi32, #tpu.memory_space<vmem>>)
      tpu.yield
    }) : () -> ()
    %get3A = arith.constant 0 : index
    %get3A_3 = tpu.vector_load %arg5[%get3A] {strides = array<i32>} : memref<25600xi32, #tpu.memory_space<vmem>>, vector<16xi32>,
    %shift_right_logical3A = arith.constant 1 : i32
    %shift_right_logical3A_4 = vector.broadcast %shift_right_logical3A : i32 to vector<16xi32>
    %shift_right_logical3A_5 = arith.shrui %get3A_3, %shift_right_logical3A_4 : vector<16xi32>
    %swap3A = arith.constant 0 : index
    %swap3A_6 = tpu.vector_load %arg6[%swap3A] {strides = array<i32>} : memref<256xi32, #tpu.memory_space<vmem>>, vector<16xi32>,
    tpu.vector_store %arg6[%swap3A], %shift_right_logical3A_5 {strides = array<i32>} : memref<256xi32, #tpu.memory_space<vmem>>, vector<16xi32>,
    %and3A = arith.constant 1 : i32
    %and3A_7 = vector.broadcast %and3A : i32 to vector<16xi32>
    %and3A_8 = arith.andi %get3A_3, %and3A_7 : vector<16xi32>
    %shift_left3A = arith.constant 6 : i32
    %shift_left3A_9 = vector.broadcast %shift_left3A : i32 to vector<16xi32>
    %shift_left3A_10 = arith.shli %and3A_8, %shift_left3A_9 : vector<16xi32>
    %swap3A_11 = arith.constant 0 : i32
    %swap3A_12 = arith.index_cast %swap3A_11 : i32 to index
    %swap3A_13 = arith.constant 0 : index
    %swap3A_14 = tpu.vector_load %arg8[%swap3A_12, %swap3A_13] {strides = array<i32>} : memref<2x256xi32, #tpu.memory_space<vmem>>, vector<16xi32>,
    tpu.vector_store %arg8[%swap3A_12, %swap3A_13], %shift_left3A_10 {strides = array<i32>} : memref<2x256xi32, #tpu.memory_space<vmem>>, vector<16xi32>,
    %get3A_15 = arith.constant 16 : index
    %get3A_16 = tpu.vector_load %arg5[%get3A_15] {strides = array<i32>} : memref<25600xi32, #tpu.memory_space<vmem>>, vector<16xi32>,
    %shift_right_logical3A_17 = arith.constant 1 : i32
    %shift_right_logical3A_18 = vector.broadcast %shift_right_logical3A_17 : i32 to vector<16xi32>
    %shift_right_logical3A_19 = arith.shrui %get3A_16, %shift_right_logical3A_18 : vector<16xi32>
    %swap3A_20 = arith.constant 16 : index
    %swap3A_21 = tpu.vector_load %arg6[%swap3A_20] {strides = array<i32>} : memref<256xi32, #tpu.memory_space<vmem>>, vector<16xi32>,
    tpu.vector_store %arg6[%swap3A_20], %shift_right_logical3A_19 {strides = array<i32>} : memref<256xi32, #tpu.memory_space<vmem>>, vector<16xi32>,
    %and3A_22 = arith.constant 1 : i32
    %and3A_23 = vector.broadcast %and3A_22 : i32 to vector<16xi32>
    %and3A_24 = arith.andi %get3A_16, %and3A_23 : vector<16xi32>
    %shift_left3A_25 = arith.constant 6 : i32
    %shift_left3A_26 = vector.broadcast %shift_left3A_25 : i32 to vector<16xi32>
    %shift_left3A_27 = arith.shli %and3A_24, %shift_left3A_26 : vector<16xi32>
    %swap3A_28 = arith.constant 0 : i32
    %swap3A_29 = arith.index_cast %swap3A_28 : i32 to index
    %swap3A_30 = arith.constant 16 : index
    %swap3A_31 = tpu.vector_load %arg8[%swap3A_29, %swap3A_30] {strides = array<i32>} : memref<2x256xi32, #tpu.memory_space<vmem>>, vector<16xi32>,
    tpu.vector_store %arg8[%swap3A_29, %swap3A_30], %shift_left3A_27 {strides = array<i32>} : memref<2x256xi32, #tpu.memory_space<vmem>>, vector<16xi32>,
    %get3A_32 = arith.constant 32 : index
    %get3A_33 = tpu.vector_load %arg5[%get3A_32] {strides = array<i32>} : memref<25600xi32, #tpu.memory_space<vmem>>, vector<16xi32>,
    %shift_right_logical3A_34 = arith.constant 1 : i32
    %shift_right_logical3A_35 = vector.broadcast %shift_right_logical3A_34 : i32 to vector<16xi32>
    %shift_right_logical3A_36 = arith.shrui %get3A_33, %shift_right_logical3A_35 : vector<16xi32>
    %swap3A_37 = arith.constant 32 : index
    %swap3A_38 = tpu.vector_load %arg6[%swap3A_37] {strides = array<i32>} : memref<256xi32, #tpu.memory_space<vmem>>, vector<16xi32>,
    tpu.vector_store %arg6[%swap3A_37], %shift_right_logical3A_36 {strides = array<i32>} : memref<256xi32, #tpu.memory_space<vmem>>, vector<16xi32>,
    %and3A_39 = arith.constant 1 : i32
    %and3A_40 = vector.broadcast %and3A_39 : i32 to vector<16xi32>
    %and3A_41 = arith.andi %get3A_33, %and3A_40 : vector<16xi32>
    %shift_left3A_42 = arith.constant 6 : i32
    %shift_left3A_43 = vector.broadcast %shift_left3A_42 : i32 to vector<16xi32>
    %shift_left3A_44 = arith.shli %and3A_41, %shift_left3A_43 : vector<16xi32>
    %swap3A_45 = arith.constant 0 : i32
    %swap3A_46 = arith.index_cast %swap3A_45 : i32 to index
    %swap3A_47 = arith.constant 32 : index
    %swap3A_48 = tpu.vector_load %arg8[%swap3A_46, %swap3A_47] {strides = array<i32>} : memref<2x256xi32, #tpu.memory_space<vmem>>, vector<16xi32>,
    tpu.vector_store %arg8[%swap3A_46, %swap3A_47], %shift_left3A_44 {strides = array<i32>} : memref<2x256xi32, #tpu.memory_space<vmem>>, vector<16xi32>,
    %get3A_49 = arith.constant 48 : index
    %get3A_50 = tpu.vector_load %arg5[%get3A_49] {strides = array<i32>} : memref<25600xi32, #tpu.memory_space<vmem>>, vector<16xi32>,
    %shift_right_logical3A_51 = arith.constant 1 : i32
    %shift_right_logical3A_52 = vector.broadcast %shift_right_logical3A_51 : i32 to vector<16xi32>
    %shift_right_logical3A_53 = arith.shrui %get3A_50, %shift_right_logical3A_52 : vector<16xi32>
    %swap3A_54 = arith.constant 48 : index
    %swap3A_55 = tpu.vector_load %arg6[%swap3A_54] {strides = array<i32>} : memref<256xi32, #tpu.memory_space<vmem>>, vector<16xi32>,
    tpu.vector_store %arg6[%swap3A_54], %shift_right_logical3A_53 {strides = array<i32>} : memref<256xi32, #tpu.memory_space<vmem>>, vector<16xi32>,
    %and3A_56 = arith.constant 1 : i32
    %and3A_57 = vector.broadcast %and3A_56 : i32 to vector<16xi32>
    %and3A_58 = arith.andi %get3A_50, %and3A_57 : vector<16xi32>
    %shift_left3A_59 = arith.constant 6 : i32
    %shift_left3A_60 = vector.broadcast %shift_left3A_59 : i32 to vector<16xi32>
    %shift_left3A_61 = arith.shli %and3A_58, %shift_left3A_60 : vector<16xi32>
    %swap3A_62 = arith.constant 0 : i32
    %swap3A_63 = arith.index_cast %swap3A_62 : i32 to index
    %swap3A_64 = arith.constant 48 : index
    %swap3A_65 = tpu.vector_load %arg8[%swap3A_63, %swap3A_64] {strides = array<i32>} : memref<2x256xi32, #tpu.memory_space<vmem>>, vector<16xi32>,
    tpu.vector_store %arg8[%swap3A_63, %swap3A_64], %shift_left3A_61 {strides = array<i32>} : memref<2x256xi32, #tpu.memory_space<vmem>>, vector<16xi32>,
    %get3A_66 = arith.constant 64 : index
    %get3A_67 = tpu.vector_load %arg5[%get3A_66] {strides = array<i32>} : memref<25600xi32, #tpu.memory_space<vmem>>, vector<16xi32>,
    %shift_right_logical3A_68 = arith.constant 1 : i32
    %shift_right_logical3A_69 = vector.broadcast %shift_right_logical3A_68 : i32 to vector<16xi32>
    %shift_right_logical3A_70 = arith.shrui %get3A_67, %shift_right_logical3A_69 : vector<16xi32>
    %swap3A_71 = arith.constant 64 : index
    %swap3A_72 = tpu.vector_load %arg6[%swap3A_71] {strides = array<i32>} : memref<256xi32, #tpu.memory_space<vmem>>, vector<16xi32>,
    tpu.vector_store %arg6[%swap3A_71], %shift_right_logical3A_70 {strides = array<i32>} : memref<256xi32, #tpu.memory_space<vmem>>, vector<16xi32>,
    %and3A_73 = arith.constant 1 : i32
    %and3A_74 = vector.broadcast %and3A_73 : i32 to vector<16xi32>
    %and3A_75 = arith.andi %get3A_67, %and3A_74 : vector<16xi32>
    %shift_left3A_76 = arith.constant 6 : i32
    %shift_left3A_77 = vector.broadcast %shift_left3A_76 : i32 to vector<16xi32>
    %shift_left3A_78 = arith.shli %and3A_75, %shift_left3A_77 : vector<16xi32>
    %swap3A_79 = arith.constant 0 : i32
    %swap3A_80 = arith.index_cast %swap3A_79 : i32 to index
    %swap3A_81 = arith.constant 64 : index
    %swap3A_82 = tpu.vector_load %arg8[%swap3A_80, %swap3A_81] {strides = array<i32>} : memref<2x256xi32, #tpu.memory_space<vmem>>, vector<16xi32>,
    tpu.vector_store %arg8[%swap3A_80, %swap3A_81], %shift_left3A_78 {strides = array<i32>} : memref<2x256xi32, #tpu.memory_space<vmem>>, vector<16xi32>,
    %get3A_83 = arith.constant 80 : index
    %get3A_84 = tpu.vector_load %arg5[%get3A_83] {strides = array<i32>} : memref<25600xi32, #tpu.memory_space<vmem>>, vector<16xi32>,
    %shift_right_logical3A_85 = arith.constant 1 : i32
    %shift_right_logical3A_86 = vector.broadcast %shift_right_logical3A_85 : i32 to vector<16xi32>
    %shift_right_logical3A_87 = arith.shrui %get3A_84, %shift_right_logical3A_86 : vector<16xi32>
    %swap3A_88 = arith.constant 80 : index
    %swap3A_89 = tpu.vector_load %arg6[%swap3A_88] {strides = array<i32>} : memref<256xi32, #tpu.memory_space<vmem>>, vector<16xi32>,
    tpu.vector_store %arg6[%swap3A_88], %shift_right_logical3A_87 {strides = array<i32>} : memref<256xi32, #tpu.memory_space<vmem>>, vector<16xi32>,
    %and3A_90 = arith.constant 1 : i32
    %and3A_91 = vector.broadcast %and3A_90 : i32 to vector<16xi32>
    %and3A_92 = arith.andi %get3A_84, %and3A_91 : vector<16xi32>
    %shift_left3A_93 = arith.constant 6 : i32
    %shift_left3A_94 = vector.broadcast %shift_left3A_93 : i32 to vector<16xi32>
    %shift_left3A_95 = arith.shli %and3A_92, %shift_left3A_94 : vector<16xi32>
    %swap3A_96 = arith.constant 0 : i32
    %swap3A_97 = arith.index_cast %swap3A_96 : i32 to index
    %swap3A_98 = arith.constant 80 : index
    %swap3A_99 = tpu.vector_load %arg8[%swap3A_97, %swap3A_98] {strides = array<i32>} : memref<2x256xi32, #tpu.memory_space<vmem>>, vector<16xi32>,
    tpu.vector_store %arg8[%swap3A_97, %swap3A_98], %shift_left3A_95 {strides = array<i32>} : memref<2x256xi32, #tpu.memory_space<vmem>>, vector<16xi32>,
    %get3A_100 = arith.constant 96 : index
    %get3A_101 = tpu.vector_load %arg5[%get3A_100] {strides = array<i32>} : memref<25600xi32, #tpu.memory_space<vmem>>, vector<16xi32>,
    %shift_right_logical3A_102 = arith.constant 1 : i32
    %shift_right_logical3A_103 = vector.broadcast %shift_right_logical3A_102 : i32 to vector<16xi32>
    %shift_right_logical3A_104 = arith.shrui %get3A_101, %shift_right_logical3A_103 : vector<16xi32>
    %swap3A_105 = arith.constant 96 : index
    %swap3A_106 = tpu.vector_load %arg6[%swap3A_105] {strides = array<i32>} : memref<256xi32, #tpu.memory_space<vmem>>, vector<16xi32>,
    tpu.vector_store %arg6[%swap3A_105], %shift_right_logical3A_104 {strides = array<i32>} : memref<256xi32, #tpu.memory_space<vmem>>, vector<16xi32>,
    %and3A_107 = arith.constant 1 : i32
    %and3A_108 = vector.broadcast %and3A_107 : i32 to vector<16xi32>
    %and3A_109 = arith.andi %get3A_101, %and3A_108 : vector<16xi32>
    %shift_left3A_110 = arith.constant 6 : i32
    %shift_left3A_111 = vector.broadcast %shift_left3A_110 : i32 to vector<16xi32>
    %shift_left3A_112 = arith.shli %and3A_109, %shift_left3A_111 : vector<16xi32>
    %swap3A_113 = arith.constant 0 : i32
    %swap3A_114 = arith.index_cast %swap3A_113 : i32 to index
    %swap3A_115 = arith.constant 96 : index
    %swap3A_116 = tpu.vector_load %arg8[%swap3A_114, %swap3A_115] {strides = array<i32>} : memref<2x256xi32, #tpu.memory_space<vmem>>, vector<16xi32>,
    tpu.vector_store %arg8[%swap3A_114, %swap3A_115], %shift_left3A_112 {strides = array<i32>} : memref<2x256xi32, #tpu.memory_space<vmem>>, vector<16xi32>,
    %get3A_117 = arith.constant 112 : index
    %get3A_118 = tpu.vector_load %arg5[%get3A_117] {strides = array<i32>} : memref<25600xi32, #tpu.memory_space<vmem>>, vector<16xi32>,
    %shift_right_logical3A_119 = arith.constant 1 : i32
    %shift_right_logical3A_120 = vector.broadcast %shift_right_logical3A_119 : i32 to vector<16xi32>
    %shift_right_logical3A_121 = arith.shrui %get3A_118, %shift_right_logical3A_120 : vector<16xi32>
    %swap3A_122 = arith.constant 112 : index
    %swap3A_123 = tpu.vector_load %arg6[%swap3A_122] {strides = array<i32>} : memref<256xi32, #tpu.memory_space<vmem>>, vector<16xi32>,
    tpu.vector_store %arg6[%swap3A_122], %shift_right_logical3A_121 {strides = array<i32>} : memref<256xi32, #tpu.memory_space<vmem>>, vector<16xi32>,
    %and3A_124 = arith.constant 1 : i32
    %and3A_125 = vector.broadcast %and3A_124 : i32 to vector<16xi32>
    %and3A_126 = arith.andi %get3A_118, %and3A_125 : vector<16xi32>
    %shift_left3A_127 = arith.constant 6 : i32
    %shift_left3A_128 = vector.broadcast %shift_left3A_127 : i32 to vector<16xi32>
    %shift_left3A_129 = arith.shli %and3A_126, %shift_left3A_128 : vector<16xi32>
    %swap3A_130 = arith.constant 0 : i32
    %swap3A_131 = arith.index_cast %swap3A_130 : i32 to index
    %swap3A_132 = arith.constant 112 : index
    %swap3A_133 = tpu.vector_load %arg8[%swap3A_131, %swap3A_132] {strides = array<i32>} : memref<2x256xi32, #tpu.memory_space<vmem>>, vector<16xi32>,
    tpu.vector_store %arg8[%swap3A_131, %swap3A_132], %shift_left3A_129 {strides = array<i32>} : memref<2x256xi32, #tpu.memory_space<vmem>>, vector<16xi32>,
    %get3A_134 = arith.constant 128 : index
    %get3A_135 = tpu.vector_load %arg5[%get3A_134] {strides = array<i32>} : memref<25600xi32, #tpu.memory_space<vmem>>, vector<16xi32>,
    %shift_right_logical3A_136 = arith.constant 1 : i32
    %shift_right_logical3A_137 = vector.broadcast %shift_right_logical3A_136 : i32 to vector<16xi32>
    %shift_right_logical3A_138 = arith.shrui %get3A_135, %shift_right_logical3A_137 : vector<16xi32>
    %swap3A_139 = arith.constant 128 : index
    %swap3A_140 = tpu.vector_load %arg6[%swap3A_139] {strides = array<i32>} : memref<256xi32, #tpu.memory_space<vmem>>, vector<16xi32>,
    tpu.vector_store %arg6[%swap3A_139], %shift_right_logical3A_138 {strides = array<i32>} : memref<256xi32, #tpu.memory_space<vmem>>, vector<16xi32>,
    %and3A_141 = arith.constant 1 : i32
    %and3A_142 = vector.broadcast %and3A_141 : i32 to vector<16xi32>
    %and3A_143 = arith.andi %get3A_135, %and3A_142 : vector<16xi32>
    %shift_left3A_144 = arith.constant 6 : i32
    %shift_left3A_145 = vector.broadcast %shift_left3A_144 : i32 to vector<16xi32>
    %shift_left3A_146 = arith.shli %and3A_143, %shift_left3A_145 : vector<16xi32>
    %swap3A_147 = arith.constant 0 : i32
    %swap3A_148 = arith.index_cast %swap3A_147 : i32 to index
    %swap3A_149 = arith.constant 128 : index
    %swap3A_150 = tpu.vector_load %arg8[%swap3A_148, %swap3A_149] {strides = array<i32>} : memref<2x256xi32, #tpu.memory_space<vmem>>, vector<16xi32>,
    tpu.vector_store %arg8[%swap3A_148, %swap3A_149], %shift_left3A_146 {strides = array<i32>} : memref<2x256xi32, #tpu.memory_space<vmem>>, vector<16xi32>,
    %get3A_151 = arith.constant 144 : index
    %get3A_152 = tpu.vector_load %arg5[%get3A_151] {strides = array<i32>} : memref<25600xi32, #tpu.memory_space<vmem>>, vector<16xi32>,
    %shift_right_logical3A_153 = arith.constant 1 : i32
    %shift_right_logical3A_154 = vector.broadcast %shift_right_logical3A_153 : i32 to vector<16xi32>
    %shift_right_logical3A_155 = arith.shrui %get3A_152, %shift_right_logical3A_154 : vector<16xi32>
    %swap3A_156 = arith.constant 144 : index
    %swap3A_157 = tpu.vector_load %arg6[%swap3A_156] {strides = array<i32>} : memref<256xi32, #tpu.memory_space<vmem>>, vector<16xi32>,
    tpu.vector_store %arg6[%swap3A_156], %shift_right_logical3A_155 {strides = array<i32>} : memref<256xi32, #tpu.memory_space<vmem>>, vector<16xi32>,
    %and3A_158 = arith.constant 1 : i32
    %and3A_159 = vector.broadcast %and3A_158 : i32 to vector<16xi32>
    %and3A_160 = arith.andi %get3A_152, %and3A_159 : vector<16xi32>
    %shift_left3A_161 = arith.constant 6 : i32
    %shift_left3A_162 = vector.broadcast %shift_left3A_161 : i32 to vector<16xi32>
    %shift_left3A_163 = arith.shli %and3A_160, %shift_left3A_162 : vector<16xi32>
    %swap3A_164 = arith.constant 0 : i32
    %swap3A_165 = arith.index_cast %swap3A_164 : i32 to index
    %swap3A_166 = arith.constant 144 : index
    %swap3A_167 = tpu.vector_load %arg8[%swap3A_165, %swap3A_166] {strides = array<i32>} : memref<2x256xi32, #tpu.memory_space<vmem>>, vector<16xi32>,
    tpu.vector_store %arg8[%swap3A_165, %swap3A_166], %shift_left3A_163 {strides = array<i32>} : memref<2x256xi32, #tpu.memory_space<vmem>>, vector<16xi32>,
    %get3A_168 = arith.constant 160 : index
    %get3A_169 = tpu.vector_load %arg5[%get3A_168] {strides = array<i32>} : memref<25600xi32, #tpu.memory_space<vmem>>, vector<16xi32>,
    %shift_right_logical3A_170 = arith.constant 1 : i32
    %shift_right_logical3A_171 = vector.broadcast %shift_right_logical3A_170 : i32 to vector<16xi32>
    %shift_right_logical3A_172 = arith.shrui %get3A_169, %shift_right_logical3A_171 : vector<16xi32>
    %swap3A_173 = arith.constant 160 : index
    %swap3A_174 = tpu.vector_load %arg6[%swap3A_173] {strides = array<i32>} : memref<256xi32, #tpu.memory_space<vmem>>, vector<16xi32>,
    tpu.vector_store %arg6[%swap3A_173], %shift_right_logical3A_172 {strides = array<i32>} : memref<256xi32, #tpu.memory_space<vmem>>, vector<16xi32>,
    %and3A_175 = arith.constant 1 : i32
    %and3A_176 = vector.broadcast %and3A_175 : i32 to vector<16xi32>
    %and3A_177 = arith.andi %get3A_169, %and3A_176 : vector<16xi32>
    %shift_left3A_178 = arith.constant 6 : i32
    %shift_left3A_179 = vector.broadcast %shift_left3A_178 : i32 to vector<16xi32>
    %shift_left3A_180 = arith.shli %and3A_177, %shift_left3A_179 : vector<16xi32>
    %swap3A_181 = arith.constant 0 : i32
    %swap3A_182 = arith.index_cast %swap3A_181 : i32 to index
    %swap3A_183 = arith.constant 160 : index
    %swap3A_184 = tpu.vector_load %arg8[%swap3A_182, %swap3A_183] {strides = array<i32>} : memref<2x256xi32, #tpu.memory_space<vmem>>, vector<16xi32>,
    tpu.vector_store %arg8[%swap3A_182, %swap3A_183], %shift_left3A_180 {strides = array<i32>} : memref<2x256xi32, #tpu.memory_space<vmem>>, vector<16xi32>,
    %get3A_185 = arith.constant 176 : index
    %get3A_186 = tpu.vector_load %arg5[%get3A_185] {strides = array<i32>} : memref<25600xi32, #tpu.memory_space<vmem>>, vector<16xi32>,
    %shift_right_logical3A_187 = arith.constant 1 : i32
    %shift_right_logical3A_188 = vector.broadcast %shift_right_logical3A_187 : i32 to vector<16xi32>
    %shift_right_logical3A_189 = arith.shrui %get3A_186, %shift_right_logical3A_188 : vector<16xi32>
    %swap3A_190 = arith.constant 176 : index
    %swap3A_191 = tpu.vector_load %arg6[%swap3A_190] {strides = array<i32>} : memref<256xi32, #tpu.memory_space<vmem>>, vector<16xi32>,
    tpu.vector_store %arg6[%swap3A_190], %shift_right_logical3A_189 {strides = array<i32>} : memref<256xi32, #tpu.memory_space<vmem>>, vector<16xi32>,
    %and3A_192 = arith.constant 1 : i32
    %and3A_193 = vector.broadcast %and3A_192 : i32 to vector<16xi32>
    %and3A_194 = arith.andi %get3A_186, %and3A_193 : vector<16xi32>
    %shift_left3A_195 = arith.constant 6 : i32
    %shift_left3A_196 = vector.broadcast %shift_left3A_195 : i32 to vector<16xi32>
    %shift_left3A_197 = arith.shli %and3A_194, %shift_left3A_196 : vector<16xi32>
    %swap3A_198 = arith.constant 0 : i32
    %swap3A_199 = arith.index_cast %swap3A_198 : i32 to index
    %swap3A_200 = arith.constant 176 : index
    %swap3A_201 = tpu.vector_load %arg8[%swap3A_199, %swap3A_200] {strides = array<i32>} : memref<2x256xi32, #tpu.memory_space<vmem>>, vector<16xi32>,
    tpu.vector_store %arg8[%swap3A_199, %swap3A_200], %shift_left3A_197 {strides = array<i32>} : memref<2x256xi32, #tpu.memory_space<vmem>>, vector<16xi32>,
    %get3A_202 = arith.constant 192 : index
    %get3A_203 = tpu.vector_load %arg5[%get3A_202] {strides = array<i32>} : memref<25600xi32, #tpu.memory_space<vmem>>, vector<16xi32>,
    %shift_right_logical3A_204 = arith.constant 1 : i32
    %shift_right_logical3A_205 = vector.broadcast %shift_right_logical3A_204 : i32 to vector<16xi32>
    %shift_right_logical3A_206 = arith.shrui %get3A_203, %shift_right_logical3A_205 : vector<16xi32>
    %swap3A_207 = arith.constant 192 : index
    %swap3A_208 = tpu.vector_load %arg6[%swap3A_207] {strides = array<i32>} : memref<256xi32, #tpu.memory_space<vmem>>, vector<16xi32>,
    tpu.vector_store %arg6[%swap3A_207], %shift_right_logical3A_206 {strides = array<i32>} : memref<256xi32, #tpu.memory_space<vmem>>, vector<16xi32>,
    %and3A_209 = arith.constant 1 : i32
    %and3A_210 = vector.broadcast %and3A_209 : i32 to vector<16xi32>
    %and3A_211 = arith.andi %get3A_203, %and3A_210 : vector<16xi32>
    %shift_left3A_212 = arith.constant 6 : i32
    %shift_left3A_213 = vector.broadcast %shift_left3A_212 : i32 to vector<16xi32>
    %shift_left3A_214 = arith.shli %and3A_211, %shift_left3A_213 : vector<16xi32>
    %swap3A_215 = arith.constant 0 : i32
    %swap3A_216 = arith.index_cast %swap3A_215 : i32 to index
    %swap3A_217 = arith.constant 192 : index
    %swap3A_218 = tpu.vector_load %arg8[%swap3A_216, %swap3A_217] {strides = array<i32>} : memref<2x256xi32, #tpu.memory_space<vmem>>, vector<16xi32>,
    tpu.vector_store %arg8[%swap3A_216, %swap3A_217], %shift_left3A_214 {strides = array<i32>} : memref<2x256xi32, #tpu.memory_space<vmem>>, vector<16xi32>,
    %get3A_219 = arith.constant 208 : index
    %get3A_220 = tpu.vector_load %arg5[%get3A_219] {strides = array<i32>} : memref<25600xi32, #tpu.memory_space<vmem>>, vector<16xi32>,
    %shift_right_logical3A_221 = arith.constant 1 : i32
    %shift_right_logical3A_222 = vector.broadcast %shift_right_logical3A_221 : i32 to vector<16xi32>
    %shift_right_logical3A_223 = arith.shrui %get3A_220, %shift_right_logical3A_222 : vector<16xi32>
    %swap3A_224 = arith.constant 208 : index
    %swap3A_225 = tpu.vector_load %arg6[%swap3A_224] {strides = array<i32>} : memref<256xi32, #tpu.memory_space<vmem>>, vector<16xi32>,
    tpu.vector_store %arg6[%swap3A_224], %shift_right_logical3A_223 {strides = array<i32>} : memref<256xi32, #tpu.memory_space<vmem>>, vector<16xi32>,
    %and3A_226 = arith.constant 1 : i32
    %and3A_227 = vector.broadcast %and3A_226 : i32 to vector<16xi32>
    %and3A_228 = arith.andi %get3A_220, %and3A_227 : vector<16xi32>
    %shift_left3A_229 = arith.constant 6 : i32
    %shift_left3A_230 = vector.broadcast %shift_left3A_229 : i32 to vector<16xi32>
    %shift_left3A_231 = arith.shli %and3A_228, %shift_left3A_230 : vector<16xi32>
    %swap3A_232 = arith.constant 0 : i32
    %swap3A_233 = arith.index_cast %swap3A_232 : i32 to index
    %swap3A_234 = arith.constant 208 : index
    %swap3A_235 = tpu.vector_load %arg8[%swap3A_233, %swap3A_234] {strides = array<i32>} : memref<2x256xi32, #tpu.memory_space<vmem>>, vector<16xi32>,
    tpu.vector_store %arg8[%swap3A_233, %swap3A_234], %shift_left3A_231 {strides = array<i32>} : memref<2x256xi32, #tpu.memory_space<vmem>>, vector<16xi32>,
    %get3A_236 = arith.constant 224 : index
    %get3A_237 = tpu.vector_load %arg5[%get3A_236] {strides = array<i32>} : memref<25600xi32, #tpu.memory_space<vmem>>, vector<16xi32>,
    %shift_right_logical3A_238 = arith.constant 1 : i32
    %shift_right_logical3A_239 = vector.broadcast %shift_right_logical3A_238 : i32 to vector<16xi32>
    %shift_right_logical3A_240 = arith.shrui %get3A_237, %shift_right_logical3A_239 : vector<16xi32>
    %swap3A_241 = arith.constant 224 : index
    %swap3A_242 = tpu.vector_load %arg6[%swap3A_241] {strides = array<i32>} : memref<256xi32, #tpu.memory_space<vmem>>, vector<16xi32>,
    tpu.vector_store %arg6[%swap3A_241], %shift_right_logical3A_240 {strides = array<i32>} : memref<256xi32, #tpu.memory_space<vmem>>, vector<16xi32>,
    %and3A_243 = arith.constant 1 : i32
    %and3A_244 = vector.broadcast %and3A_243 : i32 to vector<16xi32>
    %and3A_245 = arith.andi %get3A_237, %and3A_244 : vector<16xi32>
    %shift_left3A_246 = arith.constant 6 : i32
    %shift_left3A_247 = vector.broadcast %shift_left3A_246 : i32 to vector<16xi32>
    %shift_left3A_248 = arith.shli %and3A_245, %shift_left3A_247 : vector<16xi32>
    %swap3A_249 = arith.constant 0 : i32
    %swap3A_250 = arith.index_cast %swap3A_249 : i32 to index
    %swap3A_251 = arith.constant 224 : index
    %swap3A_252 = tpu.vector_load %arg8[%swap3A_250, %swap3A_251] {strides = array<i32>} : memref<2x256xi32, #tpu.memory_space<vmem>>, vector<16xi32>,
    tpu.vector_store %arg8[%swap3A_250, %swap3A_251], %shift_left3A_248 {strides = array<i32>} : memref<2x256xi32, #tpu.memory_space<vmem>>, vector<16xi32>,
    %get3A_253 = arith.constant 240 : index
    %get3A_254 = tpu.vector_load %arg5[%get3A_253] {strides = array<i32>} : memref<25600xi32, #tpu.memory_space<vmem>>, vector<16xi32>,
    %shift_right_logical3A_255 = arith.constant 1 : i32
    %shift_right_logical3A_256 = vector.broadcast %shift_right_logical3A_255 : i32 to vector<16xi32>
    %shift_right_logical3A_257 = arith.shrui %get3A_254, %shift_right_logical3A_256 : vector<16xi32>
    %swap3A_258 = arith.constant 240 : index
    %swap3A_259 = tpu.vector_load %arg6[%swap3A_258] {strides = array<i32>} : memref<256xi32, #tpu.memory_space<vmem>>, vector<16xi32>,
    tpu.vector_store %arg6[%swap3A_258], %shift_right_logical3A_257 {strides = array<i32>} : memref<256xi32, #tpu.memory_space<vmem>>, vector<16xi32>,
    %and3A_260 = arith.constant 1 : i32
    %and3A_261 = vector.broadcast %and3A_260 : i32 to vector<16xi32>
    %and3A_262 = arith.andi %get3A_254, %and3A_261 : vector<16xi32>
    %shift_left3A_263 = arith.constant 6 : i32
    %shift_left3A_264 = vector.broadcast %shift_left3A_263 : i32 to vector<16xi32>
    %shift_left3A_265 = arith.shli %and3A_262, %shift_left3A_264 : vector<16xi32>
    %swap3A_266 = arith.constant 0 : i32
    %swap3A_267 = arith.index_cast %swap3A_266 : i32 to index
    %swap3A_268 = arith.constant 240 : index
    %swap3A_269 = tpu.vector_load %arg8[%swap3A_267, %swap3A_268] {strides = array<i32>} : memref<2x256xi32, #tpu.memory_space<vmem>>, vector<16xi32>,
    tpu.vector_store %arg8[%swap3A_267, %swap3A_268], %shift_left3A_265 {strides = array<i32>} : memref<2x256xi32, #tpu.memory_space<vmem>>, vector<16xi32>,
    %dma_start3A = arith.constant 0 : i32
    %dma_start3A_270 = arith.constant 0 : i32
    %dma_start3A_271 = arith.constant 0 : i32
    %dma_start3A_272 = tpu.memref_slice %arg9[%dma_start3A, %dma_start3A_270, %dma_start3A_271] : memref<2x256x128xf32, #tpu.memory_space<vmem>> -> memref<1x256x128xf32, #tpu.memory_space<vmem>>
    %dma_start3A_273 = tpu.memref_squeeze %dma_start3A_272 : memref<1x256x128xf32, #tpu.memory_space<vmem>> -> memref<256x128xf32, #tpu.memory_space<vmem>>
    %dma_start3A_274 = arith.constant 0 : i32
    %dma_start3A_275 = arith.constant 0 : i32
    %dma_start3A_276 = tpu.memref_slice %arg3[%dma_start3A_274, %dma_start3A_275] : memref<500000x128xf32, #tpu.memory_space<hbm>> -> memref<500000x128xf32, #tpu.memory_space<hbm>>
    tpu.enqueue_indirect_dma source(%dma_start3A_276 : memref<500000x128xf32, #tpu.memory_space<hbm>>) target(%dma_start3A_273 : memref<256x128xf32, #tpu.memory_space<vmem>>) offsets(%arg6 : memref<256xi32, #tpu.memory_space<vmem>>) semaphore(%arg11 : memref<!tpu.dma_semaphore, #tpu.memory_space<semaphore_mem>>)
    %get3A_277 = arith.constant 256 : index
    %get3A_278 = tpu.vector_load %arg5[%get3A_277] {strides = array<i32>} : memref<25600xi32, #tpu.memory_space<vmem>>, vector<16xi32>,
    %shift_right_logical3A_279 = arith.constant 1 : i32
    %shift_right_logical3A_280 = vector.broadcast %shift_right_logical3A_279 : i32 to vector<16xi32>
    %shift_right_logical3A_281 = arith.shrui %get3A_278, %shift_right_logical3A_280 : vector<16xi32>
    %swap3A_282 = arith.constant 0 : index
    %swap3A_283 = tpu.vector_load %arg7[%swap3A_282] {strides = array<i32>} : memref<256xi32, #tpu.memory_space<vmem>>, vector<16xi32>,
    tpu.vector_store %arg7[%swap3A_282], %shift_right_logical3A_281 {strides = array<i32>} : memref<256xi32, #tpu.memory_space<vmem>>, vector<16xi32>,
    %and3A_284 = arith.constant 1 : i32
    %and3A_285 = vector.broadcast %and3A_284 : i32 to vector<16xi32>
    %and3A_286 = arith.andi %get3A_278, %and3A_285 : vector<16xi32>
    %shift_left3A_287 = arith.constant 6 : i32
    %shift_left3A_288 = vector.broadcast %shift_left3A_287 : i32 to vector<16xi32>
    %shift_left3A_289 = arith.shli %and3A_286, %shift_left3A_288 : vector<16xi32>
    %swap3A_290 = arith.constant 1 : i32
    %swap3A_291 = arith.index_cast %swap3A_290 : i32 to index
    %swap3A_292 = arith.constant 0 : index
    %swap3A_293 = tpu.vector_load %arg8[%swap3A_291, %swap3A_292] {strides = array<i32>} : memref<2x256xi32, #tpu.memory_space<vmem>>, vector<16xi32>,
    tpu.vector_store %arg8[%swap3A_291, %swap3A_292], %shift_left3A_289 {strides = array<i32>} : memref<2x256xi32, #tpu.memory_space<vmem>>, vector<16xi32>,
    %get3A_294 = arith.constant 272 : index
    %get3A_295 = tpu.vector_load %arg5[%get3A_294] {strides = array<i32>} : memref<25600xi32, #tpu.memory_space<vmem>>, vector<16xi32>,
    %shift_right_logical3A_296 = arith.constant 1 : i32
    %shift_right_logical3A_297 = vector.broadcast %shift_right_logical3A_296 : i32 to vector<16xi32>
    %shift_right_logical3A_298 = arith.shrui %get3A_295, %shift_right_logical3A_297 : vector<16xi32>
    %swap3A_299 = arith.constant 16 : index
    %swap3A_300 = tpu.vector_load %arg7[%swap3A_299] {strides = array<i32>} : memref<256xi32, #tpu.memory_space<vmem>>, vector<16xi32>,
    tpu.vector_store %arg7[%swap3A_299], %shift_right_logical3A_298 {strides = array<i32>} : memref<256xi32, #tpu.memory_space<vmem>>, vector<16xi32>,
    %and3A_301 = arith.constant 1 : i32
    %and3A_302 = vector.broadcast %and3A_301 : i32 to vector<16xi32>
    %and3A_303 = arith.andi %get3A_295, %and3A_302 : vector<16xi32>
    %shift_left3A_304 = arith.constant 6 : i32
    %shift_left3A_305 = vector.broadcast %shift_left3A_304 : i32 to vector<16xi32>
    %shift_left3A_306 = arith.shli %and3A_303, %shift_left3A_305 : vector<16xi32>
    %swap3A_307 = arith.constant 1 : i32
    %swap3A_308 = arith.index_cast %swap3A_307 : i32 to index
    %swap3A_309 = arith.constant 16 : index
    %swap3A_310 = tpu.vector_load %arg8[%swap3A_308, %swap3A_309] {strides = array<i32>} : memref<2x256xi32, #tpu.memory_space<vmem>>, vector<16xi32>,
    tpu.vector_store %arg8[%swap3A_308, %swap3A_309], %shift_left3A_306 {strides = array<i32>} : memref<2x256xi32, #tpu.memory_space<vmem>>, vector<16xi32>,
    %get3A_311 = arith.constant 288 : index
    %get3A_312 = tpu.vector_load %arg5[%get3A_311] {strides = array<i32>} : memref<25600xi32, #tpu.memory_space<vmem>>, vector<16xi32>,
    %shift_right_logical3A_313 = arith.constant 1 : i32
    %shift_right_logical3A_314 = vector.broadcast %shift_right_logical3A_313 : i32 to vector<16xi32>
    %shift_right_logical3A_315 = arith.shrui %get3A_312, %shift_right_logical3A_314 : vector<16xi32>
    %swap3A_316 = arith.constant 32 : index
    %swap3A_317 = tpu.vector_load %arg7[%swap3A_316] {strides = array<i32>} : memref<256xi32, #tpu.memory_space<vmem>>, vector<16xi32>,
    tpu.vector_store %arg7[%swap3A_316], %shift_right_logical3A_315 {strides = array<i32>} : memref<256xi32, #tpu.memory_space<vmem>>, vector<16xi32>,
    %and3A_318 = arith.constant 1 : i32
    %and3A_319 = vector.broadcast %and3A_318 : i32 to vector<16xi32>
    %and3A_320 = arith.andi %get3A_312, %and3A_319 : vector<16xi32>
    %shift_left3A_321 = arith.constant 6 : i32
    %shift_left3A_322 = vector.broadcast %shift_left3A_321 : i32 to vector<16xi32>
    %shift_left3A_323 = arith.shli %and3A_320, %shift_left3A_322 : vector<16xi32>
    %swap3A_324 = arith.constant 1 : i32
    %swap3A_325 = arith.index_cast %swap3A_324 : i32 to index
    %swap3A_326 = arith.constant 32 : index
    %swap3A_327 = tpu.vector_load %arg8[%swap3A_325, %swap3A_326] {strides = array<i32>} : memref<2x256xi32, #tpu.memory_space<vmem>>, vector<16xi32>,
    tpu.vector_store %arg8[%swap3A_325, %swap3A_326], %shift_left3A_323 {strides = array<i32>} : memref<2x256xi32, #tpu.memory_space<vmem>>, vector<16xi32>,
    %get3A_328 = arith.constant 304 : index
    %get3A_329 = tpu.vector_load %arg5[%get3A_328] {strides = array<i32>} : memref<25600xi32, #tpu.memory_space<vmem>>, vector<16xi32>,
    %shift_right_logical3A_330 = arith.constant 1 : i32
    %shift_right_logical3A_331 = vector.broadcast %shift_right_logical3A_330 : i32 to vector<16xi32>
    %shift_right_logical3A_332 = arith.shrui %get3A_329, %shift_right_logical3A_331 : vector<16xi32>
    %swap3A_333 = arith.constant 48 : index
    %swap3A_334 = tpu.vector_load %arg7[%swap3A_333] {strides = array<i32>} : memref<256xi32, #tpu.memory_space<vmem>>, vector<16xi32>,
    tpu.vector_store %arg7[%swap3A_333], %shift_right_logical3A_332 {strides = array<i32>} : memref<256xi32, #tpu.memory_space<vmem>>, vector<16xi32>,
    %and3A_335 = arith.constant 1 : i32
    %and3A_336 = vector.broadcast %and3A_335 : i32 to vector<16xi32>
    %and3A_337 = arith.andi %get3A_329, %and3A_336 : vector<16xi32>
    %shift_left3A_338 = arith.constant 6 : i32
    %shift_left3A_339 = vector.broadcast %shift_left3A_338 : i32 to vector<16xi32>
    %shift_left3A_340 = arith.shli %and3A_337, %shift_left3A_339 : vector<16xi32>
    %swap3A_341 = arith.constant 1 : i32
    %swap3A_342 = arith.index_cast %swap3A_341 : i32 to index
    %swap3A_343 = arith.constant 48 : index
    %swap3A_344 = tpu.vector_load %arg8[%swap3A_342, %swap3A_343] {strides = array<i32>} : memref<2x256xi32, #tpu.memory_space<vmem>>, vector<16xi32>,
    tpu.vector_store %arg8[%swap3A_342, %swap3A_343], %shift_left3A_340 {strides = array<i32>} : memref<2x256xi32, #tpu.memory_space<vmem>>, vector<16xi32>,
    %get3A_345 = arith.constant 320 : index
    %get3A_346 = tpu.vector_load %arg5[%get3A_345] {strides = array<i32>} : memref<25600xi32, #tpu.memory_space<vmem>>, vector<16xi32>,
    %shift_right_logical3A_347 = arith.constant 1 : i32
    %shift_right_logical3A_348 = vector.broadcast %shift_right_logical3A_347 : i32 to vector<16xi32>
    %shift_right_logical3A_349 = arith.shrui %get3A_346, %shift_right_logical3A_348 : vector<16xi32>
    %swap3A_350 = arith.constant 64 : index
    %swap3A_351 = tpu.vector_load %arg7[%swap3A_350] {strides = array<i32>} : memref<256xi32, #tpu.memory_space<vmem>>, vector<16xi32>,
    tpu.vector_store %arg7[%swap3A_350], %shift_right_logical3A_349 {strides = array<i32>} : memref<256xi32, #tpu.memory_space<vmem>>, vector<16xi32>,
    %and3A_352 = arith.constant 1 : i32
    %and3A_353 = vector.broadcast %and3A_352 : i32 to vector<16xi32>
    %and3A_354 = arith.andi %get3A_346, %and3A_353 : vector<16xi32>
    %shift_left3A_355 = arith.constant 6 : i32
    %shift_left3A_356 = vector.broadcast %shift_left3A_355 : i32 to vector<16xi32>
    %shift_left3A_357 = arith.shli %and3A_354, %shift_left3A_356 : vector<16xi32>
    %swap3A_358 = arith.constant 1 : i32
    %swap3A_359 = arith.index_cast %swap3A_358 : i32 to index
    %swap3A_360 = arith.constant 64 : index
    %swap3A_361 = tpu.vector_load %arg8[%swap3A_359, %swap3A_360] {strides = array<i32>} : memref<2x256xi32, #tpu.memory_space<vmem>>, vector<16xi32>,
    tpu.vector_store %arg8[%swap3A_359, %swap3A_360], %shift_left3A_357 {strides = array<i32>} : memref<2x256xi32, #tpu.memory_space<vmem>>, vector<16xi32>,
    %get3A_362 = arith.constant 336 : index
    %get3A_363 = tpu.vector_load %arg5[%get3A_362] {strides = array<i32>} : memref<25600xi32, #tpu.memory_space<vmem>>, vector<16xi32>,
    %shift_right_logical3A_364 = arith.constant 1 : i32
    %shift_right_logical3A_365 = vector.broadcast %shift_right_logical3A_364 : i32 to vector<16xi32>
    %shift_right_logical3A_366 = arith.shrui %get3A_363, %shift_right_logical3A_365 : vector<16xi32>
    %swap3A_367 = arith.constant 80 : index
    %swap3A_368 = tpu.vector_load %arg7[%swap3A_367] {strides = array<i32>} : memref<256xi32, #tpu.memory_space<vmem>>, vector<16xi32>,
    tpu.vector_store %arg7[%swap3A_367], %shift_right_logical3A_366 {strides = array<i32>} : memref<256xi32, #tpu.memory_space<vmem>>, vector<16xi32>,
    %and3A_369 = arith.constant 1 : i32
    %and3A_370 = vector.broadcast %and3A_369 : i32 to vector<16xi32>
    %and3A_371 = arith.andi %get3A_363, %and3A_370 : vector<16xi32>
    %shift_left3A_372 = arith.constant 6 : i32
    %shift_left3A_373 = vector.broadcast %shift_left3A_372 : i32 to vector<16xi32>
    %shift_left3A_374 = arith.shli %and3A_371, %shift_left3A_373 : vector<16xi32>
    %swap3A_375 = arith.constant 1 : i32
    %swap3A_376 = arith.index_cast %swap3A_375 : i32 to index
    %swap3A_377 = arith.constant 80 : index
    %swap3A_378 = tpu.vector_load %arg8[%swap3A_376, %swap3A_377] {strides = array<i32>} : memref<2x256xi32, #tpu.memory_space<vmem>>, vector<16xi32>,
    tpu.vector_store %arg8[%swap3A_376, %swap3A_377], %shift_left3A_374 {strides = array<i32>} : memref<2x256xi32, #tpu.memory_space<vmem>>, vector<16xi32>,
    %get3A_379 = arith.constant 352 : index
    %get3A_380 = tpu.vector_load %arg5[%get3A_379] {strides = array<i32>} : memref<25600xi32, #tpu.memory_space<vmem>>, vector<16xi32>,
    %shift_right_logical3A_381 = arith.constant 1 : i32
    %shift_right_logical3A_382 = vector.broadcast %shift_right_logical3A_381 : i32 to vector<16xi32>
    %shift_right_logical3A_383 = arith.shrui %get3A_380, %shift_right_logical3A_382 : vector<16xi32>
    %swap3A_384 = arith.constant 96 : index
    %swap3A_385 = tpu.vector_load %arg7[%swap3A_384] {strides = array<i32>} : memref<256xi32, #tpu.memory_space<vmem>>, vector<16xi32>,
    tpu.vector_store %arg7[%swap3A_384], %shift_right_logical3A_383 {strides = array<i32>} : memref<256xi32, #tpu.memory_space<vmem>>, vector<16xi32>,
    %and3A_386 = arith.constant 1 : i32
    %and3A_387 = vector.broadcast %and3A_386 : i32 to vector<16xi32>
    %and3A_388 = arith.andi %get3A_380, %and3A_387 : vector<16xi32>
    %shift_left3A_389 = arith.constant 6 : i32
    %shift_left3A_390 = vector.broadcast %shift_left3A_389 : i32 to vector<16xi32>
    %shift_left3A_391 = arith.shli %and3A_388, %shift_left3A_390 : vector<16xi32>
    %swap3A_392 = arith.constant 1 : i32
    %swap3A_393 = arith.index_cast %swap3A_392 : i32 to index
    %swap3A_394 = arith.constant 96 : index
    %swap3A_395 = tpu.vector_load %arg8[%swap3A_393, %swap3A_394] {strides = array<i32>} : memref<2x256xi32, #tpu.memory_space<vmem>>, vector<16xi32>,
    tpu.vector_store %arg8[%swap3A_393, %swap3A_394], %shift_left3A_391 {strides = array<i32>} : memref<2x256xi32, #tpu.memory_space<vmem>>, vector<16xi32>,
    %get3A_396 = arith.constant 368 : index
    %get3A_397 = tpu.vector_load %arg5[%get3A_396] {strides = array<i32>} : memref<25600xi32, #tpu.memory_space<vmem>>, vector<16xi32>,
    %shift_right_logical3A_398 = arith.constant 1 : i32
    %shift_right_logical3A_399 = vector.broadcast %shift_right_logical3A_398 : i32 to vector<16xi32>
    %shift_right_logical3A_400 = arith.shrui %get3A_397, %shift_right_logical3A_399 : vector<16xi32>
    %swap3A_401 = arith.constant 112 : index
    %swap3A_402 = tpu.vector_load %arg7[%swap3A_401] {strides = array<i32>} : memref<256xi32, #tpu.memory_space<vmem>>, vector<16xi32>,
    tpu.vector_store %arg7[%swap3A_401], %shift_right_logical3A_400 {strides = array<i32>} : memref<256xi32, #tpu.memory_space<vmem>>, vector<16xi32>,
    %and3A_403 = arith.constant 1 : i32
    %and3A_404 = vector.broadcast %and3A_403 : i32 to vector<16xi32>
    %and3A_405 = arith.andi %get3A_397, %and3A_404 : vector<16xi32>
    %shift_left3A_406 = arith.constant 6 : i32
    %shift_left3A_407 = vector.broadcast %shift_left3A_406 : i32 to vector<16xi32>
    %shift_left3A_408 = arith.shli %and3A_405, %shift_left3A_407 : vector<16xi32>
    %swap3A_409 = arith.constant 1 : i32
    %swap3A_410 = arith.index_cast %swap3A_409 : i32 to index
    %swap3A_411 = arith.constant 112 : index
    %swap3A_412 = tpu.vector_load %arg8[%swap3A_410, %swap3A_411] {strides = array<i32>} : memref<2x256xi32, #tpu.memory_space<vmem>>, vector<16xi32>,
    tpu.vector_store %arg8[%swap3A_410, %swap3A_411], %shift_left3A_408 {strides = array<i32>} : memref<2x256xi32, #tpu.memory_space<vmem>>, vector<16xi32>,
    %get3A_413 = arith.constant 384 : index
    %get3A_414 = tpu.vector_load %arg5[%get3A_413] {strides = array<i32>} : memref<25600xi32, #tpu.memory_space<vmem>>, vector<16xi32>,
    %shift_right_logical3A_415 = arith.constant 1 : i32
    %shift_right_logical3A_416 = vector.broadcast %shift_right_logical3A_415 : i32 to vector<16xi32>
    %shift_right_logical3A_417 = arith.shrui %get3A_414, %shift_right_logical3A_416 : vector<16xi32>
    %swap3A_418 = arith.constant 128 : index
    %swap3A_419 = tpu.vector_load %arg7[%swap3A_418] {strides = array<i32>} : memref<256xi32, #tpu.memory_space<vmem>>, vector<16xi32>,
    tpu.vector_store %arg7[%swap3A_418], %shift_right_logical3A_417 {strides = array<i32>} : memref<256xi32, #tpu.memory_space<vmem>>, vector<16xi32>,
    %and3A_420 = arith.constant 1 : i32
    %and3A_421 = vector.broadcast %and3A_420 : i32 to vector<16xi32>
    %and3A_422 = arith.andi %get3A_414, %and3A_421 : vector<16xi32>
    %shift_left3A_423 = arith.constant 6 : i32
    %shift_left3A_424 = vector.broadcast %shift_left3A_423 : i32 to vector<16xi32>
    %shift_left3A_425 = arith.shli %and3A_422, %shift_left3A_424 : vector<16xi32>
    %swap3A_426 = arith.constant 1 : i32
    %swap3A_427 = arith.index_cast %swap3A_426 : i32 to index
    %swap3A_428 = arith.constant 128 : index
    %swap3A_429 = tpu.vector_load %arg8[%swap3A_427, %swap3A_428] {strides = array<i32>} : memref<2x256xi32, #tpu.memory_space<vmem>>, vector<16xi32>,
    tpu.vector_store %arg8[%swap3A_427, %swap3A_428], %shift_left3A_425 {strides = array<i32>} : memref<2x256xi32, #tpu.memory_space<vmem>>, vector<16xi32>,
    %get3A_430 = arith.constant 400 : index
    %get3A_431 = tpu.vector_load %arg5[%get3A_430] {strides = array<i32>} : memref<25600xi32, #tpu.memory_space<vmem>>, vector<16xi32>,
    %shift_right_logical3A_432 = arith.constant 1 : i32
    %shift_right_logical3A_433 = vector.broadcast %shift_right_logical3A_432 : i32 to vector<16xi32>
    %shift_right_logical3A_434 = arith.shrui %get3A_431, %shift_right_logical3A_433 : vector<16xi32>
    %swap3A_435 = arith.constant 144 : index
    %swap3A_436 = tpu.vector_load %arg7[%swap3A_435] {strides = array<i32>} : memref<256xi32, #tpu.memory_space<vmem>>, vector<16xi32>,
    tpu.vector_store %arg7[%swap3A_435], %shift_right_logical3A_434 {strides = array<i32>} : memref<256xi32, #tpu.memory_space<vmem>>, vector<16xi32>,
    %and3A_437 = arith.constant 1 : i32
    %and3A_438 = vector.broadcast %and3A_437 : i32 to vector<16xi32>
    %and3A_439 = arith.andi %get3A_431, %and3A_438 : vector<16xi32>
    %shift_left3A_440 = arith.constant 6 : i32
    %shift_left3A_441 = vector.broadcast %shift_left3A_440 : i32 to vector<16xi32>
    %shift_left3A_442 = arith.shli %and3A_439, %shift_left3A_441 : vector<16xi32>
    %swap3A_443 = arith.constant 1 : i32
    %swap3A_444 = arith.index_cast %swap3A_443 : i32 to index
    %swap3A_445 = arith.constant 144 : index
    %swap3A_446 = tpu.vector_load %arg8[%swap3A_444, %swap3A_445] {strides = array<i32>} : memref<2x256xi32, #tpu.memory_space<vmem>>, vector<16xi32>,
    tpu.vector_store %arg8[%swap3A_444, %swap3A_445], %shift_left3A_442 {strides = array<i32>} : memref<2x256xi32, #tpu.memory_space<vmem>>, vector<16xi32>,
    %get3A_447 = arith.constant 416 : index
    %get3A_448 = tpu.vector_load %arg5[%get3A_447] {strides = array<i32>} : memref<25600xi32, #tpu.memory_space<vmem>>, vector<16xi32>,
    %shift_right_logical3A_449 = arith.constant 1 : i32
    %shift_right_logical3A_450 = vector.broadcast %shift_right_logical3A_449 : i32 to vector<16xi32>
    %shift_right_logical3A_451 = arith.shrui %get3A_448, %shift_right_logical3A_450 : vector<16xi32>
    %swap3A_452 = arith.constant 160 : index
    %swap3A_453 = tpu.vector_load %arg7[%swap3A_452] {strides = array<i32>} : memref<256xi32, #tpu.memory_space<vmem>>, vector<16xi32>,
    tpu.vector_store %arg7[%swap3A_452], %shift_right_logical3A_451 {strides = array<i32>} : memref<256xi32, #tpu.memory_space<vmem>>, vector<16xi32>,
    %and3A_454 = arith.constant 1 : i32
    %and3A_455 = vector.broadcast %and3A_454 : i32 to vector<16xi32>
    %and3A_456 = arith.andi %get3A_448, %and3A_455 : vector<16xi32>
    %shift_left3A_457 = arith.constant 6 : i32
    %shift_left3A_458 = vector.broadcast %shift_left3A_457 : i32 to vector<16xi32>
    %shift_left3A_459 = arith.shli %and3A_456, %shift_left3A_458 : vector<16xi32>
    %swap3A_460 = arith.constant 1 : i32
    %swap3A_461 = arith.index_cast %swap3A_460 : i32 to index
    %swap3A_462 = arith.constant 160 : index
    %swap3A_463 = tpu.vector_load %arg8[%swap3A_461, %swap3A_462] {strides = array<i32>} : memref<2x256xi32, #tpu.memory_space<vmem>>, vector<16xi32>,
    tpu.vector_store %arg8[%swap3A_461, %swap3A_462], %shift_left3A_459 {strides = array<i32>} : memref<2x256xi32, #tpu.memory_space<vmem>>, vector<16xi32>,
    %get3A_464 = arith.constant 432 : index
    %get3A_465 = tpu.vector_load %arg5[%get3A_464] {strides = array<i32>} : memref<25600xi32, #tpu.memory_space<vmem>>, vector<16xi32>,
    %shift_right_logical3A_466 = arith.constant 1 : i32
    %shift_right_logical3A_467 = vector.broadcast %shift_right_logical3A_466 : i32 to vector<16xi32>
    %shift_right_logical3A_468 = arith.shrui %get3A_465, %shift_right_logical3A_467 : vector<16xi32>
    %swap3A_469 = arith.constant 176 : index
    %swap3A_470 = tpu.vector_load %arg7[%swap3A_469] {strides = array<i32>} : memref<256xi32, #tpu.memory_space<vmem>>, vector<16xi32>,
    tpu.vector_store %arg7[%swap3A_469], %shift_right_logical3A_468 {strides = array<i32>} : memref<256xi32, #tpu.memory_space<vmem>>, vector<16xi32>,
    %and3A_471 = arith.constant 1 : i32
    %and3A_472 = vector.broadcast %and3A_471 : i32 to vector<16xi32>
    %and3A_473 = arith.andi %get3A_465, %and3A_472 : vector<16xi32>
    %shift_left3A_474 = arith.constant 6 : i32
    %shift_left3A_475 = vector.broadcast %shift_left3A_474 : i32 to vector<16xi32>
    %shift_left3A_476 = arith.shli %and3A_473, %shift_left3A_475 : vector<16xi32>
    %swap3A_477 = arith.constant 1 : i32
    %swap3A_478 = arith.index_cast %swap3A_477 : i32 to index
    %swap3A_479 = arith.constant 176 : index
    %swap3A_480 = tpu.vector_load %arg8[%swap3A_478, %swap3A_479] {strides = array<i32>} : memref<2x256xi32, #tpu.memory_space<vmem>>, vector<16xi32>,
    tpu.vector_store %arg8[%swap3A_478, %swap3A_479], %shift_left3A_476 {strides = array<i32>} : memref<2x256xi32, #tpu.memory_space<vmem>>, vector<16xi32>,
    %get3A_481 = arith.constant 448 : index
    %get3A_482 = tpu.vector_load %arg5[%get3A_481] {strides = array<i32>} : memref<25600xi32, #tpu.memory_space<vmem>>, vector<16xi32>,
    %shift_right_logical3A_483 = arith.constant 1 : i32
    %shift_right_logical3A_484 = vector.broadcast %shift_right_logical3A_483 : i32 to vector<16xi32>
    %shift_right_logical3A_485 = arith.shrui %get3A_482, %shift_right_logical3A_484 : vector<16xi32>
    %swap3A_486 = arith.constant 192 : index
    %swap3A_487 = tpu.vector_load %arg7[%swap3A_486] {strides = array<i32>} : memref<256xi32, #tpu.memory_space<vmem>>, vector<16xi32>,
    tpu.vector_store %arg7[%swap3A_486], %shift_right_logical3A_485 {strides = array<i32>} : memref<256xi32, #tpu.memory_space<vmem>>, vector<16xi32>,
    %and3A_488 = arith.constant 1 : i32
    %and3A_489 = vector.broadcast %and3A_488 : i32 to vector<16xi32>
    %and3A_490 = arith.andi %get3A_482, %and3A_489 : vector<16xi32>
    %shift_left3A_491 = arith.constant 6 : i32
    %shift_left3A_492 = vector.broadcast %shift_left3A_491 : i32 to vector<16xi32>
    %shift_left3A_493 = arith.shli %and3A_490, %shift_left3A_492 : vector<16xi32>
    %swap3A_494 = arith.constant 1 : i32
    %swap3A_495 = arith.index_cast %swap3A_494 : i32 to index
    %swap3A_496 = arith.constant 192 : index
    %swap3A_497 = tpu.vector_load %arg8[%swap3A_495, %swap3A_496] {strides = array<i32>} : memref<2x256xi32, #tpu.memory_space<vmem>>, vector<16xi32>,
    tpu.vector_store %arg8[%swap3A_495, %swap3A_496], %shift_left3A_493 {strides = array<i32>} : memref<2x256xi32, #tpu.memory_space<vmem>>, vector<16xi32>,
    %get3A_498 = arith.constant 464 : index
    %get3A_499 = tpu.vector_load %arg5[%get3A_498] {strides = array<i32>} : memref<25600xi32, #tpu.memory_space<vmem>>, vector<16xi32>,
    %shift_right_logical3A_500 = arith.constant 1 : i32
    %shift_right_logical3A_501 = vector.broadcast %shift_right_logical3A_500 : i32 to vector<16xi32>
    %shift_right_logical3A_502 = arith.shrui %get3A_499, %shift_right_logical3A_501 : vector<16xi32>
    %swap3A_503 = arith.constant 208 : index
    %swap3A_504 = tpu.vector_load %arg7[%swap3A_503] {strides = array<i32>} : memref<256xi32, #tpu.memory_space<vmem>>, vector<16xi32>,
    tpu.vector_store %arg7[%swap3A_503], %shift_right_logical3A_502 {strides = array<i32>} : memref<256xi32, #tpu.memory_space<vmem>>, vector<16xi32>,
    %and3A_505 = arith.constant 1 : i32
    %and3A_506 = vector.broadcast %and3A_505 : i32 to vector<16xi32>
    %and3A_507 = arith.andi %get3A_499, %and3A_506 : vector<16xi32>
    %shift_left3A_508 = arith.constant 6 : i32
    %shift_left3A_509 = vector.broadcast %shift_left3A_508 : i32 to vector<16xi32>
    %shift_left3A_510 = arith.shli %and3A_507, %shift_left3A_509 : vector<16xi32>
    %swap3A_511 = arith.constant 1 : i32
    %swap3A_512 = arith.index_cast %swap3A_511 : i32 to index
    %swap3A_513 = arith.constant 208 : index
    %swap3A_514 = tpu.vector_load %arg8[%swap3A_512, %swap3A_513] {strides = array<i32>} : memref<2x256xi32, #tpu.memory_space<vmem>>, vector<16xi32>,
    tpu.vector_store %arg8[%swap3A_512, %swap3A_513], %shift_left3A_510 {strides = array<i32>} : memref<2x256xi32, #tpu.memory_space<vmem>>, vector<16xi32>,
    %get3A_515 = arith.constant 480 : index
    %get3A_516 = tpu.vector_load %arg5[%get3A_515] {strides = array<i32>} : memref<25600xi32, #tpu.memory_space<vmem>>, vector<16xi32>,
    %shift_right_logical3A_517 = arith.constant 1 : i32
    %shift_right_logical3A_518 = vector.broadcast %shift_right_logical3A_517 : i32 to vector<16xi32>
    %shift_right_logical3A_519 = arith.shrui %get3A_516, %shift_right_logical3A_518 : vector<16xi32>
    %swap3A_520 = arith.constant 224 : index
    %swap3A_521 = tpu.vector_load %arg7[%swap3A_520] {strides = array<i32>} : memref<256xi32, #tpu.memory_space<vmem>>, vector<16xi32>,
    tpu.vector_store %arg7[%swap3A_520], %shift_right_logical3A_519 {strides = array<i32>} : memref<256xi32, #tpu.memory_space<vmem>>, vector<16xi32>,
    %and3A_522 = arith.constant 1 : i32
    %and3A_523 = vector.broadcast %and3A_522 : i32 to vector<16xi32>
    %and3A_524 = arith.andi %get3A_516, %and3A_523 : vector<16xi32>
    %shift_left3A_525 = arith.constant 6 : i32
    %shift_left3A_526 = vector.broadcast %shift_left3A_525 : i32 to vector<16xi32>
    %shift_left3A_527 = arith.shli %and3A_524, %shift_left3A_526 : vector<16xi32>
    %swap3A_528 = arith.constant 1 : i32
    %swap3A_529 = arith.index_cast %swap3A_528 : i32 to index
    %swap3A_530 = arith.constant 224 : index
    %swap3A_531 = tpu.vector_load %arg8[%swap3A_529, %swap3A_530] {strides = array<i32>} : memref<2x256xi32, #tpu.memory_space<vmem>>, vector<16xi32>,
    tpu.vector_store %arg8[%swap3A_529, %swap3A_530], %shift_left3A_527 {strides = array<i32>} : memref<2x256xi32, #tpu.memory_space<vmem>>, vector<16xi32>,
    %get3A_532 = arith.constant 496 : index
    %get3A_533 = tpu.vector_load %arg5[%get3A_532] {strides = array<i32>} : memref<25600xi32, #tpu.memory_space<vmem>>, vector<16xi32>,
    %shift_right_logical3A_534 = arith.constant 1 : i32
    %shift_right_logical3A_535 = vector.broadcast %shift_right_logical3A_534 : i32 to vector<16xi32>
    %shift_right_logical3A_536 = arith.shrui %get3A_533, %shift_right_logical3A_535 : vector<16xi32>
    %swap3A_537 = arith.constant 240 : index
    %swap3A_538 = tpu.vector_load %arg7[%swap3A_537] {strides = array<i32>} : memref<256xi32, #tpu.memory_space<vmem>>, vector<16xi32>,
    tpu.vector_store %arg7[%swap3A_537], %shift_right_logical3A_536 {strides = array<i32>} : memref<256xi32, #tpu.memory_space<vmem>>, vector<16xi32>,
    %and3A_539 = arith.constant 1 : i32
    %and3A_540 = vector.broadcast %and3A_539 : i32 to vector<16xi32>
    %and3A_541 = arith.andi %get3A_533, %and3A_540 : vector<16xi32>
    %shift_left3A_542 = arith.constant 6 : i32
    %shift_left3A_543 = vector.broadcast %shift_left3A_542 : i32 to vector<16xi32>
    %shift_left3A_544 = arith.shli %and3A_541, %shift_left3A_543 : vector<16xi32>
    %swap3A_545 = arith.constant 1 : i32
    %swap3A_546 = arith.index_cast %swap3A_545 : i32 to index
    %swap3A_547 = arith.constant 240 : index
    %swap3A_548 = tpu.vector_load %arg8[%swap3A_546, %swap3A_547] {strides = array<i32>} : memref<2x256xi32, #tpu.memory_space<vmem>>, vector<16xi32>,
    tpu.vector_store %arg8[%swap3A_546, %swap3A_547], %shift_left3A_544 {strides = array<i32>} : memref<2x256xi32, #tpu.memory_space<vmem>>, vector<16xi32>,
    %scan3A = arith.constant 0 : i32
    %scan3A_549 = arith.constant 0 : i32
    %scan3A_550 = arith.constant 100 : i32
    %scan3A_551 = arith.addi %scan3A_549, %scan3A_550 : i32
    %scan3A_552 = arith.constant 1 : i32
    scf.for %scan3A_559 = %scan3A_549 to %scan3A_551 step %scan3A_552  : i32 {
      %rem3A = arith.constant 2 : i32
      %rem3A_560 = arith.remsi %scan3A_559, %rem3A : i32
      %add3A_561 = arith.constant 1 : i32
      %add3A_562 = arith.addi %scan3A_559, %add3A_561 : i32
      %lt3A = arith.constant 100 : i32
      %lt3A_563 = arith.cmpi slt, %add3A_562, %lt3A : i32
      %convert_element_type3A = arith.extui %lt3A_563 : i1 to i32
      %cond3A = arith.constant 0 : i32
      %cond3A_564 = arith.cmpi ne, %convert_element_type3A, %cond3A : i32
      scf.if %cond3A_564 {
        %sub3A = arith.constant 1 : i32
        %sub3A_597 = arith.subi %sub3A, %rem3A_560 : i32
        %eq3A = arith.constant 0 : i32
        %eq3A_598 = arith.cmpi eq, %sub3A_597, %eq3A : i32
        %convert_element_type3A_599 = arith.extui %eq3A_598 : i1 to i32
        %cond3A_600 = arith.constant 0 : i32
        %cond3A_601 = arith.cmpi ne, %convert_element_type3A_599, %cond3A_600 : i32
        scf.if %cond3A_601 {
          %dma_start3A_606 = arith.constant 0 : i32
          %dma_start3A_607 = arith.constant 0 : i32
          %dma_start3A_608 = arith.constant 0 : i32
          %dma_start3A_609 = tpu.memref_slice %arg9[%dma_start3A_606, %dma_start3A_607, %dma_start3A_608] : memref<2x256x128xf32, #tpu.memory_space<vmem>> -> memref<1x256x128xf32, #tpu.memory_space<vmem>>
          %dma_start3A_610 = tpu.memref_squeeze %dma_start3A_609 : memref<1x256x128xf32, #tpu.memory_space<vmem>> -> memref<256x128xf32, #tpu.memory_space<vmem>>
          %dma_start3A_611 = arith.constant 0 : i32
          %dma_start3A_612 = arith.constant 0 : i32
          %dma_start3A_613 = tpu.memref_slice %arg3[%dma_start3A_611, %dma_start3A_612] : memref<500000x128xf32, #tpu.memory_space<hbm>> -> memref<500000x128xf32, #tpu.memory_space<hbm>>
          tpu.enqueue_indirect_dma source(%dma_start3A_613 : memref<500000x128xf32, #tpu.memory_space<hbm>>) target(%dma_start3A_610 : memref<256x128xf32, #tpu.memory_space<vmem>>) offsets(%arg6 : memref<256xi32, #tpu.memory_space<vmem>>) semaphore(%arg11 : memref<!tpu.dma_semaphore, #tpu.memory_space<semaphore_mem>>)
        } else {
        }
        %ne3A = arith.constant 0 : i32
        %ne3A_602 = arith.cmpi ne, %sub3A_597, %ne3A : i32
        %convert_element_type3A_603 = arith.extui %ne3A_602 : i1 to i32
        %cond3A_604 = arith.constant 0 : i32
        %cond3A_605 = arith.cmpi ne, %convert_element_type3A_603, %cond3A_604 : i32
        scf.if %cond3A_605 {
          %dma_start3A_606 = arith.constant 1 : i32
          %dma_start3A_607 = arith.constant 0 : i32
          %dma_start3A_608 = arith.constant 0 : i32
          %dma_start3A_609 = tpu.memref_slice %arg9[%dma_start3A_606, %dma_start3A_607, %dma_start3A_608] : memref<2x256x128xf32, #tpu.memory_space<vmem>> -> memref<1x256x128xf32, #tpu.memory_space<vmem>>
          %dma_start3A_610 = tpu.memref_squeeze %dma_start3A_609 : memref<1x256x128xf32, #tpu.memory_space<vmem>> -> memref<256x128xf32, #tpu.memory_space<vmem>>
          %dma_start3A_611 = arith.constant 0 : i32
          %dma_start3A_612 = arith.constant 0 : i32
          %dma_start3A_613 = tpu.memref_slice %arg3[%dma_start3A_611, %dma_start3A_612] : memref<500000x128xf32, #tpu.memory_space<hbm>> -> memref<500000x128xf32, #tpu.memory_space<hbm>>
          tpu.enqueue_indirect_dma source(%dma_start3A_613 : memref<500000x128xf32, #tpu.memory_space<hbm>>) target(%dma_start3A_610 : memref<256x128xf32, #tpu.memory_space<vmem>>) offsets(%arg7 : memref<256xi32, #tpu.memory_space<vmem>>) semaphore(%arg11 : memref<!tpu.dma_semaphore, #tpu.memory_space<semaphore_mem>>)
        } else {
        }
      } else {
      }
      %dma_wait3A_565 = arith.constant 0 : i32
      %dma_wait3A_566 = arith.constant 0 : i32
      %dma_wait3A_567 = arith.constant 0 : i32
      %dma_wait3A_568 = tpu.memref_slice %arg9[%dma_wait3A_565, %dma_wait3A_566, %dma_wait3A_567] : memref<2x256x128xf32, #tpu.memory_space<vmem>> -> memref<1x256x128xf32, #tpu.memory_space<vmem>>
      %dma_wait3A_569 = tpu.memref_squeeze %dma_wait3A_568 : memref<1x256x128xf32, #tpu.memory_space<vmem>> -> memref<256x128xf32, #tpu.memory_space<vmem>>
      %dma_wait3A_570 = arith.constant 0 : i32
      %dma_wait3A_571 = arith.constant 0 : i32
      %dma_wait3A_572 = tpu.memref_slice %arg3[%dma_wait3A_570, %dma_wait3A_571] : memref<500000x128xf32, #tpu.memory_space<hbm>> -> memref<500000x128xf32, #tpu.memory_space<hbm>>
      tpu.wait_indirect_dma semaphore(%arg11 : memref<!tpu.dma_semaphore, #tpu.memory_space<semaphore_mem>>) src(%dma_wait3A_572 : memref<500000x128xf32, #tpu.memory_space<hbm>>) dst(%dma_wait3A_569 : memref<256x128xf32, #tpu.memory_space<vmem>>)
      %ge3A = arith.constant 1 : i32
      %ge3A_573 = arith.cmpi sge, %scan3A_559, %ge3A : i32
      %convert_element_type3A_574 = arith.extui %ge3A_573 : i1 to i32
      %cond3A_575 = arith.constant 0 : i32
      %cond3A_576 = arith.cmpi ne, %convert_element_type3A_574, %cond3A_575 : i32
      scf.if %cond3A_576 {
        %dma_wait3A_597 = arith.constant 0 : i32
        %dma_wait3A_598 = arith.constant 0 : i32
        %dma_wait3A_599 = tpu.memref_slice %arg4[%dma_wait3A_597, %dma_wait3A_598] : memref<819200x64xf32, #tpu.memory_space<hbm>> -> memref<256x64xf32, #tpu.memory_space<hbm>>
        %dma_wait3A_600 = arith.constant 0 : i32
        %dma_wait3A_601 = arith.constant 0 : i32
        %dma_wait3A_602 = tpu.memref_slice %arg4[%dma_wait3A_600, %dma_wait3A_601] : memref<819200x64xf32, #tpu.memory_space<hbm>> -> memref<256x64xf32, #tpu.memory_space<hbm>>
        tpu.wait_dma2 semaphore(%arg12 : memref<!tpu.dma_semaphore, #tpu.memory_space<semaphore_mem>>) src(%arg10 : memref<256x64xf32, #tpu.memory_space<vmem>>) dst(%dma_wait3A_602 : memref<256x64xf32, #tpu.memory_space<hbm>>)
      } else {
      }
      %scan3A_577 = arith.constant 0 : i32
      %scan3A_578 = arith.constant 0 : i32
      %scan3A_579 = arith.constant 16 : i32
      %scan3A_580 = arith.addi %scan3A_578, %scan3A_579 : i32
      %scan3A_581 = arith.constant 1 : i32
      scf.for %scan3A_597 = %scan3A_578 to %scan3A_580 step %scan3A_581  : i32 {
        %mul3A_598 = arith.constant 16 : i32
        %mul3A_599 = arith.muli %mul3A_598, %scan3A_597 : i32
        %get3A_600 = arith.index_cast %rem3A_560 : i32 to index
        %get3A_601 = arith.index_cast %mul3A_599 : i32 to index
        %get3A_602 = tpu.vector_load %arg8[%get3A_600, %get3A_601] {strides = array<i32>} : memref<2x256xi32, #tpu.memory_space<vmem>>, vector<16xi32>,
        %mul3A_603 = arith.constant 16 : i32
        %mul3A_604 = arith.muli %mul3A_603, %scan3A_597 : i32
        %add3A_605 = arith.constant 0 : i32
        %add3A_606 = arith.addi %mul3A_604, %add3A_605 : i32
        %slice3A = vector.extract_strided_slice %get3A_602 {offsets = [0], sizes = [1], strides = [1]} : vector<16xi32> to vector<1xi32>
        %squeeze3A = vector.extract %slice3A[0] : i32 from vector<1xi32>
        %get3A_607 = arith.index_cast %rem3A_560 : i32 to index
        %get3A_608 = arith.index_cast %add3A_606 : i32 to index
        %get3A_609 = arith.constant 0 : index
        %get3A_610 = tpu.vector_load %arg9[%get3A_607, %get3A_608, %get3A_609] {strides = array<i32>} : memref<2x256x128xf32, #tpu.memory_space<vmem>>, vector<16xf32>,
        %get3A_611 = arith.index_cast %rem3A_560 : i32 to index
        %get3A_612 = arith.index_cast %add3A_606 : i32 to index
        %get3A_613 = arith.constant 64 : index
        %get3A_614 = tpu.vector_load %arg9[%get3A_611, %get3A_612, %get3A_613] {strides = array<i32>} : memref<2x256x128xf32, #tpu.memory_space<vmem>>, vector<16xf32>,
        %ne3A = arith.constant 0 : i32
        %ne3A_615 = arith.cmpi ne, %squeeze3A, %ne3A : i32
        %select_n3A = arith.select %ne3A_615, %get3A_614, %get3A_610 : vector<16xf32>
        %swap3A_616 = arith.index_cast %add3A_606 : i32 to index
        %swap3A_617 = arith.constant 0 : index
        %swap3A_618 = tpu.vector_load %arg10[%swap3A_616, %swap3A_617] {strides = array<i32>} : memref<256x64xf32, #tpu.memory_space<vmem>>, vector<16xf32>,
        tpu.vector_store %arg10[%swap3A_616, %swap3A_617], %select_n3A {strides = array<i32>} : memref<256x64xf32, #tpu.memory_space<vmem>>, vector<16xf32>,
        %get3A_619 = arith.index_cast %rem3A_560 : i32 to index
        %get3A_620 = arith.index_cast %add3A_606 : i32 to index
        %get3A_621 = arith.constant 16 : index
        %get3A_622 = tpu.vector_load %arg9[%get3A_619, %get3A_620, %get3A_621] {strides = array<i32>} : memref<2x256x128xf32, #tpu.memory_space<vmem>>, vector<16xf32>,
        %get3A_623 = arith.index_cast %rem3A_560 : i32 to index
        %get3A_624 = arith.index_cast %add3A_606 : i32 to index
        %get3A_625 = arith.constant 80 : index
        %get3A_626 = tpu.vector_load %arg9[%get3A_623, %get3A_624, %get3A_625] {strides = array<i32>} : memref<2x256x128xf32, #tpu.memory_space<vmem>>, vector<16xf32>,
        %ne3A_627 = arith.constant 0 : i32
        %ne3A_628 = arith.cmpi ne, %squeeze3A, %ne3A_627 : i32
        %select_n3A_629 = arith.select %ne3A_628, %get3A_626, %get3A_622 : vector<16xf32>
        %swap3A_630 = arith.index_cast %add3A_606 : i32 to index
        %swap3A_631 = arith.constant 16 : index
        %swap3A_632 = tpu.vector_load %arg10[%swap3A_630, %swap3A_631] {strides = array<i32>} : memref<256x64xf32, #tpu.memory_space<vmem>>, vector<16xf32>,
        tpu.vector_store %arg10[%swap3A_630, %swap3A_631], %select_n3A_629 {strides = array<i32>} : memref<256x64xf32, #tpu.memory_space<vmem>>, vector<16xf32>,
        %get3A_633 = arith.index_cast %rem3A_560 : i32 to index
        %get3A_634 = arith.index_cast %add3A_606 : i32 to index
        %get3A_635 = arith.constant 32 : index
        %get3A_636 = tpu.vector_load %arg9[%get3A_633, %get3A_634, %get3A_635] {strides = array<i32>} : memref<2x256x128xf32, #tpu.memory_space<vmem>>, vector<16xf32>,
        %get3A_637 = arith.index_cast %rem3A_560 : i32 to index
        %get3A_638 = arith.index_cast %add3A_606 : i32 to index
        %get3A_639 = arith.constant 96 : index
        %get3A_640 = tpu.vector_load %arg9[%get3A_637, %get3A_638, %get3A_639] {strides = array<i32>} : memref<2x256x128xf32, #tpu.memory_space<vmem>>, vector<16xf32>,
        %ne3A_641 = arith.constant 0 : i32
        %ne3A_642 = arith.cmpi ne, %squeeze3A, %ne3A_641 : i32
        %select_n3A_643 = arith.select %ne3A_642, %get3A_640, %get3A_636 : vector<16xf32>
        %swap3A_644 = arith.index_cast %add3A_606 : i32 to index
        %swap3A_645 = arith.constant 32 : index
        %swap3A_646 = tpu.vector_load %arg10[%swap3A_644, %swap3A_645] {strides = array<i32>} : memref<256x64xf32, #tpu.memory_space<vmem>>, vector<16xf32>,
        tpu.vector_store %arg10[%swap3A_644, %swap3A_645], %select_n3A_643 {strides = array<i32>} : memref<256x64xf32, #tpu.memory_space<vmem>>, vector<16xf32>,
        %get3A_647 = arith.index_cast %rem3A_560 : i32 to index
        %get3A_648 = arith.index_cast %add3A_606 : i32 to index
        %get3A_649 = arith.constant 48 : index
        %get3A_650 = tpu.vector_load %arg9[%get3A_647, %get3A_648, %get3A_649] {strides = array<i32>} : memref<2x256x128xf32, #tpu.memory_space<vmem>>, vector<16xf32>,
        %get3A_651 = arith.index_cast %rem3A_560 : i32 to index
        %get3A_652 = arith.index_cast %add3A_606 : i32 to index
        %get3A_653 = arith.constant 112 : index
        %get3A_654 = tpu.vector_load %arg9[%get3A_651, %get3A_652, %get3A_653] {strides = array<i32>} : memref<2x256x128xf32, #tpu.memory_space<vmem>>, vector<16xf32>,
        %ne3A_655 = arith.constant 0 : i32
        %ne3A_656 = arith.cmpi ne, %squeeze3A, %ne3A_655 : i32
        %select_n3A_657 = arith.select %ne3A_656, %get3A_654, %get3A_650 : vector<16xf32>
        %swap3A_658 = arith.index_cast %add3A_606 : i32 to index
        %swap3A_659 = arith.constant 48 : index
        %swap3A_660 = tpu.vector_load %arg10[%swap3A_658, %swap3A_659] {strides = array<i32>} : memref<256x64xf32, #tpu.memory_space<vmem>>, vector<16xf32>,
        tpu.vector_store %arg10[%swap3A_658, %swap3A_659], %select_n3A_657 {strides = array<i32>} : memref<256x64xf32, #tpu.memory_space<vmem>>, vector<16xf32>,
        %mul3A_661 = arith.constant 16 : i32
        %mul3A_662 = arith.muli %mul3A_661, %scan3A_597 : i32
        %add3A_663 = arith.constant 1 : i32
        %add3A_664 = arith.addi %mul3A_662, %add3A_663 : i32
        %slice3A_665 = vector.extract_strided_slice %get3A_602 {offsets = [1], sizes = [1], strides = [1]} : vector<16xi32> to vector<1xi32>
        %squeeze3A_666 = vector.extract %slice3A_665[0] : i32 from vector<1xi32>
        %get3A_667 = arith.index_cast %rem3A_560 : i32 to index
        %get3A_668 = arith.index_cast %add3A_664 : i32 to index
        %get3A_669 = arith.constant 0 : index
        %get3A_670 = tpu.vector_load %arg9[%get3A_667, %get3A_668, %get3A_669] {strides = array<i32>} : memref<2x256x128xf32, #tpu.memory_space<vmem>>, vector<16xf32>,
        %get3A_671 = arith.index_cast %rem3A_560 : i32 to index
        %get3A_672 = arith.index_cast %add3A_664 : i32 to index
        %get3A_673 = arith.constant 64 : index
        %get3A_674 = tpu.vector_load %arg9[%get3A_671, %get3A_672, %get3A_673] {strides = array<i32>} : memref<2x256x128xf32, #tpu.memory_space<vmem>>, vector<16xf32>,
        %ne3A_675 = arith.constant 0 : i32
        %ne3A_676 = arith.cmpi ne, %squeeze3A_666, %ne3A_675 : i32
        %select_n3A_677 = arith.select %ne3A_676, %get3A_674, %get3A_670 : vector<16xf32>
        %swap3A_678 = arith.index_cast %add3A_664 : i32 to index
        %swap3A_679 = arith.constant 0 : index
        %swap3A_680 = tpu.vector_load %arg10[%swap3A_678, %swap3A_679] {strides = array<i32>} : memref<256x64xf32, #tpu.memory_space<vmem>>, vector<16xf32>,
        tpu.vector_store %arg10[%swap3A_678, %swap3A_679], %select_n3A_677 {strides = array<i32>} : memref<256x64xf32, #tpu.memory_space<vmem>>, vector<16xf32>,
        %get3A_681 = arith.index_cast %rem3A_560 : i32 to index
        %get3A_682 = arith.index_cast %add3A_664 : i32 to index
        %get3A_683 = arith.constant 16 : index
        %get3A_684 = tpu.vector_load %arg9[%get3A_681, %get3A_682, %get3A_683] {strides = array<i32>} : memref<2x256x128xf32, #tpu.memory_space<vmem>>, vector<16xf32>,
        %get3A_685 = arith.index_cast %rem3A_560 : i32 to index
        %get3A_686 = arith.index_cast %add3A_664 : i32 to index
        %get3A_687 = arith.constant 80 : index
        %get3A_688 = tpu.vector_load %arg9[%get3A_685, %get3A_686, %get3A_687] {strides = array<i32>} : memref<2x256x128xf32, #tpu.memory_space<vmem>>, vector<16xf32>,
        %ne3A_689 = arith.constant 0 : i32
        %ne3A_690 = arith.cmpi ne, %squeeze3A_666, %ne3A_689 : i32
        %select_n3A_691 = arith.select %ne3A_690, %get3A_688, %get3A_684 : vector<16xf32>
        %swap3A_692 = arith.index_cast %add3A_664 : i32 to index
        %swap3A_693 = arith.constant 16 : index
        %swap3A_694 = tpu.vector_load %arg10[%swap3A_692, %swap3A_693] {strides = array<i32>} : memref<256x64xf32, #tpu.memory_space<vmem>>, vector<16xf32>,
        tpu.vector_store %arg10[%swap3A_692, %swap3A_693], %select_n3A_691 {strides = array<i32>} : memref<256x64xf32, #tpu.memory_space<vmem>>, vector<16xf32>,
        %get3A_695 = arith.index_cast %rem3A_560 : i32 to index
        %get3A_696 = arith.index_cast %add3A_664 : i32 to index
        %get3A_697 = arith.constant 32 : index
        %get3A_698 = tpu.vector_load %arg9[%get3A_695, %get3A_696, %get3A_697] {strides = array<i32>} : memref<2x256x128xf32, #tpu.memory_space<vmem>>, vector<16xf32>,
        %get3A_699 = arith.index_cast %rem3A_560 : i32 to index
        %get3A_700 = arith.index_cast %add3A_664 : i32 to index
        %get3A_701 = arith.constant 96 : index
        %get3A_702 = tpu.vector_load %arg9[%get3A_699, %get3A_700, %get3A_701] {strides = array<i32>} : memref<2x256x128xf32, #tpu.memory_space<vmem>>, vector<16xf32>,
        %ne3A_703 = arith.constant 0 : i32
        %ne3A_704 = arith.cmpi ne, %squeeze3A_666, %ne3A_703 : i32
        %select_n3A_705 = arith.select %ne3A_704, %get3A_702, %get3A_698 : vector<16xf32>
        %swap3A_706 = arith.index_cast %add3A_664 : i32 to index
        %swap3A_707 = arith.constant 32 : index
        %swap3A_708 = tpu.vector_load %arg10[%swap3A_706, %swap3A_707] {strides = array<i32>} : memref<256x64xf32, #tpu.memory_space<vmem>>, vector<16xf32>,
        tpu.vector_store %arg10[%swap3A_706, %swap3A_707], %select_n3A_705 {strides = array<i32>} : memref<256x64xf32, #tpu.memory_space<vmem>>, vector<16xf32>,
        %get3A_709 = arith.index_cast %rem3A_560 : i32 to index
        %get3A_710 = arith.index_cast %add3A_664 : i32 to index
        %get3A_711 = arith.constant 48 : index
        %get3A_712 = tpu.vector_load %arg9[%get3A_709, %get3A_710, %get3A_711] {strides = array<i32>} : memref<2x256x128xf32, #tpu.memory_space<vmem>>, vector<16xf32>,
        %get3A_713 = arith.index_cast %rem3A_560 : i32 to index
        %get3A_714 = arith.index_cast %add3A_664 : i32 to index
        %get3A_715 = arith.constant 112 : index
        %get3A_716 = tpu.vector_load %arg9[%get3A_713, %get3A_714, %get3A_715] {strides = array<i32>} : memref<2x256x128xf32, #tpu.memory_space<vmem>>, vector<16xf32>,
        %ne3A_717 = arith.constant 0 : i32
        %ne3A_718 = arith.cmpi ne, %squeeze3A_666, %ne3A_717 : i32
        %select_n3A_719 = arith.select %ne3A_718, %get3A_716, %get3A_712 : vector<16xf32>
        %swap3A_720 = arith.index_cast %add3A_664 : i32 to index
        %swap3A_721 = arith.constant 48 : index
        %swap3A_722 = tpu.vector_load %arg10[%swap3A_720, %swap3A_721] {strides = array<i32>} : memref<256x64xf32, #tpu.memory_space<vmem>>, vector<16xf32>,
        tpu.vector_store %arg10[%swap3A_720, %swap3A_721], %select_n3A_719 {strides = array<i32>} : memref<256x64xf32, #tpu.memory_space<vmem>>, vector<16xf32>,
        %mul3A_723 = arith.constant 16 : i32
        %mul3A_724 = arith.muli %mul3A_723, %scan3A_597 : i32
        %add3A_725 = arith.constant 2 : i32
        %add3A_726 = arith.addi %mul3A_724, %add3A_725 : i32
        %slice3A_727 = vector.extract_strided_slice %get3A_602 {offsets = [2], sizes = [1], strides = [1]} : vector<16xi32> to vector<1xi32>
        %squeeze3A_728 = vector.extract %slice3A_727[0] : i32 from vector<1xi32>
        %get3A_729 = arith.index_cast %rem3A_560 : i32 to index
        %get3A_730 = arith.index_cast %add3A_726 : i32 to index
        %get3A_731 = arith.constant 0 : index
        %get3A_732 = tpu.vector_load %arg9[%get3A_729, %get3A_730, %get3A_731] {strides = array<i32>} : memref<2x256x128xf32, #tpu.memory_space<vmem>>, vector<16xf32>,
        %get3A_733 = arith.index_cast %rem3A_560 : i32 to index
        %get3A_734 = arith.index_cast %add3A_726 : i32 to index
        %get3A_735 = arith.constant 64 : index
        %get3A_736 = tpu.vector_load %arg9[%get3A_733, %get3A_734, %get3A_735] {strides = array<i32>} : memref<2x256x128xf32, #tpu.memory_space<vmem>>, vector<16xf32>,
        %ne3A_737 = arith.constant 0 : i32
        %ne3A_738 = arith.cmpi ne, %squeeze3A_728, %ne3A_737 : i32
        %select_n3A_739 = arith.select %ne3A_738, %get3A_736, %get3A_732 : vector<16xf32>
        %swap3A_740 = arith.index_cast %add3A_726 : i32 to index
        %swap3A_741 = arith.constant 0 : index
        %swap3A_742 = tpu.vector_load %arg10[%swap3A_740, %swap3A_741] {strides = array<i32>} : memref<256x64xf32, #tpu.memory_space<vmem>>, vector<16xf32>,
        tpu.vector_store %arg10[%swap3A_740, %swap3A_741], %select_n3A_739 {strides = array<i32>} : memref<256x64xf32, #tpu.memory_space<vmem>>, vector<16xf32>,
        %get3A_743 = arith.index_cast %rem3A_560 : i32 to index
        %get3A_744 = arith.index_cast %add3A_726 : i32 to index
        %get3A_745 = arith.constant 16 : index
        %get3A_746 = tpu.vector_load %arg9[%get3A_743, %get3A_744, %get3A_745] {strides = array<i32>} : memref<2x256x128xf32, #tpu.memory_space<vmem>>, vector<16xf32>,
        %get3A_747 = arith.index_cast %rem3A_560 : i32 to index
        %get3A_748 = arith.index_cast %add3A_726 : i32 to index
        %get3A_749 = arith.constant 80 : index
        %get3A_750 = tpu.vector_load %arg9[%get3A_747, %get3A_748, %get3A_749] {strides = array<i32>} : memref<2x256x128xf32, #tpu.memory_space<vmem>>, vector<16xf32>,
        %ne3A_751 = arith.constant 0 : i32
        %ne3A_752 = arith.cmpi ne, %squeeze3A_728, %ne3A_751 : i32
        %select_n3A_753 = arith.select %ne3A_752, %get3A_750, %get3A_746 : vector<16xf32>
        %swap3A_754 = arith.index_cast %add3A_726 : i32 to index
        %swap3A_755 = arith.constant 16 : index
        %swap3A_756 = tpu.vector_load %arg10[%swap3A_754, %swap3A_755] {strides = array<i32>} : memref<256x64xf32, #tpu.memory_space<vmem>>, vector<16xf32>,
        tpu.vector_store %arg10[%swap3A_754, %swap3A_755], %select_n3A_753 {strides = array<i32>} : memref<256x64xf32, #tpu.memory_space<vmem>>, vector<16xf32>,
        %get3A_757 = arith.index_cast %rem3A_560 : i32 to index
        %get3A_758 = arith.index_cast %add3A_726 : i32 to index
        %get3A_759 = arith.constant 32 : index
        %get3A_760 = tpu.vector_load %arg9[%get3A_757, %get3A_758, %get3A_759] {strides = array<i32>} : memref<2x256x128xf32, #tpu.memory_space<vmem>>, vector<16xf32>,
        %get3A_761 = arith.index_cast %rem3A_560 : i32 to index
        %get3A_762 = arith.index_cast %add3A_726 : i32 to index
        %get3A_763 = arith.constant 96 : index
        %get3A_764 = tpu.vector_load %arg9[%get3A_761, %get3A_762, %get3A_763] {strides = array<i32>} : memref<2x256x128xf32, #tpu.memory_space<vmem>>, vector<16xf32>,
        %ne3A_765 = arith.constant 0 : i32
        %ne3A_766 = arith.cmpi ne, %squeeze3A_728, %ne3A_765 : i32
        %select_n3A_767 = arith.select %ne3A_766, %get3A_764, %get3A_760 : vector<16xf32>
        %swap3A_768 = arith.index_cast %add3A_726 : i32 to index
        %swap3A_769 = arith.constant 32 : index
        %swap3A_770 = tpu.vector_load %arg10[%swap3A_768, %swap3A_769] {strides = array<i32>} : memref<256x64xf32, #tpu.memory_space<vmem>>, vector<16xf32>,
        tpu.vector_store %arg10[%swap3A_768, %swap3A_769], %select_n3A_767 {strides = array<i32>} : memref<256x64xf32, #tpu.memory_space<vmem>>, vector<16xf32>,
        %get3A_771 = arith.index_cast %rem3A_560 : i32 to index
        %get3A_772 = arith.index_cast %add3A_726 : i32 to index
        %get3A_773 = arith.constant 48 : index
        %get3A_774 = tpu.vector_load %arg9[%get3A_771, %get3A_772, %get3A_773] {strides = array<i32>} : memref<2x256x128xf32, #tpu.memory_space<vmem>>, vector<16xf32>,
        %get3A_775 = arith.index_cast %rem3A_560 : i32 to index
        %get3A_776 = arith.index_cast %add3A_726 : i32 to index
        %get3A_777 = arith.constant 112 : index
        %get3A_778 = tpu.vector_load %arg9[%get3A_775, %get3A_776, %get3A_777] {strides = array<i32>} : memref<2x256x128xf32, #tpu.memory_space<vmem>>, vector<16xf32>,
        %ne3A_779 = arith.constant 0 : i32
        %ne3A_780 = arith.cmpi ne, %squeeze3A_728, %ne3A_779 : i32
        %select_n3A_781 = arith.select %ne3A_780, %get3A_778, %get3A_774 : vector<16xf32>
        %swap3A_782 = arith.index_cast %add3A_726 : i32 to index
        %swap3A_783 = arith.constant 48 : index
        %swap3A_784 = tpu.vector_load %arg10[%swap3A_782, %swap3A_783] {strides = array<i32>} : memref<256x64xf32, #tpu.memory_space<vmem>>, vector<16xf32>,
        tpu.vector_store %arg10[%swap3A_782, %swap3A_783], %select_n3A_781 {strides = array<i32>} : memref<256x64xf32, #tpu.memory_space<vmem>>, vector<16xf32>,
        %mul3A_785 = arith.constant 16 : i32
        %mul3A_786 = arith.muli %mul3A_785, %scan3A_597 : i32
        %add3A_787 = arith.constant 3 : i32
        %add3A_788 = arith.addi %mul3A_786, %add3A_787 : i32
        %slice3A_789 = vector.extract_strided_slice %get3A_602 {offsets = [3], sizes = [1], strides = [1]} : vector<16xi32> to vector<1xi32>
        %squeeze3A_790 = vector.extract %slice3A_789[0] : i32 from vector<1xi32>
        %get3A_791 = arith.index_cast %rem3A_560 : i32 to index
        %get3A_792 = arith.index_cast %add3A_788 : i32 to index
        %get3A_793 = arith.constant 0 : index
        %get3A_794 = tpu.vector_load %arg9[%get3A_791, %get3A_792, %get3A_793] {strides = array<i32>} : memref<2x256x128xf32, #tpu.memory_space<vmem>>, vector<16xf32>,
        %get3A_795 = arith.index_cast %rem3A_560 : i32 to index
        %get3A_796 = arith.index_cast %add3A_788 : i32 to index
        %get3A_797 = arith.constant 64 : index
        %get3A_798 = tpu.vector_load %arg9[%get3A_795, %get3A_796, %get3A_797] {strides = array<i32>} : memref<2x256x128xf32, #tpu.memory_space<vmem>>, vector<16xf32>,
        %ne3A_799 = arith.constant 0 : i32
        %ne3A_800 = arith.cmpi ne, %squeeze3A_790, %ne3A_799 : i32
        %select_n3A_801 = arith.select %ne3A_800, %get3A_798, %get3A_794 : vector<16xf32>
        %swap3A_802 = arith.index_cast %add3A_788 : i32 to index
        %swap3A_803 = arith.constant 0 : index
        %swap3A_804 = tpu.vector_load %arg10[%swap3A_802, %swap3A_803] {strides = array<i32>} : memref<256x64xf32, #tpu.memory_space<vmem>>, vector<16xf32>,
        tpu.vector_store %arg10[%swap3A_802, %swap3A_803], %select_n3A_801 {strides = array<i32>} : memref<256x64xf32, #tpu.memory_space<vmem>>, vector<16xf32>,
        %get3A_805 = arith.index_cast %rem3A_560 : i32 to index
        %get3A_806 = arith.index_cast %add3A_788 : i32 to index
        %get3A_807 = arith.constant 16 : index
        %get3A_808 = tpu.vector_load %arg9[%get3A_805, %get3A_806, %get3A_807] {strides = array<i32>} : memref<2x256x128xf32, #tpu.memory_space<vmem>>, vector<16xf32>,
        %get3A_809 = arith.index_cast %rem3A_560 : i32 to index
        %get3A_810 = arith.index_cast %add3A_788 : i32 to index
        %get3A_811 = arith.constant 80 : index
        %get3A_812 = tpu.vector_load %arg9[%get3A_809, %get3A_810, %get3A_811] {strides = array<i32>} : memref<2x256x128xf32, #tpu.memory_space<vmem>>, vector<16xf32>,
        %ne3A_813 = arith.constant 0 : i32
        %ne3A_814 = arith.cmpi ne, %squeeze3A_790, %ne3A_813 : i32
        %select_n3A_815 = arith.select %ne3A_814, %get3A_812, %get3A_808 : vector<16xf32>
        %swap3A_816 = arith.index_cast %add3A_788 : i32 to index
        %swap3A_817 = arith.constant 16 : index
        %swap3A_818 = tpu.vector_load %arg10[%swap3A_816, %swap3A_817] {strides = array<i32>} : memref<256x64xf32, #tpu.memory_space<vmem>>, vector<16xf32>,
        tpu.vector_store %arg10[%swap3A_816, %swap3A_817], %select_n3A_815 {strides = array<i32>} : memref<256x64xf32, #tpu.memory_space<vmem>>, vector<16xf32>,
        %get3A_819 = arith.index_cast %rem3A_560 : i32 to index
        %get3A_820 = arith.index_cast %add3A_788 : i32 to index
        %get3A_821 = arith.constant 32 : index
        %get3A_822 = tpu.vector_load %arg9[%get3A_819, %get3A_820, %get3A_821] {strides = array<i32>} : memref<2x256x128xf32, #tpu.memory_space<vmem>>, vector<16xf32>,
        %get3A_823 = arith.index_cast %rem3A_560 : i32 to index
        %get3A_824 = arith.index_cast %add3A_788 : i32 to index
        %get3A_825 = arith.constant 96 : index
        %get3A_826 = tpu.vector_load %arg9[%get3A_823, %get3A_824, %get3A_825] {strides = array<i32>} : memref<2x256x128xf32, #tpu.memory_space<vmem>>, vector<16xf32>,
        %ne3A_827 = arith.constant 0 : i32
        %ne3A_828 = arith.cmpi ne, %squeeze3A_790, %ne3A_827 : i32
        %select_n3A_829 = arith.select %ne3A_828, %get3A_826, %get3A_822 : vector<16xf32>
        %swap3A_830 = arith.index_cast %add3A_788 : i32 to index
        %swap3A_831 = arith.constant 32 : index
        %swap3A_832 = tpu.vector_load %arg10[%swap3A_830, %swap3A_831] {strides = array<i32>} : memref<256x64xf32, #tpu.memory_space<vmem>>, vector<16xf32>,
        tpu.vector_store %arg10[%swap3A_830, %swap3A_831], %select_n3A_829 {strides = array<i32>} : memref<256x64xf32, #tpu.memory_space<vmem>>, vector<16xf32>,
        %get3A_833 = arith.index_cast %rem3A_560 : i32 to index
        %get3A_834 = arith.index_cast %add3A_788 : i32 to index
        %get3A_835 = arith.constant 48 : index
        %get3A_836 = tpu.vector_load %arg9[%get3A_833, %get3A_834, %get3A_835] {strides = array<i32>} : memref<2x256x128xf32, #tpu.memory_space<vmem>>, vector<16xf32>,
        %get3A_837 = arith.index_cast %rem3A_560 : i32 to index
        %get3A_838 = arith.index_cast %add3A_788 : i32 to index
        %get3A_839 = arith.constant 112 : index
        %get3A_840 = tpu.vector_load %arg9[%get3A_837, %get3A_838, %get3A_839] {strides = array<i32>} : memref<2x256x128xf32, #tpu.memory_space<vmem>>, vector<16xf32>,
        %ne3A_841 = arith.constant 0 : i32
        %ne3A_842 = arith.cmpi ne, %squeeze3A_790, %ne3A_841 : i32
        %select_n3A_843 = arith.select %ne3A_842, %get3A_840, %get3A_836 : vector<16xf32>
        %swap3A_844 = arith.index_cast %add3A_788 : i32 to index
        %swap3A_845 = arith.constant 48 : index
        %swap3A_846 = tpu.vector_load %arg10[%swap3A_844, %swap3A_845] {strides = array<i32>} : memref<256x64xf32, #tpu.memory_space<vmem>>, vector<16xf32>,
        tpu.vector_store %arg10[%swap3A_844, %swap3A_845], %select_n3A_843 {strides = array<i32>} : memref<256x64xf32, #tpu.memory_space<vmem>>, vector<16xf32>,
        %mul3A_847 = arith.constant 16 : i32
        %mul3A_848 = arith.muli %mul3A_847, %scan3A_597 : i32
        %add3A_849 = arith.constant 4 : i32
        %add3A_850 = arith.addi %mul3A_848, %add3A_849 : i32
        %slice3A_851 = vector.extract_strided_slice %get3A_602 {offsets = [4], sizes = [1], strides = [1]} : vector<16xi32> to vector<1xi32>
        %squeeze3A_852 = vector.extract %slice3A_851[0] : i32 from vector<1xi32>
        %get3A_853 = arith.index_cast %rem3A_560 : i32 to index
        %get3A_854 = arith.index_cast %add3A_850 : i32 to index
        %get3A_855 = arith.constant 0 : index
        %get3A_856 = tpu.vector_load %arg9[%get3A_853, %get3A_854, %get3A_855] {strides = array<i32>} : memref<2x256x128xf32, #tpu.memory_space<vmem>>, vector<16xf32>,
        %get3A_857 = arith.index_cast %rem3A_560 : i32 to index
        %get3A_858 = arith.index_cast %add3A_850 : i32 to index
        %get3A_859 = arith.constant 64 : index
        %get3A_860 = tpu.vector_load %arg9[%get3A_857, %get3A_858, %get3A_859] {strides = array<i32>} : memref<2x256x128xf32, #tpu.memory_space<vmem>>, vector<16xf32>,
        %ne3A_861 = arith.constant 0 : i32
        %ne3A_862 = arith.cmpi ne, %squeeze3A_852, %ne3A_861 : i32
        %select_n3A_863 = arith.select %ne3A_862, %get3A_860, %get3A_856 : vector<16xf32>
        %swap3A_864 = arith.index_cast %add3A_850 : i32 to index
        %swap3A_865 = arith.constant 0 : index
        %swap3A_866 = tpu.vector_load %arg10[%swap3A_864, %swap3A_865] {strides = array<i32>} : memref<256x64xf32, #tpu.memory_space<vmem>>, vector<16xf32>,
        tpu.vector_store %arg10[%swap3A_864, %swap3A_865], %select_n3A_863 {strides = array<i32>} : memref<256x64xf32, #tpu.memory_space<vmem>>, vector<16xf32>,
        %get3A_867 = arith.index_cast %rem3A_560 : i32 to index
        %get3A_868 = arith.index_cast %add3A_850 : i32 to index
        %get3A_869 = arith.constant 16 : index
        %get3A_870 = tpu.vector_load %arg9[%get3A_867, %get3A_868, %get3A_869] {strides = array<i32>} : memref<2x256x128xf32, #tpu.memory_space<vmem>>, vector<16xf32>,
        %get3A_871 = arith.index_cast %rem3A_560 : i32 to index
        %get3A_872 = arith.index_cast %add3A_850 : i32 to index
        %get3A_873 = arith.constant 80 : index
        %get3A_874 = tpu.vector_load %arg9[%get3A_871, %get3A_872, %get3A_873] {strides = array<i32>} : memref<2x256x128xf32, #tpu.memory_space<vmem>>, vector<16xf32>,
        %ne3A_875 = arith.constant 0 : i32
        %ne3A_876 = arith.cmpi ne, %squeeze3A_852, %ne3A_875 : i32
        %select_n3A_877 = arith.select %ne3A_876, %get3A_874, %get3A_870 : vector<16xf32>
        %swap3A_878 = arith.index_cast %add3A_850 : i32 to index
        %swap3A_879 = arith.constant 16 : index
        %swap3A_880 = tpu.vector_load %arg10[%swap3A_878, %swap3A_879] {strides = array<i32>} : memref<256x64xf32, #tpu.memory_space<vmem>>, vector<16xf32>,
        tpu.vector_store %arg10[%swap3A_878, %swap3A_879], %select_n3A_877 {strides = array<i32>} : memref<256x64xf32, #tpu.memory_space<vmem>>, vector<16xf32>,
        %get3A_881 = arith.index_cast %rem3A_560 : i32 to index
        %get3A_882 = arith.index_cast %add3A_850 : i32 to index
        %get3A_883 = arith.constant 32 : index
        %get3A_884 = tpu.vector_load %arg9[%get3A_881, %get3A_882, %get3A_883] {strides = array<i32>} : memref<2x256x128xf32, #tpu.memory_space<vmem>>, vector<16xf32>,
        %get3A_885 = arith.index_cast %rem3A_560 : i32 to index
        %get3A_886 = arith.index_cast %add3A_850 : i32 to index
        %get3A_887 = arith.constant 96 : index
        %get3A_888 = tpu.vector_load %arg9[%get3A_885, %get3A_886, %get3A_887] {strides = array<i32>} : memref<2x256x128xf32, #tpu.memory_space<vmem>>, vector<16xf32>,
        %ne3A_889 = arith.constant 0 : i32
        %ne3A_890 = arith.cmpi ne, %squeeze3A_852, %ne3A_889 : i32
        %select_n3A_891 = arith.select %ne3A_890, %get3A_888, %get3A_884 : vector<16xf32>
        %swap3A_892 = arith.index_cast %add3A_850 : i32 to index
        %swap3A_893 = arith.constant 32 : index
        %swap3A_894 = tpu.vector_load %arg10[%swap3A_892, %swap3A_893] {strides = array<i32>} : memref<256x64xf32, #tpu.memory_space<vmem>>, vector<16xf32>,
        tpu.vector_store %arg10[%swap3A_892, %swap3A_893], %select_n3A_891 {strides = array<i32>} : memref<256x64xf32, #tpu.memory_space<vmem>>, vector<16xf32>,
        %get3A_895 = arith.index_cast %rem3A_560 : i32 to index
        %get3A_896 = arith.index_cast %add3A_850 : i32 to index
        %get3A_897 = arith.constant 48 : index
        %get3A_898 = tpu.vector_load %arg9[%get3A_895, %get3A_896, %get3A_897] {strides = array<i32>} : memref<2x256x128xf32, #tpu.memory_space<vmem>>, vector<16xf32>,
        %get3A_899 = arith.index_cast %rem3A_560 : i32 to index
        %get3A_900 = arith.index_cast %add3A_850 : i32 to index
        %get3A_901 = arith.constant 112 : index
        %get3A_902 = tpu.vector_load %arg9[%get3A_899, %get3A_900, %get3A_901] {strides = array<i32>} : memref<2x256x128xf32, #tpu.memory_space<vmem>>, vector<16xf32>,
        %ne3A_903 = arith.constant 0 : i32
        %ne3A_904 = arith.cmpi ne, %squeeze3A_852, %ne3A_903 : i32
        %select_n3A_905 = arith.select %ne3A_904, %get3A_902, %get3A_898 : vector<16xf32>
        %swap3A_906 = arith.index_cast %add3A_850 : i32 to index
        %swap3A_907 = arith.constant 48 : index
        %swap3A_908 = tpu.vector_load %arg10[%swap3A_906, %swap3A_907] {strides = array<i32>} : memref<256x64xf32, #tpu.memory_space<vmem>>, vector<16xf32>,
        tpu.vector_store %arg10[%swap3A_906, %swap3A_907], %select_n3A_905 {strides = array<i32>} : memref<256x64xf32, #tpu.memory_space<vmem>>, vector<16xf32>,
        %mul3A_909 = arith.constant 16 : i32
        %mul3A_910 = arith.muli %mul3A_909, %scan3A_597 : i32
        %add3A_911 = arith.constant 5 : i32
        %add3A_912 = arith.addi %mul3A_910, %add3A_911 : i32
        %slice3A_913 = vector.extract_strided_slice %get3A_602 {offsets = [5], sizes = [1], strides = [1]} : vector<16xi32> to vector<1xi32>
        %squeeze3A_914 = vector.extract %slice3A_913[0] : i32 from vector<1xi32>
        %get3A_915 = arith.index_cast %rem3A_560 : i32 to index
        %get3A_916 = arith.index_cast %add3A_912 : i32 to index
        %get3A_917 = arith.constant 0 : index
        %get3A_918 = tpu.vector_load %arg9[%get3A_915, %get3A_916, %get3A_917] {strides = array<i32>} : memref<2x256x128xf32, #tpu.memory_space<vmem>>, vector<16xf32>,
        %get3A_919 = arith.index_cast %rem3A_560 : i32 to index
        %get3A_920 = arith.index_cast %add3A_912 : i32 to index
        %get3A_921 = arith.constant 64 : index
        %get3A_922 = tpu.vector_load %arg9[%get3A_919, %get3A_920, %get3A_921] {strides = array<i32>} : memref<2x256x128xf32, #tpu.memory_space<vmem>>, vector<16xf32>,
        %ne3A_923 = arith.constant 0 : i32
        %ne3A_924 = arith.cmpi ne, %squeeze3A_914, %ne3A_923 : i32
        %select_n3A_925 = arith.select %ne3A_924, %get3A_922, %get3A_918 : vector<16xf32>
        %swap3A_926 = arith.index_cast %add3A_912 : i32 to index
        %swap3A_927 = arith.constant 0 : index
        %swap3A_928 = tpu.vector_load %arg10[%swap3A_926, %swap3A_927] {strides = array<i32>} : memref<256x64xf32, #tpu.memory_space<vmem>>, vector<16xf32>,
        tpu.vector_store %arg10[%swap3A_926, %swap3A_927], %select_n3A_925 {strides = array<i32>} : memref<256x64xf32, #tpu.memory_space<vmem>>, vector<16xf32>,
        %get3A_929 = arith.index_cast %rem3A_560 : i32 to index
        %get3A_930 = arith.index_cast %add3A_912 : i32 to index
        %get3A_931 = arith.constant 16 : index
        %get3A_932 = tpu.vector_load %arg9[%get3A_929, %get3A_930, %get3A_931] {strides = array<i32>} : memref<2x256x128xf32, #tpu.memory_space<vmem>>, vector<16xf32>,
        %get3A_933 = arith.index_cast %rem3A_560 : i32 to index
        %get3A_934 = arith.index_cast %add3A_912 : i32 to index
        %get3A_935 = arith.constant 80 : index
        %get3A_936 = tpu.vector_load %arg9[%get3A_933, %get3A_934, %get3A_935] {strides = array<i32>} : memref<2x256x128xf32, #tpu.memory_space<vmem>>, vector<16xf32>,
        %ne3A_937 = arith.constant 0 : i32
        %ne3A_938 = arith.cmpi ne, %squeeze3A_914, %ne3A_937 : i32
        %select_n3A_939 = arith.select %ne3A_938, %get3A_936, %get3A_932 : vector<16xf32>
        %swap3A_940 = arith.index_cast %add3A_912 : i32 to index
        %swap3A_941 = arith.constant 16 : index
        %swap3A_942 = tpu.vector_load %arg10[%swap3A_940, %swap3A_941] {strides = array<i32>} : memref<256x64xf32, #tpu.memory_space<vmem>>, vector<16xf32>,
        tpu.vector_store %arg10[%swap3A_940, %swap3A_941], %select_n3A_939 {strides = array<i32>} : memref<256x64xf32, #tpu.memory_space<vmem>>, vector<16xf32>,
        %get3A_943 = arith.index_cast %rem3A_560 : i32 to index
        %get3A_944 = arith.index_cast %add3A_912 : i32 to index
        %get3A_945 = arith.constant 32 : index
        %get3A_946 = tpu.vector_load %arg9[%get3A_943, %get3A_944, %get3A_945] {strides = array<i32>} : memref<2x256x128xf32, #tpu.memory_space<vmem>>, vector<16xf32>,
        %get3A_947 = arith.index_cast %rem3A_560 : i32 to index
        %get3A_948 = arith.index_cast %add3A_912 : i32 to index
        %get3A_949 = arith.constant 96 : index
        %get3A_950 = tpu.vector_load %arg9[%get3A_947, %get3A_948, %get3A_949] {strides = array<i32>} : memref<2x256x128xf32, #tpu.memory_space<vmem>>, vector<16xf32>,
        %ne3A_951 = arith.constant 0 : i32
        %ne3A_952 = arith.cmpi ne, %squeeze3A_914, %ne3A_951 : i32
        %select_n3A_953 = arith.select %ne3A_952, %get3A_950, %get3A_946 : vector<16xf32>
        %swap3A_954 = arith.index_cast %add3A_912 : i32 to index
        %swap3A_955 = arith.constant 32 : index
        %swap3A_956 = tpu.vector_load %arg10[%swap3A_954, %swap3A_955] {strides = array<i32>} : memref<256x64xf32, #tpu.memory_space<vmem>>, vector<16xf32>,
        tpu.vector_store %arg10[%swap3A_954, %swap3A_955], %select_n3A_953 {strides = array<i32>} : memref<256x64xf32, #tpu.memory_space<vmem>>, vector<16xf32>,
        %get3A_957 = arith.index_cast %rem3A_560 : i32 to index
        %get3A_958 = arith.index_cast %add3A_912 : i32 to index
        %get3A_959 = arith.constant 48 : index
        %get3A_960 = tpu.vector_load %arg9[%get3A_957, %get3A_958, %get3A_959] {strides = array<i32>} : memref<2x256x128xf32, #tpu.memory_space<vmem>>, vector<16xf32>,
        %get3A_961 = arith.index_cast %rem3A_560 : i32 to index
        %get3A_962 = arith.index_cast %add3A_912 : i32 to index
        %get3A_963 = arith.constant 112 : index
        %get3A_964 = tpu.vector_load %arg9[%get3A_961, %get3A_962, %get3A_963] {strides = array<i32>} : memref<2x256x128xf32, #tpu.memory_space<vmem>>, vector<16xf32>,
        %ne3A_965 = arith.constant 0 : i32
        %ne3A_966 = arith.cmpi ne, %squeeze3A_914, %ne3A_965 : i32
        %select_n3A_967 = arith.select %ne3A_966, %get3A_964, %get3A_960 : vector<16xf32>
        %swap3A_968 = arith.index_cast %add3A_912 : i32 to index
        %swap3A_969 = arith.constant 48 : index
        %swap3A_970 = tpu.vector_load %arg10[%swap3A_968, %swap3A_969] {strides = array<i32>} : memref<256x64xf32, #tpu.memory_space<vmem>>, vector<16xf32>,
        tpu.vector_store %arg10[%swap3A_968, %swap3A_969], %select_n3A_967 {strides = array<i32>} : memref<256x64xf32, #tpu.memory_space<vmem>>, vector<16xf32>,
        %mul3A_971 = arith.constant 16 : i32
        %mul3A_972 = arith.muli %mul3A_971, %scan3A_597 : i32
        %add3A_973 = arith.constant 6 : i32
        %add3A_974 = arith.addi %mul3A_972, %add3A_973 : i32
        %slice3A_975 = vector.extract_strided_slice %get3A_602 {offsets = [6], sizes = [1], strides = [1]} : vector<16xi32> to vector<1xi32>
        %squeeze3A_976 = vector.extract %slice3A_975[0] : i32 from vector<1xi32>
        %get3A_977 = arith.index_cast %rem3A_560 : i32 to index
        %get3A_978 = arith.index_cast %add3A_974 : i32 to index
        %get3A_979 = arith.constant 0 : index
        %get3A_980 = tpu.vector_load %arg9[%get3A_977, %get3A_978, %get3A_979] {strides = array<i32>} : memref<2x256x128xf32, #tpu.memory_space<vmem>>, vector<16xf32>,
        %get3A_981 = arith.index_cast %rem3A_560 : i32 to index
        %get3A_982 = arith.index_cast %add3A_974 : i32 to index
        %get3A_983 = arith.constant 64 : index
        %get3A_984 = tpu.vector_load %arg9[%get3A_981, %get3A_982, %get3A_983] {strides = array<i32>} : memref<2x256x128xf32, #tpu.memory_space<vmem>>, vector<16xf32>,
        %ne3A_985 = arith.constant 0 : i32
        %ne3A_986 = arith.cmpi ne, %squeeze3A_976, %ne3A_985 : i32
        %select_n3A_987 = arith.select %ne3A_986, %get3A_984, %get3A_980 : vector<16xf32>
        %swap3A_988 = arith.index_cast %add3A_974 : i32 to index
        %swap3A_989 = arith.constant 0 : index
        %swap3A_990 = tpu.vector_load %arg10[%swap3A_988, %swap3A_989] {strides = array<i32>} : memref<256x64xf32, #tpu.memory_space<vmem>>, vector<16xf32>,
        tpu.vector_store %arg10[%swap3A_988, %swap3A_989], %select_n3A_987 {strides = array<i32>} : memref<256x64xf32, #tpu.memory_space<vmem>>, vector<16xf32>,
        %get3A_991 = arith.index_cast %rem3A_560 : i32 to index
        %get3A_992 = arith.index_cast %add3A_974 : i32 to index
        %get3A_993 = arith.constant 16 : index
        %get3A_994 = tpu.vector_load %arg9[%get3A_991, %get3A_992, %get3A_993] {strides = array<i32>} : memref<2x256x128xf32, #tpu.memory_space<vmem>>, vector<16xf32>,
        %get3A_995 = arith.index_cast %rem3A_560 : i32 to index
        %get3A_996 = arith.index_cast %add3A_974 : i32 to index
        %get3A_997 = arith.constant 80 : index
        %get3A_998 = tpu.vector_load %arg9[%get3A_995, %get3A_996, %get3A_997] {strides = array<i32>} : memref<2x256x128xf32, #tpu.memory_space<vmem>>, vector<16xf32>,
        %ne3A_999 = arith.constant 0 : i32
        %ne3A_1000 = arith.cmpi ne, %squeeze3A_976, %ne3A_999 : i32
        %select_n3A_1001 = arith.select %ne3A_1000, %get3A_998, %get3A_994 : vector<16xf32>
        %swap3A_1002 = arith.index_cast %add3A_974 : i32 to index
        %swap3A_1003 = arith.constant 16 : index
        %swap3A_1004 = tpu.vector_load %arg10[%swap3A_1002, %swap3A_1003] {strides = array<i32>} : memref<256x64xf32, #tpu.memory_space<vmem>>, vector<16xf32>,
        tpu.vector_store %arg10[%swap3A_1002, %swap3A_1003], %select_n3A_1001 {strides = array<i32>} : memref<256x64xf32, #tpu.memory_space<vmem>>, vector<16xf32>,
        %get3A_1005 = arith.index_cast %rem3A_560 : i32 to index
        %get3A_1006 = arith.index_cast %add3A_974 : i32 to index
        %get3A_1007 = arith.constant 32 : index
        %get3A_1008 = tpu.vector_load %arg9[%get3A_1005, %get3A_1006, %get3A_1007] {strides = array<i32>} : memref<2x256x128xf32, #tpu.memory_space<vmem>>, vector<16xf32>,
        %get3A_1009 = arith.index_cast %rem3A_560 : i32 to index
        %get3A_1010 = arith.index_cast %add3A_974 : i32 to index
        %get3A_1011 = arith.constant 96 : index
        %get3A_1012 = tpu.vector_load %arg9[%get3A_1009, %get3A_1010, %get3A_1011] {strides = array<i32>} : memref<2x256x128xf32, #tpu.memory_space<vmem>>, vector<16xf32>,
        %ne3A_1013 = arith.constant 0 : i32
        %ne3A_1014 = arith.cmpi ne, %squeeze3A_976, %ne3A_1013 : i32
        %select_n3A_1015 = arith.select %ne3A_1014, %get3A_1012, %get3A_1008 : vector<16xf32>
        %swap3A_1016 = arith.index_cast %add3A_974 : i32 to index
        %swap3A_1017 = arith.constant 32 : index
        %swap3A_1018 = tpu.vector_load %arg10[%swap3A_1016, %swap3A_1017] {strides = array<i32>} : memref<256x64xf32, #tpu.memory_space<vmem>>, vector<16xf32>,
        tpu.vector_store %arg10[%swap3A_1016, %swap3A_1017], %select_n3A_1015 {strides = array<i32>} : memref<256x64xf32, #tpu.memory_space<vmem>>, vector<16xf32>,
        %get3A_1019 = arith.index_cast %rem3A_560 : i32 to index
        %get3A_1020 = arith.index_cast %add3A_974 : i32 to index
        %get3A_1021 = arith.constant 48 : index
        %get3A_1022 = tpu.vector_load %arg9[%get3A_1019, %get3A_1020, %get3A_1021] {strides = array<i32>} : memref<2x256x128xf32, #tpu.memory_space<vmem>>, vector<16xf32>,
        %get3A_1023 = arith.index_cast %rem3A_560 : i32 to index
        %get3A_1024 = arith.index_cast %add3A_974 : i32 to index
        %get3A_1025 = arith.constant 112 : index
        %get3A_1026 = tpu.vector_load %arg9[%get3A_1023, %get3A_1024, %get3A_1025] {strides = array<i32>} : memref<2x256x128xf32, #tpu.memory_space<vmem>>, vector<16xf32>,
        %ne3A_1027 = arith.constant 0 : i32
        %ne3A_1028 = arith.cmpi ne, %squeeze3A_976, %ne3A_1027 : i32
        %select_n3A_1029 = arith.select %ne3A_1028, %get3A_1026, %get3A_1022 : vector<16xf32>
        %swap3A_1030 = arith.index_cast %add3A_974 : i32 to index
        %swap3A_1031 = arith.constant 48 : index
        %swap3A_1032 = tpu.vector_load %arg10[%swap3A_1030, %swap3A_1031] {strides = array<i32>} : memref<256x64xf32, #tpu.memory_space<vmem>>, vector<16xf32>,
        tpu.vector_store %arg10[%swap3A_1030, %swap3A_1031], %select_n3A_1029 {strides = array<i32>} : memref<256x64xf32, #tpu.memory_space<vmem>>, vector<16xf32>,
        %mul3A_1033 = arith.constant 16 : i32
        %mul3A_1034 = arith.muli %mul3A_1033, %scan3A_597 : i32
        %add3A_1035 = arith.constant 7 : i32
        %add3A_1036 = arith.addi %mul3A_1034, %add3A_1035 : i32
        %slice3A_1037 = vector.extract_strided_slice %get3A_602 {offsets = [7], sizes = [1], strides = [1]} : vector<16xi32> to vector<1xi32>
        %squeeze3A_1038 = vector.extract %slice3A_1037[0] : i32 from vector<1xi32>
        %get3A_1039 = arith.index_cast %rem3A_560 : i32 to index
        %get3A_1040 = arith.index_cast %add3A_1036 : i32 to index
        %get3A_1041 = arith.constant 0 : index
        %get3A_1042 = tpu.vector_load %arg9[%get3A_1039, %get3A_1040, %get3A_1041] {strides = array<i32>} : memref<2x256x128xf32, #tpu.memory_space<vmem>>, vector<16xf32>,
        %get3A_1043 = arith.index_cast %rem3A_560 : i32 to index
        %get3A_1044 = arith.index_cast %add3A_1036 : i32 to index
        %get3A_1045 = arith.constant 64 : index
        %get3A_1046 = tpu.vector_load %arg9[%get3A_1043, %get3A_1044, %get3A_1045] {strides = array<i32>} : memref<2x256x128xf32, #tpu.memory_space<vmem>>, vector<16xf32>,
        %ne3A_1047 = arith.constant 0 : i32
        %ne3A_1048 = arith.cmpi ne, %squeeze3A_1038, %ne3A_1047 : i32
        %select_n3A_1049 = arith.select %ne3A_1048, %get3A_1046, %get3A_1042 : vector<16xf32>
        %swap3A_1050 = arith.index_cast %add3A_1036 : i32 to index
        %swap3A_1051 = arith.constant 0 : index
        %swap3A_1052 = tpu.vector_load %arg10[%swap3A_1050, %swap3A_1051] {strides = array<i32>} : memref<256x64xf32, #tpu.memory_space<vmem>>, vector<16xf32>,
        tpu.vector_store %arg10[%swap3A_1050, %swap3A_1051], %select_n3A_1049 {strides = array<i32>} : memref<256x64xf32, #tpu.memory_space<vmem>>, vector<16xf32>,
        %get3A_1053 = arith.index_cast %rem3A_560 : i32 to index
        %get3A_1054 = arith.index_cast %add3A_1036 : i32 to index
        %get3A_1055 = arith.constant 16 : index
        %get3A_1056 = tpu.vector_load %arg9[%get3A_1053, %get3A_1054, %get3A_1055] {strides = array<i32>} : memref<2x256x128xf32, #tpu.memory_space<vmem>>, vector<16xf32>,
        %get3A_1057 = arith.index_cast %rem3A_560 : i32 to index
        %get3A_1058 = arith.index_cast %add3A_1036 : i32 to index
        %get3A_1059 = arith.constant 80 : index
        %get3A_1060 = tpu.vector_load %arg9[%get3A_1057, %get3A_1058, %get3A_1059] {strides = array<i32>} : memref<2x256x128xf32, #tpu.memory_space<vmem>>, vector<16xf32>,
        %ne3A_1061 = arith.constant 0 : i32
        %ne3A_1062 = arith.cmpi ne, %squeeze3A_1038, %ne3A_1061 : i32
        %select_n3A_1063 = arith.select %ne3A_1062, %get3A_1060, %get3A_1056 : vector<16xf32>
        %swap3A_1064 = arith.index_cast %add3A_1036 : i32 to index
        %swap3A_1065 = arith.constant 16 : index
        %swap3A_1066 = tpu.vector_load %arg10[%swap3A_1064, %swap3A_1065] {strides = array<i32>} : memref<256x64xf32, #tpu.memory_space<vmem>>, vector<16xf32>,
        tpu.vector_store %arg10[%swap3A_1064, %swap3A_1065], %select_n3A_1063 {strides = array<i32>} : memref<256x64xf32, #tpu.memory_space<vmem>>, vector<16xf32>,
        %get3A_1067 = arith.index_cast %rem3A_560 : i32 to index
        %get3A_1068 = arith.index_cast %add3A_1036 : i32 to index
        %get3A_1069 = arith.constant 32 : index
        %get3A_1070 = tpu.vector_load %arg9[%get3A_1067, %get3A_1068, %get3A_1069] {strides = array<i32>} : memref<2x256x128xf32, #tpu.memory_space<vmem>>, vector<16xf32>,
        %get3A_1071 = arith.index_cast %rem3A_560 : i32 to index
        %get3A_1072 = arith.index_cast %add3A_1036 : i32 to index
        %get3A_1073 = arith.constant 96 : index
        %get3A_1074 = tpu.vector_load %arg9[%get3A_1071, %get3A_1072, %get3A_1073] {strides = array<i32>} : memref<2x256x128xf32, #tpu.memory_space<vmem>>, vector<16xf32>,
        %ne3A_1075 = arith.constant 0 : i32
        %ne3A_1076 = arith.cmpi ne, %squeeze3A_1038, %ne3A_1075 : i32
        %select_n3A_1077 = arith.select %ne3A_1076, %get3A_1074, %get3A_1070 : vector<16xf32>
        %swap3A_1078 = arith.index_cast %add3A_1036 : i32 to index
        %swap3A_1079 = arith.constant 32 : index
        %swap3A_1080 = tpu.vector_load %arg10[%swap3A_1078, %swap3A_1079] {strides = array<i32>} : memref<256x64xf32, #tpu.memory_space<vmem>>, vector<16xf32>,
        tpu.vector_store %arg10[%swap3A_1078, %swap3A_1079], %select_n3A_1077 {strides = array<i32>} : memref<256x64xf32, #tpu.memory_space<vmem>>, vector<16xf32>,
        %get3A_1081 = arith.index_cast %rem3A_560 : i32 to index
        %get3A_1082 = arith.index_cast %add3A_1036 : i32 to index
        %get3A_1083 = arith.constant 48 : index
        %get3A_1084 = tpu.vector_load %arg9[%get3A_1081, %get3A_1082, %get3A_1083] {strides = array<i32>} : memref<2x256x128xf32, #tpu.memory_space<vmem>>, vector<16xf32>,
        %get3A_1085 = arith.index_cast %rem3A_560 : i32 to index
        %get3A_1086 = arith.index_cast %add3A_1036 : i32 to index
        %get3A_1087 = arith.constant 112 : index
        %get3A_1088 = tpu.vector_load %arg9[%get3A_1085, %get3A_1086, %get3A_1087] {strides = array<i32>} : memref<2x256x128xf32, #tpu.memory_space<vmem>>, vector<16xf32>,
        %ne3A_1089 = arith.constant 0 : i32
        %ne3A_1090 = arith.cmpi ne, %squeeze3A_1038, %ne3A_1089 : i32
        %select_n3A_1091 = arith.select %ne3A_1090, %get3A_1088, %get3A_1084 : vector<16xf32>
        %swap3A_1092 = arith.index_cast %add3A_1036 : i32 to index
        %swap3A_1093 = arith.constant 48 : index
        %swap3A_1094 = tpu.vector_load %arg10[%swap3A_1092, %swap3A_1093] {strides = array<i32>} : memref<256x64xf32, #tpu.memory_space<vmem>>, vector<16xf32>,
        tpu.vector_store %arg10[%swap3A_1092, %swap3A_1093], %select_n3A_1091 {strides = array<i32>} : memref<256x64xf32, #tpu.memory_space<vmem>>, vector<16xf32>,
        %mul3A_1095 = arith.constant 16 : i32
        %mul3A_1096 = arith.muli %mul3A_1095, %scan3A_597 : i32
        %add3A_1097 = arith.constant 8 : i32
        %add3A_1098 = arith.addi %mul3A_1096, %add3A_1097 : i32
        %slice3A_1099 = vector.extract_strided_slice %get3A_602 {offsets = [8], sizes = [1], strides = [1]} : vector<16xi32> to vector<1xi32>
        %squeeze3A_1100 = vector.extract %slice3A_1099[0] : i32 from vector<1xi32>
        %get3A_1101 = arith.index_cast %rem3A_560 : i32 to index
        %get3A_1102 = arith.index_cast %add3A_1098 : i32 to index
        %get3A_1103 = arith.constant 0 : index
        %get3A_1104 = tpu.vector_load %arg9[%get3A_1101, %get3A_1102, %get3A_1103] {strides = array<i32>} : memref<2x256x128xf32, #tpu.memory_space<vmem>>, vector<16xf32>,
        %get3A_1105 = arith.index_cast %rem3A_560 : i32 to index
        %get3A_1106 = arith.index_cast %add3A_1098 : i32 to index
        %get3A_1107 = arith.constant 64 : index
        %get3A_1108 = tpu.vector_load %arg9[%get3A_1105, %get3A_1106, %get3A_1107] {strides = array<i32>} : memref<2x256x128xf32, #tpu.memory_space<vmem>>, vector<16xf32>,
        %ne3A_1109 = arith.constant 0 : i32
        %ne3A_1110 = arith.cmpi ne, %squeeze3A_1100, %ne3A_1109 : i32
        %select_n3A_1111 = arith.select %ne3A_1110, %get3A_1108, %get3A_1104 : vector<16xf32>
        %swap3A_1112 = arith.index_cast %add3A_1098 : i32 to index
        %swap3A_1113 = arith.constant 0 : index
        %swap3A_1114 = tpu.vector_load %arg10[%swap3A_1112, %swap3A_1113] {strides = array<i32>} : memref<256x64xf32, #tpu.memory_space<vmem>>, vector<16xf32>,
        tpu.vector_store %arg10[%swap3A_1112, %swap3A_1113], %select_n3A_1111 {strides = array<i32>} : memref<256x64xf32, #tpu.memory_space<vmem>>, vector<16xf32>,
        %get3A_1115 = arith.index_cast %rem3A_560 : i32 to index
        %get3A_1116 = arith.index_cast %add3A_1098 : i32 to index
        %get3A_1117 = arith.constant 16 : index
        %get3A_1118 = tpu.vector_load %arg9[%get3A_1115, %get3A_1116, %get3A_1117] {strides = array<i32>} : memref<2x256x128xf32, #tpu.memory_space<vmem>>, vector<16xf32>,
        %get3A_1119 = arith.index_cast %rem3A_560 : i32 to index
        %get3A_1120 = arith.index_cast %add3A_1098 : i32 to index
        %get3A_1121 = arith.constant 80 : index
        %get3A_1122 = tpu.vector_load %arg9[%get3A_1119, %get3A_1120, %get3A_1121] {strides = array<i32>} : memref<2x256x128xf32, #tpu.memory_space<vmem>>, vector<16xf32>,
        %ne3A_1123 = arith.constant 0 : i32
        %ne3A_1124 = arith.cmpi ne, %squeeze3A_1100, %ne3A_1123 : i32
        %select_n3A_1125 = arith.select %ne3A_1124, %get3A_1122, %get3A_1118 : vector<16xf32>
        %swap3A_1126 = arith.index_cast %add3A_1098 : i32 to index
        %swap3A_1127 = arith.constant 16 : index
        %swap3A_1128 = tpu.vector_load %arg10[%swap3A_1126, %swap3A_1127] {strides = array<i32>} : memref<256x64xf32, #tpu.memory_space<vmem>>, vector<16xf32>,
        tpu.vector_store %arg10[%swap3A_1126, %swap3A_1127], %select_n3A_1125 {strides = array<i32>} : memref<256x64xf32, #tpu.memory_space<vmem>>, vector<16xf32>,
        %get3A_1129 = arith.index_cast %rem3A_560 : i32 to index
        %get3A_1130 = arith.index_cast %add3A_1098 : i32 to index
        %get3A_1131 = arith.constant 32 : index
        %get3A_1132 = tpu.vector_load %arg9[%get3A_1129, %get3A_1130, %get3A_1131] {strides = array<i32>} : memref<2x256x128xf32, #tpu.memory_space<vmem>>, vector<16xf32>,
        %get3A_1133 = arith.index_cast %rem3A_560 : i32 to index
        %get3A_1134 = arith.index_cast %add3A_1098 : i32 to index
        %get3A_1135 = arith.constant 96 : index
        %get3A_1136 = tpu.vector_load %arg9[%get3A_1133, %get3A_1134, %get3A_1135] {strides = array<i32>} : memref<2x256x128xf32, #tpu.memory_space<vmem>>, vector<16xf32>,
        %ne3A_1137 = arith.constant 0 : i32
        %ne3A_1138 = arith.cmpi ne, %squeeze3A_1100, %ne3A_1137 : i32
        %select_n3A_1139 = arith.select %ne3A_1138, %get3A_1136, %get3A_1132 : vector<16xf32>
        %swap3A_1140 = arith.index_cast %add3A_1098 : i32 to index
        %swap3A_1141 = arith.constant 32 : index
        %swap3A_1142 = tpu.vector_load %arg10[%swap3A_1140, %swap3A_1141] {strides = array<i32>} : memref<256x64xf32, #tpu.memory_space<vmem>>, vector<16xf32>,
        tpu.vector_store %arg10[%swap3A_1140, %swap3A_1141], %select_n3A_1139 {strides = array<i32>} : memref<256x64xf32, #tpu.memory_space<vmem>>, vector<16xf32>,
        %get3A_1143 = arith.index_cast %rem3A_560 : i32 to index
        %get3A_1144 = arith.index_cast %add3A_1098 : i32 to index
        %get3A_1145 = arith.constant 48 : index
        %get3A_1146 = tpu.vector_load %arg9[%get3A_1143, %get3A_1144, %get3A_1145] {strides = array<i32>} : memref<2x256x128xf32, #tpu.memory_space<vmem>>, vector<16xf32>,
        %get3A_1147 = arith.index_cast %rem3A_560 : i32 to index
        %get3A_1148 = arith.index_cast %add3A_1098 : i32 to index
        %get3A_1149 = arith.constant 112 : index
        %get3A_1150 = tpu.vector_load %arg9[%get3A_1147, %get3A_1148, %get3A_1149] {strides = array<i32>} : memref<2x256x128xf32, #tpu.memory_space<vmem>>, vector<16xf32>,
        %ne3A_1151 = arith.constant 0 : i32
        %ne3A_1152 = arith.cmpi ne, %squeeze3A_1100, %ne3A_1151 : i32
        %select_n3A_1153 = arith.select %ne3A_1152, %get3A_1150, %get3A_1146 : vector<16xf32>
        %swap3A_1154 = arith.index_cast %add3A_1098 : i32 to index
        %swap3A_1155 = arith.constant 48 : index
        %swap3A_1156 = tpu.vector_load %arg10[%swap3A_1154, %swap3A_1155] {strides = array<i32>} : memref<256x64xf32, #tpu.memory_space<vmem>>, vector<16xf32>,
        tpu.vector_store %arg10[%swap3A_1154, %swap3A_1155], %select_n3A_1153 {strides = array<i32>} : memref<256x64xf32, #tpu.memory_space<vmem>>, vector<16xf32>,
        %mul3A_1157 = arith.constant 16 : i32
        %mul3A_1158 = arith.muli %mul3A_1157, %scan3A_597 : i32
        %add3A_1159 = arith.constant 9 : i32
        %add3A_1160 = arith.addi %mul3A_1158, %add3A_1159 : i32
        %slice3A_1161 = vector.extract_strided_slice %get3A_602 {offsets = [9], sizes = [1], strides = [1]} : vector<16xi32> to vector<1xi32>
        %squeeze3A_1162 = vector.extract %slice3A_1161[0] : i32 from vector<1xi32>
        %get3A_1163 = arith.index_cast %rem3A_560 : i32 to index
        %get3A_1164 = arith.index_cast %add3A_1160 : i32 to index
        %get3A_1165 = arith.constant 0 : index
        %get3A_1166 = tpu.vector_load %arg9[%get3A_1163, %get3A_1164, %get3A_1165] {strides = array<i32>} : memref<2x256x128xf32, #tpu.memory_space<vmem>>, vector<16xf32>,
        %get3A_1167 = arith.index_cast %rem3A_560 : i32 to index
        %get3A_1168 = arith.index_cast %add3A_1160 : i32 to index
        %get3A_1169 = arith.constant 64 : index
        %get3A_1170 = tpu.vector_load %arg9[%get3A_1167, %get3A_1168, %get3A_1169] {strides = array<i32>} : memref<2x256x128xf32, #tpu.memory_space<vmem>>, vector<16xf32>,
        %ne3A_1171 = arith.constant 0 : i32
        %ne3A_1172 = arith.cmpi ne, %squeeze3A_1162, %ne3A_1171 : i32
        %select_n3A_1173 = arith.select %ne3A_1172, %get3A_1170, %get3A_1166 : vector<16xf32>
        %swap3A_1174 = arith.index_cast %add3A_1160 : i32 to index
        %swap3A_1175 = arith.constant 0 : index
        %swap3A_1176 = tpu.vector_load %arg10[%swap3A_1174, %swap3A_1175] {strides = array<i32>} : memref<256x64xf32, #tpu.memory_space<vmem>>, vector<16xf32>,
        tpu.vector_store %arg10[%swap3A_1174, %swap3A_1175], %select_n3A_1173 {strides = array<i32>} : memref<256x64xf32, #tpu.memory_space<vmem>>, vector<16xf32>,
        %get3A_1177 = arith.index_cast %rem3A_560 : i32 to index
        %get3A_1178 = arith.index_cast %add3A_1160 : i32 to index
        %get3A_1179 = arith.constant 16 : index
        %get3A_1180 = tpu.vector_load %arg9[%get3A_1177, %get3A_1178, %get3A_1179] {strides = array<i32>} : memref<2x256x128xf32, #tpu.memory_space<vmem>>, vector<16xf32>,
        %get3A_1181 = arith.index_cast %rem3A_560 : i32 to index
        %get3A_1182 = arith.index_cast %add3A_1160 : i32 to index
        %get3A_1183 = arith.constant 80 : index
        %get3A_1184 = tpu.vector_load %arg9[%get3A_1181, %get3A_1182, %get3A_1183] {strides = array<i32>} : memref<2x256x128xf32, #tpu.memory_space<vmem>>, vector<16xf32>,
        %ne3A_1185 = arith.constant 0 : i32
        %ne3A_1186 = arith.cmpi ne, %squeeze3A_1162, %ne3A_1185 : i32
        %select_n3A_1187 = arith.select %ne3A_1186, %get3A_1184, %get3A_1180 : vector<16xf32>
        %swap3A_1188 = arith.index_cast %add3A_1160 : i32 to index
        %swap3A_1189 = arith.constant 16 : index
        %swap3A_1190 = tpu.vector_load %arg10[%swap3A_1188, %swap3A_1189] {strides = array<i32>} : memref<256x64xf32, #tpu.memory_space<vmem>>, vector<16xf32>,
        tpu.vector_store %arg10[%swap3A_1188, %swap3A_1189], %select_n3A_1187 {strides = array<i32>} : memref<256x64xf32, #tpu.memory_space<vmem>>, vector<16xf32>,
        %get3A_1191 = arith.index_cast %rem3A_560 : i32 to index
        %get3A_1192 = arith.index_cast %add3A_1160 : i32 to index
        %get3A_1193 = arith.constant 32 : index
        %get3A_1194 = tpu.vector_load %arg9[%get3A_1191, %get3A_1192, %get3A_1193] {strides = array<i32>} : memref<2x256x128xf32, #tpu.memory_space<vmem>>, vector<16xf32>,
        %get3A_1195 = arith.index_cast %rem3A_560 : i32 to index
        %get3A_1196 = arith.index_cast %add3A_1160 : i32 to index
        %get3A_1197 = arith.constant 96 : index
        %get3A_1198 = tpu.vector_load %arg9[%get3A_1195, %get3A_1196, %get3A_1197] {strides = array<i32>} : memref<2x256x128xf32, #tpu.memory_space<vmem>>, vector<16xf32>,
        %ne3A_1199 = arith.constant 0 : i32
        %ne3A_1200 = arith.cmpi ne, %squeeze3A_1162, %ne3A_1199 : i32
        %select_n3A_1201 = arith.select %ne3A_1200, %get3A_1198, %get3A_1194 : vector<16xf32>
        %swap3A_1202 = arith.index_cast %add3A_1160 : i32 to index
        %swap3A_1203 = arith.constant 32 : index
        %swap3A_1204 = tpu.vector_load %arg10[%swap3A_1202, %swap3A_1203] {strides = array<i32>} : memref<256x64xf32, #tpu.memory_space<vmem>>, vector<16xf32>,
        tpu.vector_store %arg10[%swap3A_1202, %swap3A_1203], %select_n3A_1201 {strides = array<i32>} : memref<256x64xf32, #tpu.memory_space<vmem>>, vector<16xf32>,
        %get3A_1205 = arith.index_cast %rem3A_560 : i32 to index
        %get3A_1206 = arith.index_cast %add3A_1160 : i32 to index
        %get3A_1207 = arith.constant 48 : index
        %get3A_1208 = tpu.vector_load %arg9[%get3A_1205, %get3A_1206, %get3A_1207] {strides = array<i32>} : memref<2x256x128xf32, #tpu.memory_space<vmem>>, vector<16xf32>,
        %get3A_1209 = arith.index_cast %rem3A_560 : i32 to index
        %get3A_1210 = arith.index_cast %add3A_1160 : i32 to index
        %get3A_1211 = arith.constant 112 : index
        %get3A_1212 = tpu.vector_load %arg9[%get3A_1209, %get3A_1210, %get3A_1211] {strides = array<i32>} : memref<2x256x128xf32, #tpu.memory_space<vmem>>, vector<16xf32>,
        %ne3A_1213 = arith.constant 0 : i32
        %ne3A_1214 = arith.cmpi ne, %squeeze3A_1162, %ne3A_1213 : i32
        %select_n3A_1215 = arith.select %ne3A_1214, %get3A_1212, %get3A_1208 : vector<16xf32>
        %swap3A_1216 = arith.index_cast %add3A_1160 : i32 to index
        %swap3A_1217 = arith.constant 48 : index
        %swap3A_1218 = tpu.vector_load %arg10[%swap3A_1216, %swap3A_1217] {strides = array<i32>} : memref<256x64xf32, #tpu.memory_space<vmem>>, vector<16xf32>,
        tpu.vector_store %arg10[%swap3A_1216, %swap3A_1217], %select_n3A_1215 {strides = array<i32>} : memref<256x64xf32, #tpu.memory_space<vmem>>, vector<16xf32>,
        %mul3A_1219 = arith.constant 16 : i32
        %mul3A_1220 = arith.muli %mul3A_1219, %scan3A_597 : i32
        %add3A_1221 = arith.constant 10 : i32
        %add3A_1222 = arith.addi %mul3A_1220, %add3A_1221 : i32
        %slice3A_1223 = vector.extract_strided_slice %get3A_602 {offsets = [10], sizes = [1], strides = [1]} : vector<16xi32> to vector<1xi32>
        %squeeze3A_1224 = vector.extract %slice3A_1223[0] : i32 from vector<1xi32>
        %get3A_1225 = arith.index_cast %rem3A_560 : i32 to index
        %get3A_1226 = arith.index_cast %add3A_1222 : i32 to index
        %get3A_1227 = arith.constant 0 : index
        %get3A_1228 = tpu.vector_load %arg9[%get3A_1225, %get3A_1226, %get3A_1227] {strides = array<i32>} : memref<2x256x128xf32, #tpu.memory_space<vmem>>, vector<16xf32>,
        %get3A_1229 = arith.index_cast %rem3A_560 : i32 to index
        %get3A_1230 = arith.index_cast %add3A_1222 : i32 to index
        %get3A_1231 = arith.constant 64 : index
        %get3A_1232 = tpu.vector_load %arg9[%get3A_1229, %get3A_1230, %get3A_1231] {strides = array<i32>} : memref<2x256x128xf32, #tpu.memory_space<vmem>>, vector<16xf32>,
        %ne3A_1233 = arith.constant 0 : i32
        %ne3A_1234 = arith.cmpi ne, %squeeze3A_1224, %ne3A_1233 : i32
        %select_n3A_1235 = arith.select %ne3A_1234, %get3A_1232, %get3A_1228 : vector<16xf32>
        %swap3A_1236 = arith.index_cast %add3A_1222 : i32 to index
        %swap3A_1237 = arith.constant 0 : index
        %swap3A_1238 = tpu.vector_load %arg10[%swap3A_1236, %swap3A_1237] {strides = array<i32>} : memref<256x64xf32, #tpu.memory_space<vmem>>, vector<16xf32>,
        tpu.vector_store %arg10[%swap3A_1236, %swap3A_1237], %select_n3A_1235 {strides = array<i32>} : memref<256x64xf32, #tpu.memory_space<vmem>>, vector<16xf32>,
        %get3A_1239 = arith.index_cast %rem3A_560 : i32 to index
        %get3A_1240 = arith.index_cast %add3A_1222 : i32 to index
        %get3A_1241 = arith.constant 16 : index
        %get3A_1242 = tpu.vector_load %arg9[%get3A_1239, %get3A_1240, %get3A_1241] {strides = array<i32>} : memref<2x256x128xf32, #tpu.memory_space<vmem>>, vector<16xf32>,
        %get3A_1243 = arith.index_cast %rem3A_560 : i32 to index
        %get3A_1244 = arith.index_cast %add3A_1222 : i32 to index
        %get3A_1245 = arith.constant 80 : index
        %get3A_1246 = tpu.vector_load %arg9[%get3A_1243, %get3A_1244, %get3A_1245] {strides = array<i32>} : memref<2x256x128xf32, #tpu.memory_space<vmem>>, vector<16xf32>,
        %ne3A_1247 = arith.constant 0 : i32
        %ne3A_1248 = arith.cmpi ne, %squeeze3A_1224, %ne3A_1247 : i32
        %select_n3A_1249 = arith.select %ne3A_1248, %get3A_1246, %get3A_1242 : vector<16xf32>
        %swap3A_1250 = arith.index_cast %add3A_1222 : i32 to index
        %swap3A_1251 = arith.constant 16 : index
        %swap3A_1252 = tpu.vector_load %arg10[%swap3A_1250, %swap3A_1251] {strides = array<i32>} : memref<256x64xf32, #tpu.memory_space<vmem>>, vector<16xf32>,
        tpu.vector_store %arg10[%swap3A_1250, %swap3A_1251], %select_n3A_1249 {strides = array<i32>} : memref<256x64xf32, #tpu.memory_space<vmem>>, vector<16xf32>,
        %get3A_1253 = arith.index_cast %rem3A_560 : i32 to index
        %get3A_1254 = arith.index_cast %add3A_1222 : i32 to index
        %get3A_1255 = arith.constant 32 : index
        %get3A_1256 = tpu.vector_load %arg9[%get3A_1253, %get3A_1254, %get3A_1255] {strides = array<i32>} : memref<2x256x128xf32, #tpu.memory_space<vmem>>, vector<16xf32>,
        %get3A_1257 = arith.index_cast %rem3A_560 : i32 to index
        %get3A_1258 = arith.index_cast %add3A_1222 : i32 to index
        %get3A_1259 = arith.constant 96 : index
        %get3A_1260 = tpu.vector_load %arg9[%get3A_1257, %get3A_1258, %get3A_1259] {strides = array<i32>} : memref<2x256x128xf32, #tpu.memory_space<vmem>>, vector<16xf32>,
        %ne3A_1261 = arith.constant 0 : i32
        %ne3A_1262 = arith.cmpi ne, %squeeze3A_1224, %ne3A_1261 : i32
        %select_n3A_1263 = arith.select %ne3A_1262, %get3A_1260, %get3A_1256 : vector<16xf32>
        %swap3A_1264 = arith.index_cast %add3A_1222 : i32 to index
        %swap3A_1265 = arith.constant 32 : index
        %swap3A_1266 = tpu.vector_load %arg10[%swap3A_1264, %swap3A_1265] {strides = array<i32>} : memref<256x64xf32, #tpu.memory_space<vmem>>, vector<16xf32>,
        tpu.vector_store %arg10[%swap3A_1264, %swap3A_1265], %select_n3A_1263 {strides = array<i32>} : memref<256x64xf32, #tpu.memory_space<vmem>>, vector<16xf32>,
        %get3A_1267 = arith.index_cast %rem3A_560 : i32 to index
        %get3A_1268 = arith.index_cast %add3A_1222 : i32 to index
        %get3A_1269 = arith.constant 48 : index
        %get3A_1270 = tpu.vector_load %arg9[%get3A_1267, %get3A_1268, %get3A_1269] {strides = array<i32>} : memref<2x256x128xf32, #tpu.memory_space<vmem>>, vector<16xf32>,
        %get3A_1271 = arith.index_cast %rem3A_560 : i32 to index
        %get3A_1272 = arith.index_cast %add3A_1222 : i32 to index
        %get3A_1273 = arith.constant 112 : index
        %get3A_1274 = tpu.vector_load %arg9[%get3A_1271, %get3A_1272, %get3A_1273] {strides = array<i32>} : memref<2x256x128xf32, #tpu.memory_space<vmem>>, vector<16xf32>,
        %ne3A_1275 = arith.constant 0 : i32
        %ne3A_1276 = arith.cmpi ne, %squeeze3A_1224, %ne3A_1275 : i32
        %select_n3A_1277 = arith.select %ne3A_1276, %get3A_1274, %get3A_1270 : vector<16xf32>
        %swap3A_1278 = arith.index_cast %add3A_1222 : i32 to index
        %swap3A_1279 = arith.constant 48 : index
        %swap3A_1280 = tpu.vector_load %arg10[%swap3A_1278, %swap3A_1279] {strides = array<i32>} : memref<256x64xf32, #tpu.memory_space<vmem>>, vector<16xf32>,
        tpu.vector_store %arg10[%swap3A_1278, %swap3A_1279], %select_n3A_1277 {strides = array<i32>} : memref<256x64xf32, #tpu.memory_space<vmem>>, vector<16xf32>,
        %mul3A_1281 = arith.constant 16 : i32
        %mul3A_1282 = arith.muli %mul3A_1281, %scan3A_597 : i32
        %add3A_1283 = arith.constant 11 : i32
        %add3A_1284 = arith.addi %mul3A_1282, %add3A_1283 : i32
        %slice3A_1285 = vector.extract_strided_slice %get3A_602 {offsets = [11], sizes = [1], strides = [1]} : vector<16xi32> to vector<1xi32>
        %squeeze3A_1286 = vector.extract %slice3A_1285[0] : i32 from vector<1xi32>
        %get3A_1287 = arith.index_cast %rem3A_560 : i32 to index
        %get3A_1288 = arith.index_cast %add3A_1284 : i32 to index
        %get3A_1289 = arith.constant 0 : index
        %get3A_1290 = tpu.vector_load %arg9[%get3A_1287, %get3A_1288, %get3A_1289] {strides = array<i32>} : memref<2x256x128xf32, #tpu.memory_space<vmem>>, vector<16xf32>,
        %get3A_1291 = arith.index_cast %rem3A_560 : i32 to index
        %get3A_1292 = arith.index_cast %add3A_1284 : i32 to index
        %get3A_1293 = arith.constant 64 : index
        %get3A_1294 = tpu.vector_load %arg9[%get3A_1291, %get3A_1292, %get3A_1293] {strides = array<i32>} : memref<2x256x128xf32, #tpu.memory_space<vmem>>, vector<16xf32>,
        %ne3A_1295 = arith.constant 0 : i32
        %ne3A_1296 = arith.cmpi ne, %squeeze3A_1286, %ne3A_1295 : i32
        %select_n3A_1297 = arith.select %ne3A_1296, %get3A_1294, %get3A_1290 : vector<16xf32>
        %swap3A_1298 = arith.index_cast %add3A_1284 : i32 to index
        %swap3A_1299 = arith.constant 0 : index
        %swap3A_1300 = tpu.vector_load %arg10[%swap3A_1298, %swap3A_1299] {strides = array<i32>} : memref<256x64xf32, #tpu.memory_space<vmem>>, vector<16xf32>,
        tpu.vector_store %arg10[%swap3A_1298, %swap3A_1299], %select_n3A_1297 {strides = array<i32>} : memref<256x64xf32, #tpu.memory_space<vmem>>, vector<16xf32>,
        %get3A_1301 = arith.index_cast %rem3A_560 : i32 to index
        %get3A_1302 = arith.index_cast %add3A_1284 : i32 to index
        %get3A_1303 = arith.constant 16 : index
        %get3A_1304 = tpu.vector_load %arg9[%get3A_1301, %get3A_1302, %get3A_1303] {strides = array<i32>} : memref<2x256x128xf32, #tpu.memory_space<vmem>>, vector<16xf32>,
        %get3A_1305 = arith.index_cast %rem3A_560 : i32 to index
        %get3A_1306 = arith.index_cast %add3A_1284 : i32 to index
        %get3A_1307 = arith.constant 80 : index
        %get3A_1308 = tpu.vector_load %arg9[%get3A_1305, %get3A_1306, %get3A_1307] {strides = array<i32>} : memref<2x256x128xf32, #tpu.memory_space<vmem>>, vector<16xf32>,
        %ne3A_1309 = arith.constant 0 : i32
        %ne3A_1310 = arith.cmpi ne, %squeeze3A_1286, %ne3A_1309 : i32
        %select_n3A_1311 = arith.select %ne3A_1310, %get3A_1308, %get3A_1304 : vector<16xf32>
        %swap3A_1312 = arith.index_cast %add3A_1284 : i32 to index
        %swap3A_1313 = arith.constant 16 : index
        %swap3A_1314 = tpu.vector_load %arg10[%swap3A_1312, %swap3A_1313] {strides = array<i32>} : memref<256x64xf32, #tpu.memory_space<vmem>>, vector<16xf32>,
        tpu.vector_store %arg10[%swap3A_1312, %swap3A_1313], %select_n3A_1311 {strides = array<i32>} : memref<256x64xf32, #tpu.memory_space<vmem>>, vector<16xf32>,
        %get3A_1315 = arith.index_cast %rem3A_560 : i32 to index
        %get3A_1316 = arith.index_cast %add3A_1284 : i32 to index
        %get3A_1317 = arith.constant 32 : index
        %get3A_1318 = tpu.vector_load %arg9[%get3A_1315, %get3A_1316, %get3A_1317] {strides = array<i32>} : memref<2x256x128xf32, #tpu.memory_space<vmem>>, vector<16xf32>,
        %get3A_1319 = arith.index_cast %rem3A_560 : i32 to index
        %get3A_1320 = arith.index_cast %add3A_1284 : i32 to index
        %get3A_1321 = arith.constant 96 : index
        %get3A_1322 = tpu.vector_load %arg9[%get3A_1319, %get3A_1320, %get3A_1321] {strides = array<i32>} : memref<2x256x128xf32, #tpu.memory_space<vmem>>, vector<16xf32>,
        %ne3A_1323 = arith.constant 0 : i32
        %ne3A_1324 = arith.cmpi ne, %squeeze3A_1286, %ne3A_1323 : i32
        %select_n3A_1325 = arith.select %ne3A_1324, %get3A_1322, %get3A_1318 : vector<16xf32>
        %swap3A_1326 = arith.index_cast %add3A_1284 : i32 to index
        %swap3A_1327 = arith.constant 32 : index
        %swap3A_1328 = tpu.vector_load %arg10[%swap3A_1326, %swap3A_1327] {strides = array<i32>} : memref<256x64xf32, #tpu.memory_space<vmem>>, vector<16xf32>,
        tpu.vector_store %arg10[%swap3A_1326, %swap3A_1327], %select_n3A_1325 {strides = array<i32>} : memref<256x64xf32, #tpu.memory_space<vmem>>, vector<16xf32>,
        %get3A_1329 = arith.index_cast %rem3A_560 : i32 to index
        %get3A_1330 = arith.index_cast %add3A_1284 : i32 to index
        %get3A_1331 = arith.constant 48 : index
        %get3A_1332 = tpu.vector_load %arg9[%get3A_1329, %get3A_1330, %get3A_1331] {strides = array<i32>} : memref<2x256x128xf32, #tpu.memory_space<vmem>>, vector<16xf32>,
        %get3A_1333 = arith.index_cast %rem3A_560 : i32 to index
        %get3A_1334 = arith.index_cast %add3A_1284 : i32 to index
        %get3A_1335 = arith.constant 112 : index
        %get3A_1336 = tpu.vector_load %arg9[%get3A_1333, %get3A_1334, %get3A_1335] {strides = array<i32>} : memref<2x256x128xf32, #tpu.memory_space<vmem>>, vector<16xf32>,
        %ne3A_1337 = arith.constant 0 : i32
        %ne3A_1338 = arith.cmpi ne, %squeeze3A_1286, %ne3A_1337 : i32
        %select_n3A_1339 = arith.select %ne3A_1338, %get3A_1336, %get3A_1332 : vector<16xf32>
        %swap3A_1340 = arith.index_cast %add3A_1284 : i32 to index
        %swap3A_1341 = arith.constant 48 : index
        %swap3A_1342 = tpu.vector_load %arg10[%swap3A_1340, %swap3A_1341] {strides = array<i32>} : memref<256x64xf32, #tpu.memory_space<vmem>>, vector<16xf32>,
        tpu.vector_store %arg10[%swap3A_1340, %swap3A_1341], %select_n3A_1339 {strides = array<i32>} : memref<256x64xf32, #tpu.memory_space<vmem>>, vector<16xf32>,
        %mul3A_1343 = arith.constant 16 : i32
        %mul3A_1344 = arith.muli %mul3A_1343, %scan3A_597 : i32
        %add3A_1345 = arith.constant 12 : i32
        %add3A_1346 = arith.addi %mul3A_1344, %add3A_1345 : i32
        %slice3A_1347 = vector.extract_strided_slice %get3A_602 {offsets = [12], sizes = [1], strides = [1]} : vector<16xi32> to vector<1xi32>
        %squeeze3A_1348 = vector.extract %slice3A_1347[0] : i32 from vector<1xi32>
        %get3A_1349 = arith.index_cast %rem3A_560 : i32 to index
        %get3A_1350 = arith.index_cast %add3A_1346 : i32 to index
        %get3A_1351 = arith.constant 0 : index
        %get3A_1352 = tpu.vector_load %arg9[%get3A_1349, %get3A_1350, %get3A_1351] {strides = array<i32>} : memref<2x256x128xf32, #tpu.memory_space<vmem>>, vector<16xf32>,
        %get3A_1353 = arith.index_cast %rem3A_560 : i32 to index
        %get3A_1354 = arith.index_cast %add3A_1346 : i32 to index
        %get3A_1355 = arith.constant 64 : index
        %get3A_1356 = tpu.vector_load %arg9[%get3A_1353, %get3A_1354, %get3A_1355] {strides = array<i32>} : memref<2x256x128xf32, #tpu.memory_space<vmem>>, vector<16xf32>,
        %ne3A_1357 = arith.constant 0 : i32
        %ne3A_1358 = arith.cmpi ne, %squeeze3A_1348, %ne3A_1357 : i32
        %select_n3A_1359 = arith.select %ne3A_1358, %get3A_1356, %get3A_1352 : vector<16xf32>
        %swap3A_1360 = arith.index_cast %add3A_1346 : i32 to index
        %swap3A_1361 = arith.constant 0 : index
        %swap3A_1362 = tpu.vector_load %arg10[%swap3A_1360, %swap3A_1361] {strides = array<i32>} : memref<256x64xf32, #tpu.memory_space<vmem>>, vector<16xf32>,
        tpu.vector_store %arg10[%swap3A_1360, %swap3A_1361], %select_n3A_1359 {strides = array<i32>} : memref<256x64xf32, #tpu.memory_space<vmem>>, vector<16xf32>,
        %get3A_1363 = arith.index_cast %rem3A_560 : i32 to index
        %get3A_1364 = arith.index_cast %add3A_1346 : i32 to index
        %get3A_1365 = arith.constant 16 : index
        %get3A_1366 = tpu.vector_load %arg9[%get3A_1363, %get3A_1364, %get3A_1365] {strides = array<i32>} : memref<2x256x128xf32, #tpu.memory_space<vmem>>, vector<16xf32>,
        %get3A_1367 = arith.index_cast %rem3A_560 : i32 to index
        %get3A_1368 = arith.index_cast %add3A_1346 : i32 to index
        %get3A_1369 = arith.constant 80 : index
        %get3A_1370 = tpu.vector_load %arg9[%get3A_1367, %get3A_1368, %get3A_1369] {strides = array<i32>} : memref<2x256x128xf32, #tpu.memory_space<vmem>>, vector<16xf32>,
        %ne3A_1371 = arith.constant 0 : i32
        %ne3A_1372 = arith.cmpi ne, %squeeze3A_1348, %ne3A_1371 : i32
        %select_n3A_1373 = arith.select %ne3A_1372, %get3A_1370, %get3A_1366 : vector<16xf32>
        %swap3A_1374 = arith.index_cast %add3A_1346 : i32 to index
        %swap3A_1375 = arith.constant 16 : index
        %swap3A_1376 = tpu.vector_load %arg10[%swap3A_1374, %swap3A_1375] {strides = array<i32>} : memref<256x64xf32, #tpu.memory_space<vmem>>, vector<16xf32>,
        tpu.vector_store %arg10[%swap3A_1374, %swap3A_1375], %select_n3A_1373 {strides = array<i32>} : memref<256x64xf32, #tpu.memory_space<vmem>>, vector<16xf32>,
        %get3A_1377 = arith.index_cast %rem3A_560 : i32 to index
        %get3A_1378 = arith.index_cast %add3A_1346 : i32 to index
        %get3A_1379 = arith.constant 32 : index
        %get3A_1380 = tpu.vector_load %arg9[%get3A_1377, %get3A_1378, %get3A_1379] {strides = array<i32>} : memref<2x256x128xf32, #tpu.memory_space<vmem>>, vector<16xf32>,
        %get3A_1381 = arith.index_cast %rem3A_560 : i32 to index
        %get3A_1382 = arith.index_cast %add3A_1346 : i32 to index
        %get3A_1383 = arith.constant 96 : index
        %get3A_1384 = tpu.vector_load %arg9[%get3A_1381, %get3A_1382, %get3A_1383] {strides = array<i32>} : memref<2x256x128xf32, #tpu.memory_space<vmem>>, vector<16xf32>,
        %ne3A_1385 = arith.constant 0 : i32
        %ne3A_1386 = arith.cmpi ne, %squeeze3A_1348, %ne3A_1385 : i32
        %select_n3A_1387 = arith.select %ne3A_1386, %get3A_1384, %get3A_1380 : vector<16xf32>
        %swap3A_1388 = arith.index_cast %add3A_1346 : i32 to index
        %swap3A_1389 = arith.constant 32 : index
        %swap3A_1390 = tpu.vector_load %arg10[%swap3A_1388, %swap3A_1389] {strides = array<i32>} : memref<256x64xf32, #tpu.memory_space<vmem>>, vector<16xf32>,
        tpu.vector_store %arg10[%swap3A_1388, %swap3A_1389], %select_n3A_1387 {strides = array<i32>} : memref<256x64xf32, #tpu.memory_space<vmem>>, vector<16xf32>,
        %get3A_1391 = arith.index_cast %rem3A_560 : i32 to index
        %get3A_1392 = arith.index_cast %add3A_1346 : i32 to index
        %get3A_1393 = arith.constant 48 : index
        %get3A_1394 = tpu.vector_load %arg9[%get3A_1391, %get3A_1392, %get3A_1393] {strides = array<i32>} : memref<2x256x128xf32, #tpu.memory_space<vmem>>, vector<16xf32>,
        %get3A_1395 = arith.index_cast %rem3A_560 : i32 to index
        %get3A_1396 = arith.index_cast %add3A_1346 : i32 to index
        %get3A_1397 = arith.constant 112 : index
        %get3A_1398 = tpu.vector_load %arg9[%get3A_1395, %get3A_1396, %get3A_1397] {strides = array<i32>} : memref<2x256x128xf32, #tpu.memory_space<vmem>>, vector<16xf32>,
        %ne3A_1399 = arith.constant 0 : i32
        %ne3A_1400 = arith.cmpi ne, %squeeze3A_1348, %ne3A_1399 : i32
        %select_n3A_1401 = arith.select %ne3A_1400, %get3A_1398, %get3A_1394 : vector<16xf32>
        %swap3A_1402 = arith.index_cast %add3A_1346 : i32 to index
        %swap3A_1403 = arith.constant 48 : index
        %swap3A_1404 = tpu.vector_load %arg10[%swap3A_1402, %swap3A_1403] {strides = array<i32>} : memref<256x64xf32, #tpu.memory_space<vmem>>, vector<16xf32>,
        tpu.vector_store %arg10[%swap3A_1402, %swap3A_1403], %select_n3A_1401 {strides = array<i32>} : memref<256x64xf32, #tpu.memory_space<vmem>>, vector<16xf32>,
        %mul3A_1405 = arith.constant 16 : i32
        %mul3A_1406 = arith.muli %mul3A_1405, %scan3A_597 : i32
        %add3A_1407 = arith.constant 13 : i32
        %add3A_1408 = arith.addi %mul3A_1406, %add3A_1407 : i32
        %slice3A_1409 = vector.extract_strided_slice %get3A_602 {offsets = [13], sizes = [1], strides = [1]} : vector<16xi32> to vector<1xi32>
        %squeeze3A_1410 = vector.extract %slice3A_1409[0] : i32 from vector<1xi32>
        %get3A_1411 = arith.index_cast %rem3A_560 : i32 to index
        %get3A_1412 = arith.index_cast %add3A_1408 : i32 to index
        %get3A_1413 = arith.constant 0 : index
        %get3A_1414 = tpu.vector_load %arg9[%get3A_1411, %get3A_1412, %get3A_1413] {strides = array<i32>} : memref<2x256x128xf32, #tpu.memory_space<vmem>>, vector<16xf32>,
        %get3A_1415 = arith.index_cast %rem3A_560 : i32 to index
        %get3A_1416 = arith.index_cast %add3A_1408 : i32 to index
        %get3A_1417 = arith.constant 64 : index
        %get3A_1418 = tpu.vector_load %arg9[%get3A_1415, %get3A_1416, %get3A_1417] {strides = array<i32>} : memref<2x256x128xf32, #tpu.memory_space<vmem>>, vector<16xf32>,
        %ne3A_1419 = arith.constant 0 : i32
        %ne3A_1420 = arith.cmpi ne, %squeeze3A_1410, %ne3A_1419 : i32
        %select_n3A_1421 = arith.select %ne3A_1420, %get3A_1418, %get3A_1414 : vector<16xf32>
        %swap3A_1422 = arith.index_cast %add3A_1408 : i32 to index
        %swap3A_1423 = arith.constant 0 : index
        %swap3A_1424 = tpu.vector_load %arg10[%swap3A_1422, %swap3A_1423] {strides = array<i32>} : memref<256x64xf32, #tpu.memory_space<vmem>>, vector<16xf32>,
        tpu.vector_store %arg10[%swap3A_1422, %swap3A_1423], %select_n3A_1421 {strides = array<i32>} : memref<256x64xf32, #tpu.memory_space<vmem>>, vector<16xf32>,
        %get3A_1425 = arith.index_cast %rem3A_560 : i32 to index
        %get3A_1426 = arith.index_cast %add3A_1408 : i32 to index
        %get3A_1427 = arith.constant 16 : index
        %get3A_1428 = tpu.vector_load %arg9[%get3A_1425, %get3A_1426, %get3A_1427] {strides = array<i32>} : memref<2x256x128xf32, #tpu.memory_space<vmem>>, vector<16xf32>,
        %get3A_1429 = arith.index_cast %rem3A_560 : i32 to index
        %get3A_1430 = arith.index_cast %add3A_1408 : i32 to index
        %get3A_1431 = arith.constant 80 : index
        %get3A_1432 = tpu.vector_load %arg9[%get3A_1429, %get3A_1430, %get3A_1431] {strides = array<i32>} : memref<2x256x128xf32, #tpu.memory_space<vmem>>, vector<16xf32>,
        %ne3A_1433 = arith.constant 0 : i32
        %ne3A_1434 = arith.cmpi ne, %squeeze3A_1410, %ne3A_1433 : i32
        %select_n3A_1435 = arith.select %ne3A_1434, %get3A_1432, %get3A_1428 : vector<16xf32>
        %swap3A_1436 = arith.index_cast %add3A_1408 : i32 to index
        %swap3A_1437 = arith.constant 16 : index
        %swap3A_1438 = tpu.vector_load %arg10[%swap3A_1436, %swap3A_1437] {strides = array<i32>} : memref<256x64xf32, #tpu.memory_space<vmem>>, vector<16xf32>,
        tpu.vector_store %arg10[%swap3A_1436, %swap3A_1437], %select_n3A_1435 {strides = array<i32>} : memref<256x64xf32, #tpu.memory_space<vmem>>, vector<16xf32>,
        %get3A_1439 = arith.index_cast %rem3A_560 : i32 to index
        %get3A_1440 = arith.index_cast %add3A_1408 : i32 to index
        %get3A_1441 = arith.constant 32 : index
        %get3A_1442 = tpu.vector_load %arg9[%get3A_1439, %get3A_1440, %get3A_1441] {strides = array<i32>} : memref<2x256x128xf32, #tpu.memory_space<vmem>>, vector<16xf32>,
        %get3A_1443 = arith.index_cast %rem3A_560 : i32 to index
        %get3A_1444 = arith.index_cast %add3A_1408 : i32 to index
        %get3A_1445 = arith.constant 96 : index
        %get3A_1446 = tpu.vector_load %arg9[%get3A_1443, %get3A_1444, %get3A_1445] {strides = array<i32>} : memref<2x256x128xf32, #tpu.memory_space<vmem>>, vector<16xf32>,
        %ne3A_1447 = arith.constant 0 : i32
        %ne3A_1448 = arith.cmpi ne, %squeeze3A_1410, %ne3A_1447 : i32
        %select_n3A_1449 = arith.select %ne3A_1448, %get3A_1446, %get3A_1442 : vector<16xf32>
        %swap3A_1450 = arith.index_cast %add3A_1408 : i32 to index
        %swap3A_1451 = arith.constant 32 : index
        %swap3A_1452 = tpu.vector_load %arg10[%swap3A_1450, %swap3A_1451] {strides = array<i32>} : memref<256x64xf32, #tpu.memory_space<vmem>>, vector<16xf32>,
        tpu.vector_store %arg10[%swap3A_1450, %swap3A_1451], %select_n3A_1449 {strides = array<i32>} : memref<256x64xf32, #tpu.memory_space<vmem>>, vector<16xf32>,
        %get3A_1453 = arith.index_cast %rem3A_560 : i32 to index
        %get3A_1454 = arith.index_cast %add3A_1408 : i32 to index
        %get3A_1455 = arith.constant 48 : index
        %get3A_1456 = tpu.vector_load %arg9[%get3A_1453, %get3A_1454, %get3A_1455] {strides = array<i32>} : memref<2x256x128xf32, #tpu.memory_space<vmem>>, vector<16xf32>,
        %get3A_1457 = arith.index_cast %rem3A_560 : i32 to index
        %get3A_1458 = arith.index_cast %add3A_1408 : i32 to index
        %get3A_1459 = arith.constant 112 : index
        %get3A_1460 = tpu.vector_load %arg9[%get3A_1457, %get3A_1458, %get3A_1459] {strides = array<i32>} : memref<2x256x128xf32, #tpu.memory_space<vmem>>, vector<16xf32>,
        %ne3A_1461 = arith.constant 0 : i32
        %ne3A_1462 = arith.cmpi ne, %squeeze3A_1410, %ne3A_1461 : i32
        %select_n3A_1463 = arith.select %ne3A_1462, %get3A_1460, %get3A_1456 : vector<16xf32>
        %swap3A_1464 = arith.index_cast %add3A_1408 : i32 to index
        %swap3A_1465 = arith.constant 48 : index
        %swap3A_1466 = tpu.vector_load %arg10[%swap3A_1464, %swap3A_1465] {strides = array<i32>} : memref<256x64xf32, #tpu.memory_space<vmem>>, vector<16xf32>,
        tpu.vector_store %arg10[%swap3A_1464, %swap3A_1465], %select_n3A_1463 {strides = array<i32>} : memref<256x64xf32, #tpu.memory_space<vmem>>, vector<16xf32>,
        %mul3A_1467 = arith.constant 16 : i32
        %mul3A_1468 = arith.muli %mul3A_1467, %scan3A_597 : i32
        %add3A_1469 = arith.constant 14 : i32
        %add3A_1470 = arith.addi %mul3A_1468, %add3A_1469 : i32
        %slice3A_1471 = vector.extract_strided_slice %get3A_602 {offsets = [14], sizes = [1], strides = [1]} : vector<16xi32> to vector<1xi32>
        %squeeze3A_1472 = vector.extract %slice3A_1471[0] : i32 from vector<1xi32>
        %get3A_1473 = arith.index_cast %rem3A_560 : i32 to index
        %get3A_1474 = arith.index_cast %add3A_1470 : i32 to index
        %get3A_1475 = arith.constant 0 : index
        %get3A_1476 = tpu.vector_load %arg9[%get3A_1473, %get3A_1474, %get3A_1475] {strides = array<i32>} : memref<2x256x128xf32, #tpu.memory_space<vmem>>, vector<16xf32>,
        %get3A_1477 = arith.index_cast %rem3A_560 : i32 to index
        %get3A_1478 = arith.index_cast %add3A_1470 : i32 to index
        %get3A_1479 = arith.constant 64 : index
        %get3A_1480 = tpu.vector_load %arg9[%get3A_1477, %get3A_1478, %get3A_1479] {strides = array<i32>} : memref<2x256x128xf32, #tpu.memory_space<vmem>>, vector<16xf32>,
        %ne3A_1481 = arith.constant 0 : i32
        %ne3A_1482 = arith.cmpi ne, %squeeze3A_1472, %ne3A_1481 : i32
        %select_n3A_1483 = arith.select %ne3A_1482, %get3A_1480, %get3A_1476 : vector<16xf32>
        %swap3A_1484 = arith.index_cast %add3A_1470 : i32 to index
        %swap3A_1485 = arith.constant 0 : index
        %swap3A_1486 = tpu.vector_load %arg10[%swap3A_1484, %swap3A_1485] {strides = array<i32>} : memref<256x64xf32, #tpu.memory_space<vmem>>, vector<16xf32>,
        tpu.vector_store %arg10[%swap3A_1484, %swap3A_1485], %select_n3A_1483 {strides = array<i32>} : memref<256x64xf32, #tpu.memory_space<vmem>>, vector<16xf32>,
        %get3A_1487 = arith.index_cast %rem3A_560 : i32 to index
        %get3A_1488 = arith.index_cast %add3A_1470 : i32 to index
        %get3A_1489 = arith.constant 16 : index
        %get3A_1490 = tpu.vector_load %arg9[%get3A_1487, %get3A_1488, %get3A_1489] {strides = array<i32>} : memref<2x256x128xf32, #tpu.memory_space<vmem>>, vector<16xf32>,
        %get3A_1491 = arith.index_cast %rem3A_560 : i32 to index
        %get3A_1492 = arith.index_cast %add3A_1470 : i32 to index
        %get3A_1493 = arith.constant 80 : index
        %get3A_1494 = tpu.vector_load %arg9[%get3A_1491, %get3A_1492, %get3A_1493] {strides = array<i32>} : memref<2x256x128xf32, #tpu.memory_space<vmem>>, vector<16xf32>,
        %ne3A_1495 = arith.constant 0 : i32
        %ne3A_1496 = arith.cmpi ne, %squeeze3A_1472, %ne3A_1495 : i32
        %select_n3A_1497 = arith.select %ne3A_1496, %get3A_1494, %get3A_1490 : vector<16xf32>
        %swap3A_1498 = arith.index_cast %add3A_1470 : i32 to index
        %swap3A_1499 = arith.constant 16 : index
        %swap3A_1500 = tpu.vector_load %arg10[%swap3A_1498, %swap3A_1499] {strides = array<i32>} : memref<256x64xf32, #tpu.memory_space<vmem>>, vector<16xf32>,
        tpu.vector_store %arg10[%swap3A_1498, %swap3A_1499], %select_n3A_1497 {strides = array<i32>} : memref<256x64xf32, #tpu.memory_space<vmem>>, vector<16xf32>,
        %get3A_1501 = arith.index_cast %rem3A_560 : i32 to index
        %get3A_1502 = arith.index_cast %add3A_1470 : i32 to index
        %get3A_1503 = arith.constant 32 : index
        %get3A_1504 = tpu.vector_load %arg9[%get3A_1501, %get3A_1502, %get3A_1503] {strides = array<i32>} : memref<2x256x128xf32, #tpu.memory_space<vmem>>, vector<16xf32>,
        %get3A_1505 = arith.index_cast %rem3A_560 : i32 to index
        %get3A_1506 = arith.index_cast %add3A_1470 : i32 to index
        %get3A_1507 = arith.constant 96 : index
        %get3A_1508 = tpu.vector_load %arg9[%get3A_1505, %get3A_1506, %get3A_1507] {strides = array<i32>} : memref<2x256x128xf32, #tpu.memory_space<vmem>>, vector<16xf32>,
        %ne3A_1509 = arith.constant 0 : i32
        %ne3A_1510 = arith.cmpi ne, %squeeze3A_1472, %ne3A_1509 : i32
        %select_n3A_1511 = arith.select %ne3A_1510, %get3A_1508, %get3A_1504 : vector<16xf32>
        %swap3A_1512 = arith.index_cast %add3A_1470 : i32 to index
        %swap3A_1513 = arith.constant 32 : index
        %swap3A_1514 = tpu.vector_load %arg10[%swap3A_1512, %swap3A_1513] {strides = array<i32>} : memref<256x64xf32, #tpu.memory_space<vmem>>, vector<16xf32>,
        tpu.vector_store %arg10[%swap3A_1512, %swap3A_1513], %select_n3A_1511 {strides = array<i32>} : memref<256x64xf32, #tpu.memory_space<vmem>>, vector<16xf32>,
        %get3A_1515 = arith.index_cast %rem3A_560 : i32 to index
        %get3A_1516 = arith.index_cast %add3A_1470 : i32 to index
        %get3A_1517 = arith.constant 48 : index
        %get3A_1518 = tpu.vector_load %arg9[%get3A_1515, %get3A_1516, %get3A_1517] {strides = array<i32>} : memref<2x256x128xf32, #tpu.memory_space<vmem>>, vector<16xf32>,
        %get3A_1519 = arith.index_cast %rem3A_560 : i32 to index
        %get3A_1520 = arith.index_cast %add3A_1470 : i32 to index
        %get3A_1521 = arith.constant 112 : index
        %get3A_1522 = tpu.vector_load %arg9[%get3A_1519, %get3A_1520, %get3A_1521] {strides = array<i32>} : memref<2x256x128xf32, #tpu.memory_space<vmem>>, vector<16xf32>,
        %ne3A_1523 = arith.constant 0 : i32
        %ne3A_1524 = arith.cmpi ne, %squeeze3A_1472, %ne3A_1523 : i32
        %select_n3A_1525 = arith.select %ne3A_1524, %get3A_1522, %get3A_1518 : vector<16xf32>
        %swap3A_1526 = arith.index_cast %add3A_1470 : i32 to index
        %swap3A_1527 = arith.constant 48 : index
        %swap3A_1528 = tpu.vector_load %arg10[%swap3A_1526, %swap3A_1527] {strides = array<i32>} : memref<256x64xf32, #tpu.memory_space<vmem>>, vector<16xf32>,
        tpu.vector_store %arg10[%swap3A_1526, %swap3A_1527], %select_n3A_1525 {strides = array<i32>} : memref<256x64xf32, #tpu.memory_space<vmem>>, vector<16xf32>,
        %mul3A_1529 = arith.constant 16 : i32
        %mul3A_1530 = arith.muli %mul3A_1529, %scan3A_597 : i32
        %add3A_1531 = arith.constant 15 : i32
        %add3A_1532 = arith.addi %mul3A_1530, %add3A_1531 : i32
        %slice3A_1533 = vector.extract_strided_slice %get3A_602 {offsets = [15], sizes = [1], strides = [1]} : vector<16xi32> to vector<1xi32>
        %squeeze3A_1534 = vector.extract %slice3A_1533[0] : i32 from vector<1xi32>
        %get3A_1535 = arith.index_cast %rem3A_560 : i32 to index
        %get3A_1536 = arith.index_cast %add3A_1532 : i32 to index
        %get3A_1537 = arith.constant 0 : index
        %get3A_1538 = tpu.vector_load %arg9[%get3A_1535, %get3A_1536, %get3A_1537] {strides = array<i32>} : memref<2x256x128xf32, #tpu.memory_space<vmem>>, vector<16xf32>,
        %get3A_1539 = arith.index_cast %rem3A_560 : i32 to index
        %get3A_1540 = arith.index_cast %add3A_1532 : i32 to index
        %get3A_1541 = arith.constant 64 : index
        %get3A_1542 = tpu.vector_load %arg9[%get3A_1539, %get3A_1540, %get3A_1541] {strides = array<i32>} : memref<2x256x128xf32, #tpu.memory_space<vmem>>, vector<16xf32>,
        %ne3A_1543 = arith.constant 0 : i32
        %ne3A_1544 = arith.cmpi ne, %squeeze3A_1534, %ne3A_1543 : i32
        %select_n3A_1545 = arith.select %ne3A_1544, %get3A_1542, %get3A_1538 : vector<16xf32>
        %swap3A_1546 = arith.index_cast %add3A_1532 : i32 to index
        %swap3A_1547 = arith.constant 0 : index
        %swap3A_1548 = tpu.vector_load %arg10[%swap3A_1546, %swap3A_1547] {strides = array<i32>} : memref<256x64xf32, #tpu.memory_space<vmem>>, vector<16xf32>,
        tpu.vector_store %arg10[%swap3A_1546, %swap3A_1547], %select_n3A_1545 {strides = array<i32>} : memref<256x64xf32, #tpu.memory_space<vmem>>, vector<16xf32>,
        %get3A_1549 = arith.index_cast %rem3A_560 : i32 to index
        %get3A_1550 = arith.index_cast %add3A_1532 : i32 to index
        %get3A_1551 = arith.constant 16 : index
        %get3A_1552 = tpu.vector_load %arg9[%get3A_1549, %get3A_1550, %get3A_1551] {strides = array<i32>} : memref<2x256x128xf32, #tpu.memory_space<vmem>>, vector<16xf32>,
        %get3A_1553 = arith.index_cast %rem3A_560 : i32 to index
        %get3A_1554 = arith.index_cast %add3A_1532 : i32 to index
        %get3A_1555 = arith.constant 80 : index
        %get3A_1556 = tpu.vector_load %arg9[%get3A_1553, %get3A_1554, %get3A_1555] {strides = array<i32>} : memref<2x256x128xf32, #tpu.memory_space<vmem>>, vector<16xf32>,
        %ne3A_1557 = arith.constant 0 : i32
        %ne3A_1558 = arith.cmpi ne, %squeeze3A_1534, %ne3A_1557 : i32
        %select_n3A_1559 = arith.select %ne3A_1558, %get3A_1556, %get3A_1552 : vector<16xf32>
        %swap3A_1560 = arith.index_cast %add3A_1532 : i32 to index
        %swap3A_1561 = arith.constant 16 : index
        %swap3A_1562 = tpu.vector_load %arg10[%swap3A_1560, %swap3A_1561] {strides = array<i32>} : memref<256x64xf32, #tpu.memory_space<vmem>>, vector<16xf32>,
        tpu.vector_store %arg10[%swap3A_1560, %swap3A_1561], %select_n3A_1559 {strides = array<i32>} : memref<256x64xf32, #tpu.memory_space<vmem>>, vector<16xf32>,
        %get3A_1563 = arith.index_cast %rem3A_560 : i32 to index
        %get3A_1564 = arith.index_cast %add3A_1532 : i32 to index
        %get3A_1565 = arith.constant 32 : index
        %get3A_1566 = tpu.vector_load %arg9[%get3A_1563, %get3A_1564, %get3A_1565] {strides = array<i32>} : memref<2x256x128xf32, #tpu.memory_space<vmem>>, vector<16xf32>,
        %get3A_1567 = arith.index_cast %rem3A_560 : i32 to index
        %get3A_1568 = arith.index_cast %add3A_1532 : i32 to index
        %get3A_1569 = arith.constant 96 : index
        %get3A_1570 = tpu.vector_load %arg9[%get3A_1567, %get3A_1568, %get3A_1569] {strides = array<i32>} : memref<2x256x128xf32, #tpu.memory_space<vmem>>, vector<16xf32>,
        %ne3A_1571 = arith.constant 0 : i32
        %ne3A_1572 = arith.cmpi ne, %squeeze3A_1534, %ne3A_1571 : i32
        %select_n3A_1573 = arith.select %ne3A_1572, %get3A_1570, %get3A_1566 : vector<16xf32>
        %swap3A_1574 = arith.index_cast %add3A_1532 : i32 to index
        %swap3A_1575 = arith.constant 32 : index
        %swap3A_1576 = tpu.vector_load %arg10[%swap3A_1574, %swap3A_1575] {strides = array<i32>} : memref<256x64xf32, #tpu.memory_space<vmem>>, vector<16xf32>,
        tpu.vector_store %arg10[%swap3A_1574, %swap3A_1575], %select_n3A_1573 {strides = array<i32>} : memref<256x64xf32, #tpu.memory_space<vmem>>, vector<16xf32>,
        %get3A_1577 = arith.index_cast %rem3A_560 : i32 to index
        %get3A_1578 = arith.index_cast %add3A_1532 : i32 to index
        %get3A_1579 = arith.constant 48 : index
        %get3A_1580 = tpu.vector_load %arg9[%get3A_1577, %get3A_1578, %get3A_1579] {strides = array<i32>} : memref<2x256x128xf32, #tpu.memory_space<vmem>>, vector<16xf32>,
        %get3A_1581 = arith.index_cast %rem3A_560 : i32 to index
        %get3A_1582 = arith.index_cast %add3A_1532 : i32 to index
        %get3A_1583 = arith.constant 112 : index
        %get3A_1584 = tpu.vector_load %arg9[%get3A_1581, %get3A_1582, %get3A_1583] {strides = array<i32>} : memref<2x256x128xf32, #tpu.memory_space<vmem>>, vector<16xf32>,
        %ne3A_1585 = arith.constant 0 : i32
        %ne3A_1586 = arith.cmpi ne, %squeeze3A_1534, %ne3A_1585 : i32
        %select_n3A_1587 = arith.select %ne3A_1586, %get3A_1584, %get3A_1580 : vector<16xf32>
        %swap3A_1588 = arith.index_cast %add3A_1532 : i32 to index
        %swap3A_1589 = arith.constant 48 : index
        %swap3A_1590 = tpu.vector_load %arg10[%swap3A_1588, %swap3A_1589] {strides = array<i32>} : memref<256x64xf32, #tpu.memory_space<vmem>>, vector<16xf32>,
        tpu.vector_store %arg10[%swap3A_1588, %swap3A_1589], %select_n3A_1587 {strides = array<i32>} : memref<256x64xf32, #tpu.memory_space<vmem>>, vector<16xf32>,
      }
      %scan3A_582 = arith.constant 16 : i32
      %mul3A_583 = arith.constant 256 : i32
      %mul3A_584 = arith.muli %scan3A_559, %mul3A_583 : i32
      %add3A_585 = arith.addi %mul3A_2, %mul3A_584 : i32
      %dma_start3A_586 = arith.constant 0 : i32
      %dma_start3A_587 = tpu.memref_slice %arg4[%add3A_585, %dma_start3A_586] : memref<819200x64xf32, #tpu.memory_space<hbm>> -> memref<256x64xf32, #tpu.memory_space<hbm>>
      %dma_start3A_588 = arith.constant 0 : i32
      %dma_start3A_589 = tpu.memref_slice %arg4[%add3A_585, %dma_start3A_588] : memref<819200x64xf32, #tpu.memory_space<hbm>> -> memref<256x64xf32, #tpu.memory_space<hbm>>
      tpu.enqueue_dma source(%arg10 : memref<256x64xf32, #tpu.memory_space<vmem>>) target(%dma_start3A_589 : memref<256x64xf32, #tpu.memory_space<hbm>>) target_semaphore(%arg12 : memref<!tpu.dma_semaphore, #tpu.memory_space<semaphore_mem>>)
      %add3A_590 = arith.constant 2 : i32
      %add3A_591 = arith.addi %scan3A_559, %add3A_590 : i32
      %lt3A_592 = arith.constant 100 : i32
      %lt3A_593 = arith.cmpi slt, %add3A_591, %lt3A_592 : i32
      %convert_element_type3A_594 = arith.extui %lt3A_593 : i1 to i32
      %cond3A_595 = arith.constant 0 : i32
      %cond3A_596 = arith.cmpi ne, %convert_element_type3A_594, %cond3A_595 : i32
      scf.if %cond3A_596 {
        %add3A_597 = arith.constant 2 : i32
        %add3A_598 = arith.addi %scan3A_559, %add3A_597 : i32
        %eq3A = arith.constant 0 : i32
        %eq3A_599 = arith.cmpi eq, %rem3A_560, %eq3A : i32
        %convert_element_type3A_600 = arith.extui %eq3A_599 : i1 to i32
        %cond3A_601 = arith.constant 0 : i32
        %cond3A_602 = arith.cmpi ne, %convert_element_type3A_600, %cond3A_601 : i32
        scf.if %cond3A_602 {
          %mul3A_607 = arith.constant 256 : i32
          %mul3A_608 = arith.muli %add3A_598, %mul3A_607 : i32
          %add3A_609 = arith.constant 0 : i32
          %add3A_610 = arith.addi %mul3A_608, %add3A_609 : i32
          %get3A_611 = arith.index_cast %add3A_610 : i32 to index
          %get3A_612 = tpu.vector_load %arg5[%get3A_611] {strides = array<i32>} : memref<25600xi32, #tpu.memory_space<vmem>>, vector<16xi32>,
          %shift_right_logical3A_613 = arith.constant 1 : i32
          %shift_right_logical3A_614 = vector.broadcast %shift_right_logical3A_613 : i32 to vector<16xi32>
          %shift_right_logical3A_615 = arith.shrui %get3A_612, %shift_right_logical3A_614 : vector<16xi32>
          %swap3A_616 = arith.constant 0 : index
          %swap3A_617 = tpu.vector_load %arg6[%swap3A_616] {strides = array<i32>} : memref<256xi32, #tpu.memory_space<vmem>>, vector<16xi32>,
          tpu.vector_store %arg6[%swap3A_616], %shift_right_logical3A_615 {strides = array<i32>} : memref<256xi32, #tpu.memory_space<vmem>>, vector<16xi32>,
          %and3A_618 = arith.constant 1 : i32
          %and3A_619 = vector.broadcast %and3A_618 : i32 to vector<16xi32>
          %and3A_620 = arith.andi %get3A_612, %and3A_619 : vector<16xi32>
          %shift_left3A_621 = arith.constant 6 : i32
          %shift_left3A_622 = vector.broadcast %shift_left3A_621 : i32 to vector<16xi32>
          %shift_left3A_623 = arith.shli %and3A_620, %shift_left3A_622 : vector<16xi32>
          %swap3A_624 = arith.constant 0 : i32
          %swap3A_625 = arith.index_cast %swap3A_624 : i32 to index
          %swap3A_626 = arith.constant 0 : index
          %swap3A_627 = tpu.vector_load %arg8[%swap3A_625, %swap3A_626] {strides = array<i32>} : memref<2x256xi32, #tpu.memory_space<vmem>>, vector<16xi32>,
          tpu.vector_store %arg8[%swap3A_625, %swap3A_626], %shift_left3A_623 {strides = array<i32>} : memref<2x256xi32, #tpu.memory_space<vmem>>, vector<16xi32>,
          %mul3A_628 = arith.constant 256 : i32
          %mul3A_629 = arith.muli %add3A_598, %mul3A_628 : i32
          %add3A_630 = arith.constant 16 : i32
          %add3A_631 = arith.addi %mul3A_629, %add3A_630 : i32
          %get3A_632 = arith.index_cast %add3A_631 : i32 to index
          %get3A_633 = tpu.vector_load %arg5[%get3A_632] {strides = array<i32>} : memref<25600xi32, #tpu.memory_space<vmem>>, vector<16xi32>,
          %shift_right_logical3A_634 = arith.constant 1 : i32
          %shift_right_logical3A_635 = vector.broadcast %shift_right_logical3A_634 : i32 to vector<16xi32>
          %shift_right_logical3A_636 = arith.shrui %get3A_633, %shift_right_logical3A_635 : vector<16xi32>
          %swap3A_637 = arith.constant 16 : index
          %swap3A_638 = tpu.vector_load %arg6[%swap3A_637] {strides = array<i32>} : memref<256xi32, #tpu.memory_space<vmem>>, vector<16xi32>,
          tpu.vector_store %arg6[%swap3A_637], %shift_right_logical3A_636 {strides = array<i32>} : memref<256xi32, #tpu.memory_space<vmem>>, vector<16xi32>,
          %and3A_639 = arith.constant 1 : i32
          %and3A_640 = vector.broadcast %and3A_639 : i32 to vector<16xi32>
          %and3A_641 = arith.andi %get3A_633, %and3A_640 : vector<16xi32>
          %shift_left3A_642 = arith.constant 6 : i32
          %shift_left3A_643 = vector.broadcast %shift_left3A_642 : i32 to vector<16xi32>
          %shift_left3A_644 = arith.shli %and3A_641, %shift_left3A_643 : vector<16xi32>
          %swap3A_645 = arith.constant 0 : i32
          %swap3A_646 = arith.index_cast %swap3A_645 : i32 to index
          %swap3A_647 = arith.constant 16 : index
          %swap3A_648 = tpu.vector_load %arg8[%swap3A_646, %swap3A_647] {strides = array<i32>} : memref<2x256xi32, #tpu.memory_space<vmem>>, vector<16xi32>,
          tpu.vector_store %arg8[%swap3A_646, %swap3A_647], %shift_left3A_644 {strides = array<i32>} : memref<2x256xi32, #tpu.memory_space<vmem>>, vector<16xi32>,
          %mul3A_649 = arith.constant 256 : i32
          %mul3A_650 = arith.muli %add3A_598, %mul3A_649 : i32
          %add3A_651 = arith.constant 32 : i32
          %add3A_652 = arith.addi %mul3A_650, %add3A_651 : i32
          %get3A_653 = arith.index_cast %add3A_652 : i32 to index
          %get3A_654 = tpu.vector_load %arg5[%get3A_653] {strides = array<i32>} : memref<25600xi32, #tpu.memory_space<vmem>>, vector<16xi32>,
          %shift_right_logical3A_655 = arith.constant 1 : i32
          %shift_right_logical3A_656 = vector.broadcast %shift_right_logical3A_655 : i32 to vector<16xi32>
          %shift_right_logical3A_657 = arith.shrui %get3A_654, %shift_right_logical3A_656 : vector<16xi32>
          %swap3A_658 = arith.constant 32 : index
          %swap3A_659 = tpu.vector_load %arg6[%swap3A_658] {strides = array<i32>} : memref<256xi32, #tpu.memory_space<vmem>>, vector<16xi32>,
          tpu.vector_store %arg6[%swap3A_658], %shift_right_logical3A_657 {strides = array<i32>} : memref<256xi32, #tpu.memory_space<vmem>>, vector<16xi32>,
          %and3A_660 = arith.constant 1 : i32
          %and3A_661 = vector.broadcast %and3A_660 : i32 to vector<16xi32>
          %and3A_662 = arith.andi %get3A_654, %and3A_661 : vector<16xi32>
          %shift_left3A_663 = arith.constant 6 : i32
          %shift_left3A_664 = vector.broadcast %shift_left3A_663 : i32 to vector<16xi32>
          %shift_left3A_665 = arith.shli %and3A_662, %shift_left3A_664 : vector<16xi32>
          %swap3A_666 = arith.constant 0 : i32
          %swap3A_667 = arith.index_cast %swap3A_666 : i32 to index
          %swap3A_668 = arith.constant 32 : index
          %swap3A_669 = tpu.vector_load %arg8[%swap3A_667, %swap3A_668] {strides = array<i32>} : memref<2x256xi32, #tpu.memory_space<vmem>>, vector<16xi32>,
          tpu.vector_store %arg8[%swap3A_667, %swap3A_668], %shift_left3A_665 {strides = array<i32>} : memref<2x256xi32, #tpu.memory_space<vmem>>, vector<16xi32>,
          %mul3A_670 = arith.constant 256 : i32
          %mul3A_671 = arith.muli %add3A_598, %mul3A_670 : i32
          %add3A_672 = arith.constant 48 : i32
          %add3A_673 = arith.addi %mul3A_671, %add3A_672 : i32
          %get3A_674 = arith.index_cast %add3A_673 : i32 to index
          %get3A_675 = tpu.vector_load %arg5[%get3A_674] {strides = array<i32>} : memref<25600xi32, #tpu.memory_space<vmem>>, vector<16xi32>,
          %shift_right_logical3A_676 = arith.constant 1 : i32
          %shift_right_logical3A_677 = vector.broadcast %shift_right_logical3A_676 : i32 to vector<16xi32>
          %shift_right_logical3A_678 = arith.shrui %get3A_675, %shift_right_logical3A_677 : vector<16xi32>
          %swap3A_679 = arith.constant 48 : index
          %swap3A_680 = tpu.vector_load %arg6[%swap3A_679] {strides = array<i32>} : memref<256xi32, #tpu.memory_space<vmem>>, vector<16xi32>,
          tpu.vector_store %arg6[%swap3A_679], %shift_right_logical3A_678 {strides = array<i32>} : memref<256xi32, #tpu.memory_space<vmem>>, vector<16xi32>,
          %and3A_681 = arith.constant 1 : i32
          %and3A_682 = vector.broadcast %and3A_681 : i32 to vector<16xi32>
          %and3A_683 = arith.andi %get3A_675, %and3A_682 : vector<16xi32>
          %shift_left3A_684 = arith.constant 6 : i32
          %shift_left3A_685 = vector.broadcast %shift_left3A_684 : i32 to vector<16xi32>
          %shift_left3A_686 = arith.shli %and3A_683, %shift_left3A_685 : vector<16xi32>
          %swap3A_687 = arith.constant 0 : i32
          %swap3A_688 = arith.index_cast %swap3A_687 : i32 to index
          %swap3A_689 = arith.constant 48 : index
          %swap3A_690 = tpu.vector_load %arg8[%swap3A_688, %swap3A_689] {strides = array<i32>} : memref<2x256xi32, #tpu.memory_space<vmem>>, vector<16xi32>,
          tpu.vector_store %arg8[%swap3A_688, %swap3A_689], %shift_left3A_686 {strides = array<i32>} : memref<2x256xi32, #tpu.memory_space<vmem>>, vector<16xi32>,
          %mul3A_691 = arith.constant 256 : i32
          %mul3A_692 = arith.muli %add3A_598, %mul3A_691 : i32
          %add3A_693 = arith.constant 64 : i32
          %add3A_694 = arith.addi %mul3A_692, %add3A_693 : i32
          %get3A_695 = arith.index_cast %add3A_694 : i32 to index
          %get3A_696 = tpu.vector_load %arg5[%get3A_695] {strides = array<i32>} : memref<25600xi32, #tpu.memory_space<vmem>>, vector<16xi32>,
          %shift_right_logical3A_697 = arith.constant 1 : i32
          %shift_right_logical3A_698 = vector.broadcast %shift_right_logical3A_697 : i32 to vector<16xi32>
          %shift_right_logical3A_699 = arith.shrui %get3A_696, %shift_right_logical3A_698 : vector<16xi32>
          %swap3A_700 = arith.constant 64 : index
          %swap3A_701 = tpu.vector_load %arg6[%swap3A_700] {strides = array<i32>} : memref<256xi32, #tpu.memory_space<vmem>>, vector<16xi32>,
          tpu.vector_store %arg6[%swap3A_700], %shift_right_logical3A_699 {strides = array<i32>} : memref<256xi32, #tpu.memory_space<vmem>>, vector<16xi32>,
          %and3A_702 = arith.constant 1 : i32
          %and3A_703 = vector.broadcast %and3A_702 : i32 to vector<16xi32>
          %and3A_704 = arith.andi %get3A_696, %and3A_703 : vector<16xi32>
          %shift_left3A_705 = arith.constant 6 : i32
          %shift_left3A_706 = vector.broadcast %shift_left3A_705 : i32 to vector<16xi32>
          %shift_left3A_707 = arith.shli %and3A_704, %shift_left3A_706 : vector<16xi32>
          %swap3A_708 = arith.constant 0 : i32
          %swap3A_709 = arith.index_cast %swap3A_708 : i32 to index
          %swap3A_710 = arith.constant 64 : index
          %swap3A_711 = tpu.vector_load %arg8[%swap3A_709, %swap3A_710] {strides = array<i32>} : memref<2x256xi32, #tpu.memory_space<vmem>>, vector<16xi32>,
          tpu.vector_store %arg8[%swap3A_709, %swap3A_710], %shift_left3A_707 {strides = array<i32>} : memref<2x256xi32, #tpu.memory_space<vmem>>, vector<16xi32>,
          %mul3A_712 = arith.constant 256 : i32
          %mul3A_713 = arith.muli %add3A_598, %mul3A_712 : i32
          %add3A_714 = arith.constant 80 : i32
          %add3A_715 = arith.addi %mul3A_713, %add3A_714 : i32
          %get3A_716 = arith.index_cast %add3A_715 : i32 to index
          %get3A_717 = tpu.vector_load %arg5[%get3A_716] {strides = array<i32>} : memref<25600xi32, #tpu.memory_space<vmem>>, vector<16xi32>,
          %shift_right_logical3A_718 = arith.constant 1 : i32
          %shift_right_logical3A_719 = vector.broadcast %shift_right_logical3A_718 : i32 to vector<16xi32>
          %shift_right_logical3A_720 = arith.shrui %get3A_717, %shift_right_logical3A_719 : vector<16xi32>
          %swap3A_721 = arith.constant 80 : index
          %swap3A_722 = tpu.vector_load %arg6[%swap3A_721] {strides = array<i32>} : memref<256xi32, #tpu.memory_space<vmem>>, vector<16xi32>,
          tpu.vector_store %arg6[%swap3A_721], %shift_right_logical3A_720 {strides = array<i32>} : memref<256xi32, #tpu.memory_space<vmem>>, vector<16xi32>,
          %and3A_723 = arith.constant 1 : i32
          %and3A_724 = vector.broadcast %and3A_723 : i32 to vector<16xi32>
          %and3A_725 = arith.andi %get3A_717, %and3A_724 : vector<16xi32>
          %shift_left3A_726 = arith.constant 6 : i32
          %shift_left3A_727 = vector.broadcast %shift_left3A_726 : i32 to vector<16xi32>
          %shift_left3A_728 = arith.shli %and3A_725, %shift_left3A_727 : vector<16xi32>
          %swap3A_729 = arith.constant 0 : i32
          %swap3A_730 = arith.index_cast %swap3A_729 : i32 to index
          %swap3A_731 = arith.constant 80 : index
          %swap3A_732 = tpu.vector_load %arg8[%swap3A_730, %swap3A_731] {strides = array<i32>} : memref<2x256xi32, #tpu.memory_space<vmem>>, vector<16xi32>,
          tpu.vector_store %arg8[%swap3A_730, %swap3A_731], %shift_left3A_728 {strides = array<i32>} : memref<2x256xi32, #tpu.memory_space<vmem>>, vector<16xi32>,
          %mul3A_733 = arith.constant 256 : i32
          %mul3A_734 = arith.muli %add3A_598, %mul3A_733 : i32
          %add3A_735 = arith.constant 96 : i32
          %add3A_736 = arith.addi %mul3A_734, %add3A_735 : i32
          %get3A_737 = arith.index_cast %add3A_736 : i32 to index
          %get3A_738 = tpu.vector_load %arg5[%get3A_737] {strides = array<i32>} : memref<25600xi32, #tpu.memory_space<vmem>>, vector<16xi32>,
          %shift_right_logical3A_739 = arith.constant 1 : i32
          %shift_right_logical3A_740 = vector.broadcast %shift_right_logical3A_739 : i32 to vector<16xi32>
          %shift_right_logical3A_741 = arith.shrui %get3A_738, %shift_right_logical3A_740 : vector<16xi32>
          %swap3A_742 = arith.constant 96 : index
          %swap3A_743 = tpu.vector_load %arg6[%swap3A_742] {strides = array<i32>} : memref<256xi32, #tpu.memory_space<vmem>>, vector<16xi32>,
          tpu.vector_store %arg6[%swap3A_742], %shift_right_logical3A_741 {strides = array<i32>} : memref<256xi32, #tpu.memory_space<vmem>>, vector<16xi32>,
          %and3A_744 = arith.constant 1 : i32
          %and3A_745 = vector.broadcast %and3A_744 : i32 to vector<16xi32>
          %and3A_746 = arith.andi %get3A_738, %and3A_745 : vector<16xi32>
          %shift_left3A_747 = arith.constant 6 : i32
          %shift_left3A_748 = vector.broadcast %shift_left3A_747 : i32 to vector<16xi32>
          %shift_left3A_749 = arith.shli %and3A_746, %shift_left3A_748 : vector<16xi32>
          %swap3A_750 = arith.constant 0 : i32
          %swap3A_751 = arith.index_cast %swap3A_750 : i32 to index
          %swap3A_752 = arith.constant 96 : index
          %swap3A_753 = tpu.vector_load %arg8[%swap3A_751, %swap3A_752] {strides = array<i32>} : memref<2x256xi32, #tpu.memory_space<vmem>>, vector<16xi32>,
          tpu.vector_store %arg8[%swap3A_751, %swap3A_752], %shift_left3A_749 {strides = array<i32>} : memref<2x256xi32, #tpu.memory_space<vmem>>, vector<16xi32>,
          %mul3A_754 = arith.constant 256 : i32
          %mul3A_755 = arith.muli %add3A_598, %mul3A_754 : i32
          %add3A_756 = arith.constant 112 : i32
          %add3A_757 = arith.addi %mul3A_755, %add3A_756 : i32
          %get3A_758 = arith.index_cast %add3A_757 : i32 to index
          %get3A_759 = tpu.vector_load %arg5[%get3A_758] {strides = array<i32>} : memref<25600xi32, #tpu.memory_space<vmem>>, vector<16xi32>,
          %shift_right_logical3A_760 = arith.constant 1 : i32
          %shift_right_logical3A_761 = vector.broadcast %shift_right_logical3A_760 : i32 to vector<16xi32>
          %shift_right_logical3A_762 = arith.shrui %get3A_759, %shift_right_logical3A_761 : vector<16xi32>
          %swap3A_763 = arith.constant 112 : index
          %swap3A_764 = tpu.vector_load %arg6[%swap3A_763] {strides = array<i32>} : memref<256xi32, #tpu.memory_space<vmem>>, vector<16xi32>,
          tpu.vector_store %arg6[%swap3A_763], %shift_right_logical3A_762 {strides = array<i32>} : memref<256xi32, #tpu.memory_space<vmem>>, vector<16xi32>,
          %and3A_765 = arith.constant 1 : i32
          %and3A_766 = vector.broadcast %and3A_765 : i32 to vector<16xi32>
          %and3A_767 = arith.andi %get3A_759, %and3A_766 : vector<16xi32>
          %shift_left3A_768 = arith.constant 6 : i32
          %shift_left3A_769 = vector.broadcast %shift_left3A_768 : i32 to vector<16xi32>
          %shift_left3A_770 = arith.shli %and3A_767, %shift_left3A_769 : vector<16xi32>
          %swap3A_771 = arith.constant 0 : i32
          %swap3A_772 = arith.index_cast %swap3A_771 : i32 to index
          %swap3A_773 = arith.constant 112 : index
          %swap3A_774 = tpu.vector_load %arg8[%swap3A_772, %swap3A_773] {strides = array<i32>} : memref<2x256xi32, #tpu.memory_space<vmem>>, vector<16xi32>,
          tpu.vector_store %arg8[%swap3A_772, %swap3A_773], %shift_left3A_770 {strides = array<i32>} : memref<2x256xi32, #tpu.memory_space<vmem>>, vector<16xi32>,
          %mul3A_775 = arith.constant 256 : i32
          %mul3A_776 = arith.muli %add3A_598, %mul3A_775 : i32
          %add3A_777 = arith.constant 128 : i32
          %add3A_778 = arith.addi %mul3A_776, %add3A_777 : i32
          %get3A_779 = arith.index_cast %add3A_778 : i32 to index
          %get3A_780 = tpu.vector_load %arg5[%get3A_779] {strides = array<i32>} : memref<25600xi32, #tpu.memory_space<vmem>>, vector<16xi32>,
          %shift_right_logical3A_781 = arith.constant 1 : i32
          %shift_right_logical3A_782 = vector.broadcast %shift_right_logical3A_781 : i32 to vector<16xi32>
          %shift_right_logical3A_783 = arith.shrui %get3A_780, %shift_right_logical3A_782 : vector<16xi32>
          %swap3A_784 = arith.constant 128 : index
          %swap3A_785 = tpu.vector_load %arg6[%swap3A_784] {strides = array<i32>} : memref<256xi32, #tpu.memory_space<vmem>>, vector<16xi32>,
          tpu.vector_store %arg6[%swap3A_784], %shift_right_logical3A_783 {strides = array<i32>} : memref<256xi32, #tpu.memory_space<vmem>>, vector<16xi32>,
          %and3A_786 = arith.constant 1 : i32
          %and3A_787 = vector.broadcast %and3A_786 : i32 to vector<16xi32>
          %and3A_788 = arith.andi %get3A_780, %and3A_787 : vector<16xi32>
          %shift_left3A_789 = arith.constant 6 : i32
          %shift_left3A_790 = vector.broadcast %shift_left3A_789 : i32 to vector<16xi32>
          %shift_left3A_791 = arith.shli %and3A_788, %shift_left3A_790 : vector<16xi32>
          %swap3A_792 = arith.constant 0 : i32
          %swap3A_793 = arith.index_cast %swap3A_792 : i32 to index
          %swap3A_794 = arith.constant 128 : index
          %swap3A_795 = tpu.vector_load %arg8[%swap3A_793, %swap3A_794] {strides = array<i32>} : memref<2x256xi32, #tpu.memory_space<vmem>>, vector<16xi32>,
          tpu.vector_store %arg8[%swap3A_793, %swap3A_794], %shift_left3A_791 {strides = array<i32>} : memref<2x256xi32, #tpu.memory_space<vmem>>, vector<16xi32>,
          %mul3A_796 = arith.constant 256 : i32
          %mul3A_797 = arith.muli %add3A_598, %mul3A_796 : i32
          %add3A_798 = arith.constant 144 : i32
          %add3A_799 = arith.addi %mul3A_797, %add3A_798 : i32
          %get3A_800 = arith.index_cast %add3A_799 : i32 to index
          %get3A_801 = tpu.vector_load %arg5[%get3A_800] {strides = array<i32>} : memref<25600xi32, #tpu.memory_space<vmem>>, vector<16xi32>,
          %shift_right_logical3A_802 = arith.constant 1 : i32
          %shift_right_logical3A_803 = vector.broadcast %shift_right_logical3A_802 : i32 to vector<16xi32>
          %shift_right_logical3A_804 = arith.shrui %get3A_801, %shift_right_logical3A_803 : vector<16xi32>
          %swap3A_805 = arith.constant 144 : index
          %swap3A_806 = tpu.vector_load %arg6[%swap3A_805] {strides = array<i32>} : memref<256xi32, #tpu.memory_space<vmem>>, vector<16xi32>,
          tpu.vector_store %arg6[%swap3A_805], %shift_right_logical3A_804 {strides = array<i32>} : memref<256xi32, #tpu.memory_space<vmem>>, vector<16xi32>,
          %and3A_807 = arith.constant 1 : i32
          %and3A_808 = vector.broadcast %and3A_807 : i32 to vector<16xi32>
          %and3A_809 = arith.andi %get3A_801, %and3A_808 : vector<16xi32>
          %shift_left3A_810 = arith.constant 6 : i32
          %shift_left3A_811 = vector.broadcast %shift_left3A_810 : i32 to vector<16xi32>
          %shift_left3A_812 = arith.shli %and3A_809, %shift_left3A_811 : vector<16xi32>
          %swap3A_813 = arith.constant 0 : i32
          %swap3A_814 = arith.index_cast %swap3A_813 : i32 to index
          %swap3A_815 = arith.constant 144 : index
          %swap3A_816 = tpu.vector_load %arg8[%swap3A_814, %swap3A_815] {strides = array<i32>} : memref<2x256xi32, #tpu.memory_space<vmem>>, vector<16xi32>,
          tpu.vector_store %arg8[%swap3A_814, %swap3A_815], %shift_left3A_812 {strides = array<i32>} : memref<2x256xi32, #tpu.memory_space<vmem>>, vector<16xi32>,
          %mul3A_817 = arith.constant 256 : i32
          %mul3A_818 = arith.muli %add3A_598, %mul3A_817 : i32
          %add3A_819 = arith.constant 160 : i32
          %add3A_820 = arith.addi %mul3A_818, %add3A_819 : i32
          %get3A_821 = arith.index_cast %add3A_820 : i32 to index
          %get3A_822 = tpu.vector_load %arg5[%get3A_821] {strides = array<i32>} : memref<25600xi32, #tpu.memory_space<vmem>>, vector<16xi32>,
          %shift_right_logical3A_823 = arith.constant 1 : i32
          %shift_right_logical3A_824 = vector.broadcast %shift_right_logical3A_823 : i32 to vector<16xi32>
          %shift_right_logical3A_825 = arith.shrui %get3A_822, %shift_right_logical3A_824 : vector<16xi32>
          %swap3A_826 = arith.constant 160 : index
          %swap3A_827 = tpu.vector_load %arg6[%swap3A_826] {strides = array<i32>} : memref<256xi32, #tpu.memory_space<vmem>>, vector<16xi32>,
          tpu.vector_store %arg6[%swap3A_826], %shift_right_logical3A_825 {strides = array<i32>} : memref<256xi32, #tpu.memory_space<vmem>>, vector<16xi32>,
          %and3A_828 = arith.constant 1 : i32
          %and3A_829 = vector.broadcast %and3A_828 : i32 to vector<16xi32>
          %and3A_830 = arith.andi %get3A_822, %and3A_829 : vector<16xi32>
          %shift_left3A_831 = arith.constant 6 : i32
          %shift_left3A_832 = vector.broadcast %shift_left3A_831 : i32 to vector<16xi32>
          %shift_left3A_833 = arith.shli %and3A_830, %shift_left3A_832 : vector<16xi32>
          %swap3A_834 = arith.constant 0 : i32
          %swap3A_835 = arith.index_cast %swap3A_834 : i32 to index
          %swap3A_836 = arith.constant 160 : index
          %swap3A_837 = tpu.vector_load %arg8[%swap3A_835, %swap3A_836] {strides = array<i32>} : memref<2x256xi32, #tpu.memory_space<vmem>>, vector<16xi32>,
          tpu.vector_store %arg8[%swap3A_835, %swap3A_836], %shift_left3A_833 {strides = array<i32>} : memref<2x256xi32, #tpu.memory_space<vmem>>, vector<16xi32>,
          %mul3A_838 = arith.constant 256 : i32
          %mul3A_839 = arith.muli %add3A_598, %mul3A_838 : i32
          %add3A_840 = arith.constant 176 : i32
          %add3A_841 = arith.addi %mul3A_839, %add3A_840 : i32
          %get3A_842 = arith.index_cast %add3A_841 : i32 to index
          %get3A_843 = tpu.vector_load %arg5[%get3A_842] {strides = array<i32>} : memref<25600xi32, #tpu.memory_space<vmem>>, vector<16xi32>,
          %shift_right_logical3A_844 = arith.constant 1 : i32
          %shift_right_logical3A_845 = vector.broadcast %shift_right_logical3A_844 : i32 to vector<16xi32>
          %shift_right_logical3A_846 = arith.shrui %get3A_843, %shift_right_logical3A_845 : vector<16xi32>
          %swap3A_847 = arith.constant 176 : index
          %swap3A_848 = tpu.vector_load %arg6[%swap3A_847] {strides = array<i32>} : memref<256xi32, #tpu.memory_space<vmem>>, vector<16xi32>,
          tpu.vector_store %arg6[%swap3A_847], %shift_right_logical3A_846 {strides = array<i32>} : memref<256xi32, #tpu.memory_space<vmem>>, vector<16xi32>,
          %and3A_849 = arith.constant 1 : i32
          %and3A_850 = vector.broadcast %and3A_849 : i32 to vector<16xi32>
          %and3A_851 = arith.andi %get3A_843, %and3A_850 : vector<16xi32>
          %shift_left3A_852 = arith.constant 6 : i32
          %shift_left3A_853 = vector.broadcast %shift_left3A_852 : i32 to vector<16xi32>
          %shift_left3A_854 = arith.shli %and3A_851, %shift_left3A_853 : vector<16xi32>
          %swap3A_855 = arith.constant 0 : i32
          %swap3A_856 = arith.index_cast %swap3A_855 : i32 to index
          %swap3A_857 = arith.constant 176 : index
          %swap3A_858 = tpu.vector_load %arg8[%swap3A_856, %swap3A_857] {strides = array<i32>} : memref<2x256xi32, #tpu.memory_space<vmem>>, vector<16xi32>,
          tpu.vector_store %arg8[%swap3A_856, %swap3A_857], %shift_left3A_854 {strides = array<i32>} : memref<2x256xi32, #tpu.memory_space<vmem>>, vector<16xi32>,
          %mul3A_859 = arith.constant 256 : i32
          %mul3A_860 = arith.muli %add3A_598, %mul3A_859 : i32
          %add3A_861 = arith.constant 192 : i32
          %add3A_862 = arith.addi %mul3A_860, %add3A_861 : i32
          %get3A_863 = arith.index_cast %add3A_862 : i32 to index
          %get3A_864 = tpu.vector_load %arg5[%get3A_863] {strides = array<i32>} : memref<25600xi32, #tpu.memory_space<vmem>>, vector<16xi32>,
          %shift_right_logical3A_865 = arith.constant 1 : i32
          %shift_right_logical3A_866 = vector.broadcast %shift_right_logical3A_865 : i32 to vector<16xi32>
          %shift_right_logical3A_867 = arith.shrui %get3A_864, %shift_right_logical3A_866 : vector<16xi32>
          %swap3A_868 = arith.constant 192 : index
          %swap3A_869 = tpu.vector_load %arg6[%swap3A_868] {strides = array<i32>} : memref<256xi32, #tpu.memory_space<vmem>>, vector<16xi32>,
          tpu.vector_store %arg6[%swap3A_868], %shift_right_logical3A_867 {strides = array<i32>} : memref<256xi32, #tpu.memory_space<vmem>>, vector<16xi32>,
          %and3A_870 = arith.constant 1 : i32
          %and3A_871 = vector.broadcast %and3A_870 : i32 to vector<16xi32>
          %and3A_872 = arith.andi %get3A_864, %and3A_871 : vector<16xi32>
          %shift_left3A_873 = arith.constant 6 : i32
          %shift_left3A_874 = vector.broadcast %shift_left3A_873 : i32 to vector<16xi32>
          %shift_left3A_875 = arith.shli %and3A_872, %shift_left3A_874 : vector<16xi32>
          %swap3A_876 = arith.constant 0 : i32
          %swap3A_877 = arith.index_cast %swap3A_876 : i32 to index
          %swap3A_878 = arith.constant 192 : index
          %swap3A_879 = tpu.vector_load %arg8[%swap3A_877, %swap3A_878] {strides = array<i32>} : memref<2x256xi32, #tpu.memory_space<vmem>>, vector<16xi32>,
          tpu.vector_store %arg8[%swap3A_877, %swap3A_878], %shift_left3A_875 {strides = array<i32>} : memref<2x256xi32, #tpu.memory_space<vmem>>, vector<16xi32>,
          %mul3A_880 = arith.constant 256 : i32
          %mul3A_881 = arith.muli %add3A_598, %mul3A_880 : i32
          %add3A_882 = arith.constant 208 : i32
          %add3A_883 = arith.addi %mul3A_881, %add3A_882 : i32
          %get3A_884 = arith.index_cast %add3A_883 : i32 to index
          %get3A_885 = tpu.vector_load %arg5[%get3A_884] {strides = array<i32>} : memref<25600xi32, #tpu.memory_space<vmem>>, vector<16xi32>,
          %shift_right_logical3A_886 = arith.constant 1 : i32
          %shift_right_logical3A_887 = vector.broadcast %shift_right_logical3A_886 : i32 to vector<16xi32>
          %shift_right_logical3A_888 = arith.shrui %get3A_885, %shift_right_logical3A_887 : vector<16xi32>
          %swap3A_889 = arith.constant 208 : index
          %swap3A_890 = tpu.vector_load %arg6[%swap3A_889] {strides = array<i32>} : memref<256xi32, #tpu.memory_space<vmem>>, vector<16xi32>,
          tpu.vector_store %arg6[%swap3A_889], %shift_right_logical3A_888 {strides = array<i32>} : memref<256xi32, #tpu.memory_space<vmem>>, vector<16xi32>,
          %and3A_891 = arith.constant 1 : i32
          %and3A_892 = vector.broadcast %and3A_891 : i32 to vector<16xi32>
          %and3A_893 = arith.andi %get3A_885, %and3A_892 : vector<16xi32>
          %shift_left3A_894 = arith.constant 6 : i32
          %shift_left3A_895 = vector.broadcast %shift_left3A_894 : i32 to vector<16xi32>
          %shift_left3A_896 = arith.shli %and3A_893, %shift_left3A_895 : vector<16xi32>
          %swap3A_897 = arith.constant 0 : i32
          %swap3A_898 = arith.index_cast %swap3A_897 : i32 to index
          %swap3A_899 = arith.constant 208 : index
          %swap3A_900 = tpu.vector_load %arg8[%swap3A_898, %swap3A_899] {strides = array<i32>} : memref<2x256xi32, #tpu.memory_space<vmem>>, vector<16xi32>,
          tpu.vector_store %arg8[%swap3A_898, %swap3A_899], %shift_left3A_896 {strides = array<i32>} : memref<2x256xi32, #tpu.memory_space<vmem>>, vector<16xi32>,
          %mul3A_901 = arith.constant 256 : i32
          %mul3A_902 = arith.muli %add3A_598, %mul3A_901 : i32
          %add3A_903 = arith.constant 224 : i32
          %add3A_904 = arith.addi %mul3A_902, %add3A_903 : i32
          %get3A_905 = arith.index_cast %add3A_904 : i32 to index
          %get3A_906 = tpu.vector_load %arg5[%get3A_905] {strides = array<i32>} : memref<25600xi32, #tpu.memory_space<vmem>>, vector<16xi32>,
          %shift_right_logical3A_907 = arith.constant 1 : i32
          %shift_right_logical3A_908 = vector.broadcast %shift_right_logical3A_907 : i32 to vector<16xi32>
          %shift_right_logical3A_909 = arith.shrui %get3A_906, %shift_right_logical3A_908 : vector<16xi32>
          %swap3A_910 = arith.constant 224 : index
          %swap3A_911 = tpu.vector_load %arg6[%swap3A_910] {strides = array<i32>} : memref<256xi32, #tpu.memory_space<vmem>>, vector<16xi32>,
          tpu.vector_store %arg6[%swap3A_910], %shift_right_logical3A_909 {strides = array<i32>} : memref<256xi32, #tpu.memory_space<vmem>>, vector<16xi32>,
          %and3A_912 = arith.constant 1 : i32
          %and3A_913 = vector.broadcast %and3A_912 : i32 to vector<16xi32>
          %and3A_914 = arith.andi %get3A_906, %and3A_913 : vector<16xi32>
          %shift_left3A_915 = arith.constant 6 : i32
          %shift_left3A_916 = vector.broadcast %shift_left3A_915 : i32 to vector<16xi32>
          %shift_left3A_917 = arith.shli %and3A_914, %shift_left3A_916 : vector<16xi32>
          %swap3A_918 = arith.constant 0 : i32
          %swap3A_919 = arith.index_cast %swap3A_918 : i32 to index
          %swap3A_920 = arith.constant 224 : index
          %swap3A_921 = tpu.vector_load %arg8[%swap3A_919, %swap3A_920] {strides = array<i32>} : memref<2x256xi32, #tpu.memory_space<vmem>>, vector<16xi32>,
          tpu.vector_store %arg8[%swap3A_919, %swap3A_920], %shift_left3A_917 {strides = array<i32>} : memref<2x256xi32, #tpu.memory_space<vmem>>, vector<16xi32>,
          %mul3A_922 = arith.constant 256 : i32
          %mul3A_923 = arith.muli %add3A_598, %mul3A_922 : i32
          %add3A_924 = arith.constant 240 : i32
          %add3A_925 = arith.addi %mul3A_923, %add3A_924 : i32
          %get3A_926 = arith.index_cast %add3A_925 : i32 to index
          %get3A_927 = tpu.vector_load %arg5[%get3A_926] {strides = array<i32>} : memref<25600xi32, #tpu.memory_space<vmem>>, vector<16xi32>,
          %shift_right_logical3A_928 = arith.constant 1 : i32
          %shift_right_logical3A_929 = vector.broadcast %shift_right_logical3A_928 : i32 to vector<16xi32>
          %shift_right_logical3A_930 = arith.shrui %get3A_927, %shift_right_logical3A_929 : vector<16xi32>
          %swap3A_931 = arith.constant 240 : index
          %swap3A_932 = tpu.vector_load %arg6[%swap3A_931] {strides = array<i32>} : memref<256xi32, #tpu.memory_space<vmem>>, vector<16xi32>,
          tpu.vector_store %arg6[%swap3A_931], %shift_right_logical3A_930 {strides = array<i32>} : memref<256xi32, #tpu.memory_space<vmem>>, vector<16xi32>,
          %and3A_933 = arith.constant 1 : i32
          %and3A_934 = vector.broadcast %and3A_933 : i32 to vector<16xi32>
          %and3A_935 = arith.andi %get3A_927, %and3A_934 : vector<16xi32>
          %shift_left3A_936 = arith.constant 6 : i32
          %shift_left3A_937 = vector.broadcast %shift_left3A_936 : i32 to vector<16xi32>
          %shift_left3A_938 = arith.shli %and3A_935, %shift_left3A_937 : vector<16xi32>
          %swap3A_939 = arith.constant 0 : i32
          %swap3A_940 = arith.index_cast %swap3A_939 : i32 to index
          %swap3A_941 = arith.constant 240 : index
          %swap3A_942 = tpu.vector_load %arg8[%swap3A_940, %swap3A_941] {strides = array<i32>} : memref<2x256xi32, #tpu.memory_space<vmem>>, vector<16xi32>,
          tpu.vector_store %arg8[%swap3A_940, %swap3A_941], %shift_left3A_938 {strides = array<i32>} : memref<2x256xi32, #tpu.memory_space<vmem>>, vector<16xi32>,
        } else {
        }
        %ne3A = arith.constant 0 : i32
        %ne3A_603 = arith.cmpi ne, %rem3A_560, %ne3A : i32
        %convert_element_type3A_604 = arith.extui %ne3A_603 : i1 to i32
        %cond3A_605 = arith.constant 0 : i32
        %cond3A_606 = arith.cmpi ne, %convert_element_type3A_604, %cond3A_605 : i32
        scf.if %cond3A_606 {
          %mul3A_607 = arith.constant 256 : i32
          %mul3A_608 = arith.muli %add3A_598, %mul3A_607 : i32
          %add3A_609 = arith.constant 0 : i32
          %add3A_610 = arith.addi %mul3A_608, %add3A_609 : i32
          %get3A_611 = arith.index_cast %add3A_610 : i32 to index
          %get3A_612 = tpu.vector_load %arg5[%get3A_611] {strides = array<i32>} : memref<25600xi32, #tpu.memory_space<vmem>>, vector<16xi32>,
          %shift_right_logical3A_613 = arith.constant 1 : i32
          %shift_right_logical3A_614 = vector.broadcast %shift_right_logical3A_613 : i32 to vector<16xi32>
          %shift_right_logical3A_615 = arith.shrui %get3A_612, %shift_right_logical3A_614 : vector<16xi32>
          %swap3A_616 = arith.constant 0 : index
          %swap3A_617 = tpu.vector_load %arg7[%swap3A_616] {strides = array<i32>} : memref<256xi32, #tpu.memory_space<vmem>>, vector<16xi32>,
          tpu.vector_store %arg7[%swap3A_616], %shift_right_logical3A_615 {strides = array<i32>} : memref<256xi32, #tpu.memory_space<vmem>>, vector<16xi32>,
          %and3A_618 = arith.constant 1 : i32
          %and3A_619 = vector.broadcast %and3A_618 : i32 to vector<16xi32>
          %and3A_620 = arith.andi %get3A_612, %and3A_619 : vector<16xi32>
          %shift_left3A_621 = arith.constant 6 : i32
          %shift_left3A_622 = vector.broadcast %shift_left3A_621 : i32 to vector<16xi32>
          %shift_left3A_623 = arith.shli %and3A_620, %shift_left3A_622 : vector<16xi32>
          %swap3A_624 = arith.constant 1 : i32
          %swap3A_625 = arith.index_cast %swap3A_624 : i32 to index
          %swap3A_626 = arith.constant 0 : index
          %swap3A_627 = tpu.vector_load %arg8[%swap3A_625, %swap3A_626] {strides = array<i32>} : memref<2x256xi32, #tpu.memory_space<vmem>>, vector<16xi32>,
          tpu.vector_store %arg8[%swap3A_625, %swap3A_626], %shift_left3A_623 {strides = array<i32>} : memref<2x256xi32, #tpu.memory_space<vmem>>, vector<16xi32>,
          %mul3A_628 = arith.constant 256 : i32
          %mul3A_629 = arith.muli %add3A_598, %mul3A_628 : i32
          %add3A_630 = arith.constant 16 : i32
          %add3A_631 = arith.addi %mul3A_629, %add3A_630 : i32
          %get3A_632 = arith.index_cast %add3A_631 : i32 to index
          %get3A_633 = tpu.vector_load %arg5[%get3A_632] {strides = array<i32>} : memref<25600xi32, #tpu.memory_space<vmem>>, vector<16xi32>,
          %shift_right_logical3A_634 = arith.constant 1 : i32
          %shift_right_logical3A_635 = vector.broadcast %shift_right_logical3A_634 : i32 to vector<16xi32>
          %shift_right_logical3A_636 = arith.shrui %get3A_633, %shift_right_logical3A_635 : vector<16xi32>
          %swap3A_637 = arith.constant 16 : index
          %swap3A_638 = tpu.vector_load %arg7[%swap3A_637] {strides = array<i32>} : memref<256xi32, #tpu.memory_space<vmem>>, vector<16xi32>,
          tpu.vector_store %arg7[%swap3A_637], %shift_right_logical3A_636 {strides = array<i32>} : memref<256xi32, #tpu.memory_space<vmem>>, vector<16xi32>,
          %and3A_639 = arith.constant 1 : i32
          %and3A_640 = vector.broadcast %and3A_639 : i32 to vector<16xi32>
          %and3A_641 = arith.andi %get3A_633, %and3A_640 : vector<16xi32>
          %shift_left3A_642 = arith.constant 6 : i32
          %shift_left3A_643 = vector.broadcast %shift_left3A_642 : i32 to vector<16xi32>
          %shift_left3A_644 = arith.shli %and3A_641, %shift_left3A_643 : vector<16xi32>
          %swap3A_645 = arith.constant 1 : i32
          %swap3A_646 = arith.index_cast %swap3A_645 : i32 to index
          %swap3A_647 = arith.constant 16 : index
          %swap3A_648 = tpu.vector_load %arg8[%swap3A_646, %swap3A_647] {strides = array<i32>} : memref<2x256xi32, #tpu.memory_space<vmem>>, vector<16xi32>,
          tpu.vector_store %arg8[%swap3A_646, %swap3A_647], %shift_left3A_644 {strides = array<i32>} : memref<2x256xi32, #tpu.memory_space<vmem>>, vector<16xi32>,
          %mul3A_649 = arith.constant 256 : i32
          %mul3A_650 = arith.muli %add3A_598, %mul3A_649 : i32
          %add3A_651 = arith.constant 32 : i32
          %add3A_652 = arith.addi %mul3A_650, %add3A_651 : i32
          %get3A_653 = arith.index_cast %add3A_652 : i32 to index
          %get3A_654 = tpu.vector_load %arg5[%get3A_653] {strides = array<i32>} : memref<25600xi32, #tpu.memory_space<vmem>>, vector<16xi32>,
          %shift_right_logical3A_655 = arith.constant 1 : i32
          %shift_right_logical3A_656 = vector.broadcast %shift_right_logical3A_655 : i32 to vector<16xi32>
          %shift_right_logical3A_657 = arith.shrui %get3A_654, %shift_right_logical3A_656 : vector<16xi32>
          %swap3A_658 = arith.constant 32 : index
          %swap3A_659 = tpu.vector_load %arg7[%swap3A_658] {strides = array<i32>} : memref<256xi32, #tpu.memory_space<vmem>>, vector<16xi32>,
          tpu.vector_store %arg7[%swap3A_658], %shift_right_logical3A_657 {strides = array<i32>} : memref<256xi32, #tpu.memory_space<vmem>>, vector<16xi32>,
          %and3A_660 = arith.constant 1 : i32
          %and3A_661 = vector.broadcast %and3A_660 : i32 to vector<16xi32>
          %and3A_662 = arith.andi %get3A_654, %and3A_661 : vector<16xi32>
          %shift_left3A_663 = arith.constant 6 : i32
          %shift_left3A_664 = vector.broadcast %shift_left3A_663 : i32 to vector<16xi32>
          %shift_left3A_665 = arith.shli %and3A_662, %shift_left3A_664 : vector<16xi32>
          %swap3A_666 = arith.constant 1 : i32
          %swap3A_667 = arith.index_cast %swap3A_666 : i32 to index
          %swap3A_668 = arith.constant 32 : index
          %swap3A_669 = tpu.vector_load %arg8[%swap3A_667, %swap3A_668] {strides = array<i32>} : memref<2x256xi32, #tpu.memory_space<vmem>>, vector<16xi32>,
          tpu.vector_store %arg8[%swap3A_667, %swap3A_668], %shift_left3A_665 {strides = array<i32>} : memref<2x256xi32, #tpu.memory_space<vmem>>, vector<16xi32>,
          %mul3A_670 = arith.constant 256 : i32
          %mul3A_671 = arith.muli %add3A_598, %mul3A_670 : i32
          %add3A_672 = arith.constant 48 : i32
          %add3A_673 = arith.addi %mul3A_671, %add3A_672 : i32
          %get3A_674 = arith.index_cast %add3A_673 : i32 to index
          %get3A_675 = tpu.vector_load %arg5[%get3A_674] {strides = array<i32>} : memref<25600xi32, #tpu.memory_space<vmem>>, vector<16xi32>,
          %shift_right_logical3A_676 = arith.constant 1 : i32
          %shift_right_logical3A_677 = vector.broadcast %shift_right_logical3A_676 : i32 to vector<16xi32>
          %shift_right_logical3A_678 = arith.shrui %get3A_675, %shift_right_logical3A_677 : vector<16xi32>
          %swap3A_679 = arith.constant 48 : index
          %swap3A_680 = tpu.vector_load %arg7[%swap3A_679] {strides = array<i32>} : memref<256xi32, #tpu.memory_space<vmem>>, vector<16xi32>,
          tpu.vector_store %arg7[%swap3A_679], %shift_right_logical3A_678 {strides = array<i32>} : memref<256xi32, #tpu.memory_space<vmem>>, vector<16xi32>,
          %and3A_681 = arith.constant 1 : i32
          %and3A_682 = vector.broadcast %and3A_681 : i32 to vector<16xi32>
          %and3A_683 = arith.andi %get3A_675, %and3A_682 : vector<16xi32>
          %shift_left3A_684 = arith.constant 6 : i32
          %shift_left3A_685 = vector.broadcast %shift_left3A_684 : i32 to vector<16xi32>
          %shift_left3A_686 = arith.shli %and3A_683, %shift_left3A_685 : vector<16xi32>
          %swap3A_687 = arith.constant 1 : i32
          %swap3A_688 = arith.index_cast %swap3A_687 : i32 to index
          %swap3A_689 = arith.constant 48 : index
          %swap3A_690 = tpu.vector_load %arg8[%swap3A_688, %swap3A_689] {strides = array<i32>} : memref<2x256xi32, #tpu.memory_space<vmem>>, vector<16xi32>,
          tpu.vector_store %arg8[%swap3A_688, %swap3A_689], %shift_left3A_686 {strides = array<i32>} : memref<2x256xi32, #tpu.memory_space<vmem>>, vector<16xi32>,
          %mul3A_691 = arith.constant 256 : i32
          %mul3A_692 = arith.muli %add3A_598, %mul3A_691 : i32
          %add3A_693 = arith.constant 64 : i32
          %add3A_694 = arith.addi %mul3A_692, %add3A_693 : i32
          %get3A_695 = arith.index_cast %add3A_694 : i32 to index
          %get3A_696 = tpu.vector_load %arg5[%get3A_695] {strides = array<i32>} : memref<25600xi32, #tpu.memory_space<vmem>>, vector<16xi32>,
          %shift_right_logical3A_697 = arith.constant 1 : i32
          %shift_right_logical3A_698 = vector.broadcast %shift_right_logical3A_697 : i32 to vector<16xi32>
          %shift_right_logical3A_699 = arith.shrui %get3A_696, %shift_right_logical3A_698 : vector<16xi32>
          %swap3A_700 = arith.constant 64 : index
          %swap3A_701 = tpu.vector_load %arg7[%swap3A_700] {strides = array<i32>} : memref<256xi32, #tpu.memory_space<vmem>>, vector<16xi32>,
          tpu.vector_store %arg7[%swap3A_700], %shift_right_logical3A_699 {strides = array<i32>} : memref<256xi32, #tpu.memory_space<vmem>>, vector<16xi32>,
          %and3A_702 = arith.constant 1 : i32
          %and3A_703 = vector.broadcast %and3A_702 : i32 to vector<16xi32>
          %and3A_704 = arith.andi %get3A_696, %and3A_703 : vector<16xi32>
          %shift_left3A_705 = arith.constant 6 : i32
          %shift_left3A_706 = vector.broadcast %shift_left3A_705 : i32 to vector<16xi32>
          %shift_left3A_707 = arith.shli %and3A_704, %shift_left3A_706 : vector<16xi32>
          %swap3A_708 = arith.constant 1 : i32
          %swap3A_709 = arith.index_cast %swap3A_708 : i32 to index
          %swap3A_710 = arith.constant 64 : index
          %swap3A_711 = tpu.vector_load %arg8[%swap3A_709, %swap3A_710] {strides = array<i32>} : memref<2x256xi32, #tpu.memory_space<vmem>>, vector<16xi32>,
          tpu.vector_store %arg8[%swap3A_709, %swap3A_710], %shift_left3A_707 {strides = array<i32>} : memref<2x256xi32, #tpu.memory_space<vmem>>, vector<16xi32>,
          %mul3A_712 = arith.constant 256 : i32
          %mul3A_713 = arith.muli %add3A_598, %mul3A_712 : i32
          %add3A_714 = arith.constant 80 : i32
          %add3A_715 = arith.addi %mul3A_713, %add3A_714 : i32
          %get3A_716 = arith.index_cast %add3A_715 : i32 to index
          %get3A_717 = tpu.vector_load %arg5[%get3A_716] {strides = array<i32>} : memref<25600xi32, #tpu.memory_space<vmem>>, vector<16xi32>,
          %shift_right_logical3A_718 = arith.constant 1 : i32
          %shift_right_logical3A_719 = vector.broadcast %shift_right_logical3A_718 : i32 to vector<16xi32>
          %shift_right_logical3A_720 = arith.shrui %get3A_717, %shift_right_logical3A_719 : vector<16xi32>
          %swap3A_721 = arith.constant 80 : index
          %swap3A_722 = tpu.vector_load %arg7[%swap3A_721] {strides = array<i32>} : memref<256xi32, #tpu.memory_space<vmem>>, vector<16xi32>,
          tpu.vector_store %arg7[%swap3A_721], %shift_right_logical3A_720 {strides = array<i32>} : memref<256xi32, #tpu.memory_space<vmem>>, vector<16xi32>,
          %and3A_723 = arith.constant 1 : i32
          %and3A_724 = vector.broadcast %and3A_723 : i32 to vector<16xi32>
          %and3A_725 = arith.andi %get3A_717, %and3A_724 : vector<16xi32>
          %shift_left3A_726 = arith.constant 6 : i32
          %shift_left3A_727 = vector.broadcast %shift_left3A_726 : i32 to vector<16xi32>
          %shift_left3A_728 = arith.shli %and3A_725, %shift_left3A_727 : vector<16xi32>
          %swap3A_729 = arith.constant 1 : i32
          %swap3A_730 = arith.index_cast %swap3A_729 : i32 to index
          %swap3A_731 = arith.constant 80 : index
          %swap3A_732 = tpu.vector_load %arg8[%swap3A_730, %swap3A_731] {strides = array<i32>} : memref<2x256xi32, #tpu.memory_space<vmem>>, vector<16xi32>,
          tpu.vector_store %arg8[%swap3A_730, %swap3A_731], %shift_left3A_728 {strides = array<i32>} : memref<2x256xi32, #tpu.memory_space<vmem>>, vector<16xi32>,
          %mul3A_733 = arith.constant 256 : i32
          %mul3A_734 = arith.muli %add3A_598, %mul3A_733 : i32
          %add3A_735 = arith.constant 96 : i32
          %add3A_736 = arith.addi %mul3A_734, %add3A_735 : i32
          %get3A_737 = arith.index_cast %add3A_736 : i32 to index
          %get3A_738 = tpu.vector_load %arg5[%get3A_737] {strides = array<i32>} : memref<25600xi32, #tpu.memory_space<vmem>>, vector<16xi32>,
          %shift_right_logical3A_739 = arith.constant 1 : i32
          %shift_right_logical3A_740 = vector.broadcast %shift_right_logical3A_739 : i32 to vector<16xi32>
          %shift_right_logical3A_741 = arith.shrui %get3A_738, %shift_right_logical3A_740 : vector<16xi32>
          %swap3A_742 = arith.constant 96 : index
          %swap3A_743 = tpu.vector_load %arg7[%swap3A_742] {strides = array<i32>} : memref<256xi32, #tpu.memory_space<vmem>>, vector<16xi32>,
          tpu.vector_store %arg7[%swap3A_742], %shift_right_logical3A_741 {strides = array<i32>} : memref<256xi32, #tpu.memory_space<vmem>>, vector<16xi32>,
          %and3A_744 = arith.constant 1 : i32
          %and3A_745 = vector.broadcast %and3A_744 : i32 to vector<16xi32>
          %and3A_746 = arith.andi %get3A_738, %and3A_745 : vector<16xi32>
          %shift_left3A_747 = arith.constant 6 : i32
          %shift_left3A_748 = vector.broadcast %shift_left3A_747 : i32 to vector<16xi32>
          %shift_left3A_749 = arith.shli %and3A_746, %shift_left3A_748 : vector<16xi32>
          %swap3A_750 = arith.constant 1 : i32
          %swap3A_751 = arith.index_cast %swap3A_750 : i32 to index
          %swap3A_752 = arith.constant 96 : index
          %swap3A_753 = tpu.vector_load %arg8[%swap3A_751, %swap3A_752] {strides = array<i32>} : memref<2x256xi32, #tpu.memory_space<vmem>>, vector<16xi32>,
          tpu.vector_store %arg8[%swap3A_751, %swap3A_752], %shift_left3A_749 {strides = array<i32>} : memref<2x256xi32, #tpu.memory_space<vmem>>, vector<16xi32>,
          %mul3A_754 = arith.constant 256 : i32
          %mul3A_755 = arith.muli %add3A_598, %mul3A_754 : i32
          %add3A_756 = arith.constant 112 : i32
          %add3A_757 = arith.addi %mul3A_755, %add3A_756 : i32
          %get3A_758 = arith.index_cast %add3A_757 : i32 to index
          %get3A_759 = tpu.vector_load %arg5[%get3A_758] {strides = array<i32>} : memref<25600xi32, #tpu.memory_space<vmem>>, vector<16xi32>,
          %shift_right_logical3A_760 = arith.constant 1 : i32
          %shift_right_logical3A_761 = vector.broadcast %shift_right_logical3A_760 : i32 to vector<16xi32>
          %shift_right_logical3A_762 = arith.shrui %get3A_759, %shift_right_logical3A_761 : vector<16xi32>
          %swap3A_763 = arith.constant 112 : index
          %swap3A_764 = tpu.vector_load %arg7[%swap3A_763] {strides = array<i32>} : memref<256xi32, #tpu.memory_space<vmem>>, vector<16xi32>,
          tpu.vector_store %arg7[%swap3A_763], %shift_right_logical3A_762 {strides = array<i32>} : memref<256xi32, #tpu.memory_space<vmem>>, vector<16xi32>,
          %and3A_765 = arith.constant 1 : i32
          %and3A_766 = vector.broadcast %and3A_765 : i32 to vector<16xi32>
          %and3A_767 = arith.andi %get3A_759, %and3A_766 : vector<16xi32>
          %shift_left3A_768 = arith.constant 6 : i32
          %shift_left3A_769 = vector.broadcast %shift_left3A_768 : i32 to vector<16xi32>
          %shift_left3A_770 = arith.shli %and3A_767, %shift_left3A_769 : vector<16xi32>
          %swap3A_771 = arith.constant 1 : i32
          %swap3A_772 = arith.index_cast %swap3A_771 : i32 to index
          %swap3A_773 = arith.constant 112 : index
          %swap3A_774 = tpu.vector_load %arg8[%swap3A_772, %swap3A_773] {strides = array<i32>} : memref<2x256xi32, #tpu.memory_space<vmem>>, vector<16xi32>,
          tpu.vector_store %arg8[%swap3A_772, %swap3A_773], %shift_left3A_770 {strides = array<i32>} : memref<2x256xi32, #tpu.memory_space<vmem>>, vector<16xi32>,
          %mul3A_775 = arith.constant 256 : i32
          %mul3A_776 = arith.muli %add3A_598, %mul3A_775 : i32
          %add3A_777 = arith.constant 128 : i32
          %add3A_778 = arith.addi %mul3A_776, %add3A_777 : i32
          %get3A_779 = arith.index_cast %add3A_778 : i32 to index
          %get3A_780 = tpu.vector_load %arg5[%get3A_779] {strides = array<i32>} : memref<25600xi32, #tpu.memory_space<vmem>>, vector<16xi32>,
          %shift_right_logical3A_781 = arith.constant 1 : i32
          %shift_right_logical3A_782 = vector.broadcast %shift_right_logical3A_781 : i32 to vector<16xi32>
          %shift_right_logical3A_783 = arith.shrui %get3A_780, %shift_right_logical3A_782 : vector<16xi32>
          %swap3A_784 = arith.constant 128 : index
          %swap3A_785 = tpu.vector_load %arg7[%swap3A_784] {strides = array<i32>} : memref<256xi32, #tpu.memory_space<vmem>>, vector<16xi32>,
          tpu.vector_store %arg7[%swap3A_784], %shift_right_logical3A_783 {strides = array<i32>} : memref<256xi32, #tpu.memory_space<vmem>>, vector<16xi32>,
          %and3A_786 = arith.constant 1 : i32
          %and3A_787 = vector.broadcast %and3A_786 : i32 to vector<16xi32>
          %and3A_788 = arith.andi %get3A_780, %and3A_787 : vector<16xi32>
          %shift_left3A_789 = arith.constant 6 : i32
          %shift_left3A_790 = vector.broadcast %shift_left3A_789 : i32 to vector<16xi32>
          %shift_left3A_791 = arith.shli %and3A_788, %shift_left3A_790 : vector<16xi32>
          %swap3A_792 = arith.constant 1 : i32
          %swap3A_793 = arith.index_cast %swap3A_792 : i32 to index
          %swap3A_794 = arith.constant 128 : index
          %swap3A_795 = tpu.vector_load %arg8[%swap3A_793, %swap3A_794] {strides = array<i32>} : memref<2x256xi32, #tpu.memory_space<vmem>>, vector<16xi32>,
          tpu.vector_store %arg8[%swap3A_793, %swap3A_794], %shift_left3A_791 {strides = array<i32>} : memref<2x256xi32, #tpu.memory_space<vmem>>, vector<16xi32>,
          %mul3A_796 = arith.constant 256 : i32
          %mul3A_797 = arith.muli %add3A_598, %mul3A_796 : i32
          %add3A_798 = arith.constant 144 : i32
          %add3A_799 = arith.addi %mul3A_797, %add3A_798 : i32
          %get3A_800 = arith.index_cast %add3A_799 : i32 to index
          %get3A_801 = tpu.vector_load %arg5[%get3A_800] {strides = array<i32>} : memref<25600xi32, #tpu.memory_space<vmem>>, vector<16xi32>,
          %shift_right_logical3A_802 = arith.constant 1 : i32
          %shift_right_logical3A_803 = vector.broadcast %shift_right_logical3A_802 : i32 to vector<16xi32>
          %shift_right_logical3A_804 = arith.shrui %get3A_801, %shift_right_logical3A_803 : vector<16xi32>
          %swap3A_805 = arith.constant 144 : index
          %swap3A_806 = tpu.vector_load %arg7[%swap3A_805] {strides = array<i32>} : memref<256xi32, #tpu.memory_space<vmem>>, vector<16xi32>,
          tpu.vector_store %arg7[%swap3A_805], %shift_right_logical3A_804 {strides = array<i32>} : memref<256xi32, #tpu.memory_space<vmem>>, vector<16xi32>,
          %and3A_807 = arith.constant 1 : i32
          %and3A_808 = vector.broadcast %and3A_807 : i32 to vector<16xi32>
          %and3A_809 = arith.andi %get3A_801, %and3A_808 : vector<16xi32>
          %shift_left3A_810 = arith.constant 6 : i32
          %shift_left3A_811 = vector.broadcast %shift_left3A_810 : i32 to vector<16xi32>
          %shift_left3A_812 = arith.shli %and3A_809, %shift_left3A_811 : vector<16xi32>
          %swap3A_813 = arith.constant 1 : i32
          %swap3A_814 = arith.index_cast %swap3A_813 : i32 to index
          %swap3A_815 = arith.constant 144 : index
          %swap3A_816 = tpu.vector_load %arg8[%swap3A_814, %swap3A_815] {strides = array<i32>} : memref<2x256xi32, #tpu.memory_space<vmem>>, vector<16xi32>,
          tpu.vector_store %arg8[%swap3A_814, %swap3A_815], %shift_left3A_812 {strides = array<i32>} : memref<2x256xi32, #tpu.memory_space<vmem>>, vector<16xi32>,
          %mul3A_817 = arith.constant 256 : i32
          %mul3A_818 = arith.muli %add3A_598, %mul3A_817 : i32
          %add3A_819 = arith.constant 160 : i32
          %add3A_820 = arith.addi %mul3A_818, %add3A_819 : i32
          %get3A_821 = arith.index_cast %add3A_820 : i32 to index
          %get3A_822 = tpu.vector_load %arg5[%get3A_821] {strides = array<i32>} : memref<25600xi32, #tpu.memory_space<vmem>>, vector<16xi32>,
          %shift_right_logical3A_823 = arith.constant 1 : i32
          %shift_right_logical3A_824 = vector.broadcast %shift_right_logical3A_823 : i32 to vector<16xi32>
          %shift_right_logical3A_825 = arith.shrui %get3A_822, %shift_right_logical3A_824 : vector<16xi32>
          %swap3A_826 = arith.constant 160 : index
          %swap3A_827 = tpu.vector_load %arg7[%swap3A_826] {strides = array<i32>} : memref<256xi32, #tpu.memory_space<vmem>>, vector<16xi32>,
          tpu.vector_store %arg7[%swap3A_826], %shift_right_logical3A_825 {strides = array<i32>} : memref<256xi32, #tpu.memory_space<vmem>>, vector<16xi32>,
          %and3A_828 = arith.constant 1 : i32
          %and3A_829 = vector.broadcast %and3A_828 : i32 to vector<16xi32>
          %and3A_830 = arith.andi %get3A_822, %and3A_829 : vector<16xi32>
          %shift_left3A_831 = arith.constant 6 : i32
          %shift_left3A_832 = vector.broadcast %shift_left3A_831 : i32 to vector<16xi32>
          %shift_left3A_833 = arith.shli %and3A_830, %shift_left3A_832 : vector<16xi32>
          %swap3A_834 = arith.constant 1 : i32
          %swap3A_835 = arith.index_cast %swap3A_834 : i32 to index
          %swap3A_836 = arith.constant 160 : index
          %swap3A_837 = tpu.vector_load %arg8[%swap3A_835, %swap3A_836] {strides = array<i32>} : memref<2x256xi32, #tpu.memory_space<vmem>>, vector<16xi32>,
          tpu.vector_store %arg8[%swap3A_835, %swap3A_836], %shift_left3A_833 {strides = array<i32>} : memref<2x256xi32, #tpu.memory_space<vmem>>, vector<16xi32>,
          %mul3A_838 = arith.constant 256 : i32
          %mul3A_839 = arith.muli %add3A_598, %mul3A_838 : i32
          %add3A_840 = arith.constant 176 : i32
          %add3A_841 = arith.addi %mul3A_839, %add3A_840 : i32
          %get3A_842 = arith.index_cast %add3A_841 : i32 to index
          %get3A_843 = tpu.vector_load %arg5[%get3A_842] {strides = array<i32>} : memref<25600xi32, #tpu.memory_space<vmem>>, vector<16xi32>,
          %shift_right_logical3A_844 = arith.constant 1 : i32
          %shift_right_logical3A_845 = vector.broadcast %shift_right_logical3A_844 : i32 to vector<16xi32>
          %shift_right_logical3A_846 = arith.shrui %get3A_843, %shift_right_logical3A_845 : vector<16xi32>
          %swap3A_847 = arith.constant 176 : index
          %swap3A_848 = tpu.vector_load %arg7[%swap3A_847] {strides = array<i32>} : memref<256xi32, #tpu.memory_space<vmem>>, vector<16xi32>,
          tpu.vector_store %arg7[%swap3A_847], %shift_right_logical3A_846 {strides = array<i32>} : memref<256xi32, #tpu.memory_space<vmem>>, vector<16xi32>,
          %and3A_849 = arith.constant 1 : i32
          %and3A_850 = vector.broadcast %and3A_849 : i32 to vector<16xi32>
          %and3A_851 = arith.andi %get3A_843, %and3A_850 : vector<16xi32>
          %shift_left3A_852 = arith.constant 6 : i32
          %shift_left3A_853 = vector.broadcast %shift_left3A_852 : i32 to vector<16xi32>
          %shift_left3A_854 = arith.shli %and3A_851, %shift_left3A_853 : vector<16xi32>
          %swap3A_855 = arith.constant 1 : i32
          %swap3A_856 = arith.index_cast %swap3A_855 : i32 to index
          %swap3A_857 = arith.constant 176 : index
          %swap3A_858 = tpu.vector_load %arg8[%swap3A_856, %swap3A_857] {strides = array<i32>} : memref<2x256xi32, #tpu.memory_space<vmem>>, vector<16xi32>,
          tpu.vector_store %arg8[%swap3A_856, %swap3A_857], %shift_left3A_854 {strides = array<i32>} : memref<2x256xi32, #tpu.memory_space<vmem>>, vector<16xi32>,
          %mul3A_859 = arith.constant 256 : i32
          %mul3A_860 = arith.muli %add3A_598, %mul3A_859 : i32
          %add3A_861 = arith.constant 192 : i32
          %add3A_862 = arith.addi %mul3A_860, %add3A_861 : i32
          %get3A_863 = arith.index_cast %add3A_862 : i32 to index
          %get3A_864 = tpu.vector_load %arg5[%get3A_863] {strides = array<i32>} : memref<25600xi32, #tpu.memory_space<vmem>>, vector<16xi32>,
          %shift_right_logical3A_865 = arith.constant 1 : i32
          %shift_right_logical3A_866 = vector.broadcast %shift_right_logical3A_865 : i32 to vector<16xi32>
          %shift_right_logical3A_867 = arith.shrui %get3A_864, %shift_right_logical3A_866 : vector<16xi32>
          %swap3A_868 = arith.constant 192 : index
          %swap3A_869 = tpu.vector_load %arg7[%swap3A_868] {strides = array<i32>} : memref<256xi32, #tpu.memory_space<vmem>>, vector<16xi32>,
          tpu.vector_store %arg7[%swap3A_868], %shift_right_logical3A_867 {strides = array<i32>} : memref<256xi32, #tpu.memory_space<vmem>>, vector<16xi32>,
          %and3A_870 = arith.constant 1 : i32
          %and3A_871 = vector.broadcast %and3A_870 : i32 to vector<16xi32>
          %and3A_872 = arith.andi %get3A_864, %and3A_871 : vector<16xi32>
          %shift_left3A_873 = arith.constant 6 : i32
          %shift_left3A_874 = vector.broadcast %shift_left3A_873 : i32 to vector<16xi32>
          %shift_left3A_875 = arith.shli %and3A_872, %shift_left3A_874 : vector<16xi32>
          %swap3A_876 = arith.constant 1 : i32
          %swap3A_877 = arith.index_cast %swap3A_876 : i32 to index
          %swap3A_878 = arith.constant 192 : index
          %swap3A_879 = tpu.vector_load %arg8[%swap3A_877, %swap3A_878] {strides = array<i32>} : memref<2x256xi32, #tpu.memory_space<vmem>>, vector<16xi32>,
          tpu.vector_store %arg8[%swap3A_877, %swap3A_878], %shift_left3A_875 {strides = array<i32>} : memref<2x256xi32, #tpu.memory_space<vmem>>, vector<16xi32>,
          %mul3A_880 = arith.constant 256 : i32
          %mul3A_881 = arith.muli %add3A_598, %mul3A_880 : i32
          %add3A_882 = arith.constant 208 : i32
          %add3A_883 = arith.addi %mul3A_881, %add3A_882 : i32
          %get3A_884 = arith.index_cast %add3A_883 : i32 to index
          %get3A_885 = tpu.vector_load %arg5[%get3A_884] {strides = array<i32>} : memref<25600xi32, #tpu.memory_space<vmem>>, vector<16xi32>,
          %shift_right_logical3A_886 = arith.constant 1 : i32
          %shift_right_logical3A_887 = vector.broadcast %shift_right_logical3A_886 : i32 to vector<16xi32>
          %shift_right_logical3A_888 = arith.shrui %get3A_885, %shift_right_logical3A_887 : vector<16xi32>
          %swap3A_889 = arith.constant 208 : index
          %swap3A_890 = tpu.vector_load %arg7[%swap3A_889] {strides = array<i32>} : memref<256xi32, #tpu.memory_space<vmem>>, vector<16xi32>,
          tpu.vector_store %arg7[%swap3A_889], %shift_right_logical3A_888 {strides = array<i32>} : memref<256xi32, #tpu.memory_space<vmem>>, vector<16xi32>,
          %and3A_891 = arith.constant 1 : i32
          %and3A_892 = vector.broadcast %and3A_891 : i32 to vector<16xi32>
          %and3A_893 = arith.andi %get3A_885, %and3A_892 : vector<16xi32>
          %shift_left3A_894 = arith.constant 6 : i32
          %shift_left3A_895 = vector.broadcast %shift_left3A_894 : i32 to vector<16xi32>
          %shift_left3A_896 = arith.shli %and3A_893, %shift_left3A_895 : vector<16xi32>
          %swap3A_897 = arith.constant 1 : i32
          %swap3A_898 = arith.index_cast %swap3A_897 : i32 to index
          %swap3A_899 = arith.constant 208 : index
          %swap3A_900 = tpu.vector_load %arg8[%swap3A_898, %swap3A_899] {strides = array<i32>} : memref<2x256xi32, #tpu.memory_space<vmem>>, vector<16xi32>,
          tpu.vector_store %arg8[%swap3A_898, %swap3A_899], %shift_left3A_896 {strides = array<i32>} : memref<2x256xi32, #tpu.memory_space<vmem>>, vector<16xi32>,
          %mul3A_901 = arith.constant 256 : i32
          %mul3A_902 = arith.muli %add3A_598, %mul3A_901 : i32
          %add3A_903 = arith.constant 224 : i32
          %add3A_904 = arith.addi %mul3A_902, %add3A_903 : i32
          %get3A_905 = arith.index_cast %add3A_904 : i32 to index
          %get3A_906 = tpu.vector_load %arg5[%get3A_905] {strides = array<i32>} : memref<25600xi32, #tpu.memory_space<vmem>>, vector<16xi32>,
          %shift_right_logical3A_907 = arith.constant 1 : i32
          %shift_right_logical3A_908 = vector.broadcast %shift_right_logical3A_907 : i32 to vector<16xi32>
          %shift_right_logical3A_909 = arith.shrui %get3A_906, %shift_right_logical3A_908 : vector<16xi32>
          %swap3A_910 = arith.constant 224 : index
          %swap3A_911 = tpu.vector_load %arg7[%swap3A_910] {strides = array<i32>} : memref<256xi32, #tpu.memory_space<vmem>>, vector<16xi32>,
          tpu.vector_store %arg7[%swap3A_910], %shift_right_logical3A_909 {strides = array<i32>} : memref<256xi32, #tpu.memory_space<vmem>>, vector<16xi32>,
          %and3A_912 = arith.constant 1 : i32
          %and3A_913 = vector.broadcast %and3A_912 : i32 to vector<16xi32>
          %and3A_914 = arith.andi %get3A_906, %and3A_913 : vector<16xi32>
          %shift_left3A_915 = arith.constant 6 : i32
          %shift_left3A_916 = vector.broadcast %shift_left3A_915 : i32 to vector<16xi32>
          %shift_left3A_917 = arith.shli %and3A_914, %shift_left3A_916 : vector<16xi32>
          %swap3A_918 = arith.constant 1 : i32
          %swap3A_919 = arith.index_cast %swap3A_918 : i32 to index
          %swap3A_920 = arith.constant 224 : index
          %swap3A_921 = tpu.vector_load %arg8[%swap3A_919, %swap3A_920] {strides = array<i32>} : memref<2x256xi32, #tpu.memory_space<vmem>>, vector<16xi32>,
          tpu.vector_store %arg8[%swap3A_919, %swap3A_920], %shift_left3A_917 {strides = array<i32>} : memref<2x256xi32, #tpu.memory_space<vmem>>, vector<16xi32>,
          %mul3A_922 = arith.constant 256 : i32
          %mul3A_923 = arith.muli %add3A_598, %mul3A_922 : i32
          %add3A_924 = arith.constant 240 : i32
          %add3A_925 = arith.addi %mul3A_923, %add3A_924 : i32
          %get3A_926 = arith.index_cast %add3A_925 : i32 to index
          %get3A_927 = tpu.vector_load %arg5[%get3A_926] {strides = array<i32>} : memref<25600xi32, #tpu.memory_space<vmem>>, vector<16xi32>,
          %shift_right_logical3A_928 = arith.constant 1 : i32
          %shift_right_logical3A_929 = vector.broadcast %shift_right_logical3A_928 : i32 to vector<16xi32>
          %shift_right_logical3A_930 = arith.shrui %get3A_927, %shift_right_logical3A_929 : vector<16xi32>
          %swap3A_931 = arith.constant 240 : index
          %swap3A_932 = tpu.vector_load %arg7[%swap3A_931] {strides = array<i32>} : memref<256xi32, #tpu.memory_space<vmem>>, vector<16xi32>,
          tpu.vector_store %arg7[%swap3A_931], %shift_right_logical3A_930 {strides = array<i32>} : memref<256xi32, #tpu.memory_space<vmem>>, vector<16xi32>,
          %and3A_933 = arith.constant 1 : i32
          %and3A_934 = vector.broadcast %and3A_933 : i32 to vector<16xi32>
          %and3A_935 = arith.andi %get3A_927, %and3A_934 : vector<16xi32>
          %shift_left3A_936 = arith.constant 6 : i32
          %shift_left3A_937 = vector.broadcast %shift_left3A_936 : i32 to vector<16xi32>
          %shift_left3A_938 = arith.shli %and3A_935, %shift_left3A_937 : vector<16xi32>
          %swap3A_939 = arith.constant 1 : i32
          %swap3A_940 = arith.index_cast %swap3A_939 : i32 to index
          %swap3A_941 = arith.constant 240 : index
          %swap3A_942 = tpu.vector_load %arg8[%swap3A_940, %swap3A_941] {strides = array<i32>} : memref<2x256xi32, #tpu.memory_space<vmem>>, vector<16xi32>,
          tpu.vector_store %arg8[%swap3A_940, %swap3A_941], %shift_left3A_938 {strides = array<i32>} : memref<2x256xi32, #tpu.memory_space<vmem>>, vector<16xi32>,
        } else {
        }
      } else {
      }
    }
    %scan3A_553 = arith.constant 100 : i32
    %dma_wait3A = arith.constant 0 : i32
    %dma_wait3A_554 = arith.constant 0 : i32
    %dma_wait3A_555 = tpu.memref_slice %arg4[%dma_wait3A, %dma_wait3A_554] : memref<819200x64xf32, #tpu.memory_space<hbm>> -> memref<256x64xf32, #tpu.memory_space<hbm>>
    %dma_wait3A_556 = arith.constant 0 : i32
    %dma_wait3A_557 = arith.constant 0 : i32
    %dma_wait3A_558 = tpu.memref_slice %arg4[%dma_wait3A_556, %dma_wait3A_557] : memref<819200x64xf32, #tpu.memory_space<hbm>> -> memref<256x64xf32, #tpu.memory_space<hbm>>
    tpu.wait_dma2 semaphore(%arg12 : memref<!tpu.dma_semaphore, #tpu.memory_space<semaphore_mem>>) src(%arg10 : memref<256x64xf32, #tpu.memory_space<vmem>>) dst(%dma_wait3A_558 : memref<256x64xf32, #tpu.memory_space<hbm>>)
    return
  }
}

</mosaic_0001>

<sc_bundles>
// kernel: kernel.3.cloned.1.call-start
scs
__scs_entry_jumppad:
0x0: {  	(pc) =	sbr.rel $0x88, $3  }
0x1: {  	(tag) =	ssettag $0x0;
	lr =	simm.s32 $0x1  }
0x2: {  	[smem:$0x3F9F] =	sst lr;
	_ =	strace $0xD0000000  }
0x3: {  	_ = 	snop  }
0x4: {  	_ = 	snop  }
0x5: {  	_ = 	snop  }
0x6: {  	_ = 	snop  }
0x7: {  	_ = 	snop  }
__scs_overlays_trampoline_lowered:
0x8: {  	[smem:$0x3FAE] =	sst s0  }
0x9: {  	[smem:$0x3FAF] =	sst s1  }
0xa: {  	[smem:$0x3FB0] =	sst s2  }
0xb: {  	[smem:$0x3FB1] =	sst s3  }
0xc: {  	[smem:$0x3FB2] =	sst s4  }
0xd: {  	[smem:$0x3FB3] =	sst s5  }
0xe: {  	[smem:$0x3FB4] =	sst s6  }
0xf: {  	[smem:$0x3FB5] =	sst s7  }
0x10: {  	[smem:$0x3FB6] =	sst s8  }
0x11: {  	[smem:$0x3FB7] =	sst s9;
	s0 =	simm.s32 @!p0 $0x0  }
0x12: {  	s1 =	sld [smem:$0x3F9D];
	s0 =	simm.s32 @p0 $0x1  }
0x13: {  	[smem:$0x3FB8] =	sst s0;
	s0 =	simm.s32 @!p1 $0x0  }
0x14: {  	s2 =	sld [smem:$0x3F9C];
	s0 =	simm.s32 @p1 $0x1  }
0x15: {  	[smem:$0x3FB9] =	sst s0;
	s0 =	simm.s32 @!p2 $0x0  }
0x16: {  	s3 =	sld [smem:$0x3FDB];
	s0 =	simm.s32 @p2 $0x1  }
0x17: {  	s4 =	simm.s32 $0x1BF5;
	[smem:$0x3FBB] =	sst s0  }
0x18: {  	s0 =	sld [smem:$0x3F9E];
	_ =	swait.ge [sflag:s4], $0x0  }
0x19: {  	s7 =	sld [smem:$0x3F9F]  }
0x1a: {  	s8 =	sadd.s32 $0xFFFFE003, lr  }
0x1b: {  	s9 =	sadd.s32 $0xFFFFFEF7, lr;
	s5 =	simm.s32 $0xFFFFFFFF;
	p2 =	slt.u32 s8, $0xFFFFF086  }
0x1c: {  	p1 =	slt.u32 s9, $0xF7A;
	s5 =	simm.s32 @!p2 $0x0  }
0x1d: {  	s5 =	simm.s32 @p1 $0x1;
	p0 =	seq.s32 s7, s2  }
0x1e: {  	s7 =	smul.u32 @!p0 $0xF7A, s2;
	p2 =	seq.s32 @!p0 s5, $0x0  }
0x1f: {  	s9 =	smul.u32 $0xF7A, s1;
	s8 =	simm.s32 @!p0 $0x1BF5;
	p2 =	por !p2, p0  }
0x20: {  	[sflag:s8] =	ssyncset.s32 @!p0 $0xFFFFF086;
	s6 =	sadd.s32 @!p0 s3, s7;
	s7 =	simm.s32 @!p0 $0x108  }
0x21: {  	s3 =	sadd.s32 s3, s9;
	s6 =	sadd.s32 @!p0 $0x88, s6;
	s7 =	simm.s32 @p2 $0x1082  }
0x22: {  	[simem:s7], [sflag:s8] =	dma.local @!p0 [hbm:s6], $0xF7A  }
0x23: {  	s9 =	sor.u32 $0xD0000000, s2;
	s6 =	simm.s32 $0x108;
	_ =	swait.ge @!p0 [sflag:s8], $0x0  }
0x24: {  	s3 =	sadd.s32 $0x88, s3;
	s6 =	simm.s32 @!p1 $0x1082;
	[sflag:s4] =	ssyncset.s32 $0xFFFFF086  }
0x25: {  	[simem:s6], [sflag:s4] =	dma.local [hbm:s3], $0xF7A  }
0x26: {  	[smem:$0x3F9F] =	sst s1;
	(tag) =	ssettag s2;
	_ =	strace s9  }
0x27: {  	s1 =	sld [smem:$0x3FAF]  }
0x28: {  	s2 =	sld [smem:$0x3FB0]  }
0x29: {  	s4 =	sld [smem:$0x3FB2]  }
0x2a: {  	p0 =	seq.s32 s5, $0x0;
	s5 =	sld [smem:$0x3FB3]  }
0x2b: {  	s6 =	sld [smem:$0x3FB4]  }
0x2c: {  	s7 =	sld [smem:$0x3FB5]  }
0x2d: {  	s3 =	simm.s32 $0x108;
	s8 =	sld [smem:$0x3FB6]  }
0x2e: {  	s3 =	simm.s32 @!p0 $0x1082;
	s9 =	sld [smem:$0x3FB7]  }
0x2f: {  	lr =	sadd.s32 s0, s3;
	s0 =	sld [smem:$0x3FAE]  }
0x30: {  	s3 =	sld [smem:$0x3FB1]  }
0x31: {  	[smem:$0x3FBA] =	sst s10  }
0x32: {  	s10 =	sld [smem:$0x3FB8];
	_ =	sdelay $0x3  }
0x33: {  	p0 =	seq.s32 s10, $0x1;
	s10 =	sld [smem:$0x3FBA];
	_ =	sdelay $0x3  }
0x34: {  	[smem:$0x3FBA] =	sst s10  }
0x35: {  	s10 =	sld [smem:$0x3FB9];
	_ =	sdelay $0x3  }
0x36: {  	p1 =	seq.s32 s10, $0x1;
	s10 =	sld [smem:$0x3FBA];
	_ =	sdelay $0x3  }
0x37: {  	[smem:$0x3FBA] =	sst s10  }
0x38: {  	s10 =	sld [smem:$0x3FBB]  }
0x39: {  	_ = 	snop;
	(pc) =	sbr.ind lr, $3  }
0x3a: {  	_ = 	snop  }
0x3b: {  	_ = 	snop  }
0x3c: {  	p2 =	seq.s32 s10, $0x1;
	s10 =	sld [smem:$0x3FBA]  }
0x3d: {  	_ =	shalt  }
0x3e: {  	_ =	shalt  }
0x3f: {  	_ =	shalt  }
0x40: {  	_ =	shalt  }
0x41: {  	_ =	shalt  }
0x42: {  	_ =	shalt  }
0x43: {  	_ =	shalt  }
0x44: {  	_ =	shalt  }
0x45: {  	_ =	shalt  }
0x46: {  	_ =	shalt  }
0x47: {  	_ =	shalt  }
0x48: {  	_ =	shalt  }
0x49: {  	_ =	shalt  }
0x4a: {  	_ =	shalt  }
0x4b: {  	_ =	shalt  }
0x4c: {  	_ =	shalt  }
0x4d: {  	_ =	shalt  }
0x4e: {  	_ =	shalt  }
0x4f: {  	_ =	shalt  }
0x50: {  	_ =	shalt  }
0x51: {  	_ =	shalt  }
0x52: {  	_ =	shalt  }
0x53: {  	_ =	shalt  }
0x54: {  	_ =	shalt  }
0x55: {  	_ =	shalt  }
0x56: {  	_ =	shalt  }
0x57: {  	_ =	shalt  }
0x58: {  	_ =	shalt  }
0x59: {  	_ =	shalt  }
0x5a: {  	_ =	shalt  }
0x5b: {  	_ =	shalt  }
0x5c: {  	_ =	shalt  }
0x5d: {  	_ =	shalt  }
0x5e: {  	_ =	shalt  }
0x5f: {  	_ =	shalt  }
0x60: {  	_ =	shalt  }
0x61: {  	_ =	shalt  }
0x62: {  	_ =	shalt  }
0x63: {  	_ =	shalt  }
0x64: {  	_ =	shalt  }
0x65: {  	_ =	shalt  }
0x66: {  	_ =	shalt  }
0x67: {  	_ =	shalt  }
0x68: {  	_ =	shalt  }
0x69: {  	_ =	shalt  }
0x6a: {  	_ =	shalt  }
0x6b: {  	_ =	shalt  }
0x6c: {  	_ =	shalt  }
0x6d: {  	_ =	shalt  }
0x6e: {  	_ =	shalt  }
0x6f: {  	_ =	shalt  }
0x70: {  	_ =	shalt  }
0x71: {  	_ =	shalt  }
0x72: {  	_ =	shalt  }
0x73: {  	_ =	shalt  }
0x74: {  	_ =	shalt  }
0x75: {  	_ =	shalt  }
0x76: {  	_ =	shalt  }
0x77: {  	_ =	shalt  }
0x78: {  	_ =	shalt  }
0x79: {  	_ =	shalt  }
0x7a: {  	_ =	shalt  }
0x7b: {  	_ =	shalt  }
0x7c: {  	_ =	shalt  }
0x7d: {  	_ =	shalt  }
0x7e: {  	_ =	shalt  }
0x7f: {  	_ =	shalt  }
0x80: {  	_ =	shalt  }
0x81: {  	_ =	shalt  }
0x82: {  	_ =	shalt  }
0x83: {  	_ =	shalt  }
0x84: {  	_ =	shalt  }
0x85: {  	_ =	shalt  }
0x86: {  	_ =	shalt  }
0x87: {  	_ =	shalt  }
.Lfunc_end0:
.L_simem_size_0:
called_computation.1_lowered:
.L_overlay_start_0:
0x88: {  	s2 =	sld [smem:$0x3FD9]  }
0x89: {  	s3 =	sld [smem:$0x3FFE];
	_ =	sdelay $0x1  }
0x8a: {  	s1 =	srdreg.scid  }
0x8b: {  	s0 =	sand.u32 $0x1, s1  }
0x8c: {  	s17 =	sshll.u32 s0, $0xA;
	s2 =	sadd.s32 s3, s2  }
0x8d: {  	s2 =	sadd.s32 s2, s17  }
0x8e: {  	[smem:$0x3FC6] =	sst s2  }
0x8f: {  	_ = 	snop  }
0x90: {  	s2 =	sld [smem:$0x3FD0];
	(tm) =	ssettm $0x1  }
0x91: {  	s18 =	sld [smem:$0x3FFB];
	_ =	sdelay $0x3  }
0x92: {  	_ =	strace s18  }
0x93: {  	s3 =	sld [smem:$0x3FFC];
	_ =	sdelay $0x3  }
0x94: {  	_ =	strace s3  }
0x95: {  	s3 =	sld [smem:$0x3FFD];
	_ =	sdelay $0x3  }
0x96: {  	_ =	strace s3  }
0x97: {  	_ =	strace $0x8FFFFFFF  }
0x98: {  	s19 =	sld [smem:$0x3FDB];
	_ =	sdelay $0x1  }
0x99: {  	s4 =	simm.s32 $_scs_section_size  }
0x9a: {  	s5 =	simm.s32 $_size__tile_overlayer_lowered;
	s6 =	simm.s32 $_tile_overlayer_lowered  }
0x9b: {  	s22 =	simm.s32 $0x1BFF;
	s21 =	sshll.u32 s6, $0x1;
	s3 =	sadd.s32 s4, s19  }
0x9c: {  	s7 =	simm.s32 $0x0;
	s20 =	sshll.u32 s5, $0x1;
	s5 =	sadd.s32 s21, s3  }
0x9d: {  	[timem:s7], [sflag:s22] =	dma.local [hbm:s5], s20  }
0x9e: {  	_ =	swait.ge [sflag:s22], s20  }
0x9f: {  	s4 =	ssub.s32 $0x0, s20;
	[sflag:s22] =	ssyncset.done $0x0  }
0xa0: {  	[sflag:s22] =	ssyncadd.s32 s4;
	_ =	sdelay $0x1  }
0xa1: {  	s23 =	simm.s32 $0x1B8B  }
0xa2: {  	_ =	swait.ge [sflag:s23], $0x1  }
0xa3: {  	[sflag:s23] =	ssyncset.done $0x0  }
0xa4: {  	s25 =	simm.s32 $0x1B8E;
	s24 =	sld [smem:$0x3FFE];
	[sflag:s23] =	ssyncadd.s32 $0xFFFFFFFF  }
0xa5: {  	s26 =	simm.s32 $execute0_lowered;
	[smem:$0x3FD2] =	sst s25  }
0xa6: {  	s5 =	sshll.u32 s26, $0x1;
	_ =	strace $0x80000046;
	[dreg:$0x1] =	wrdreg $0xFFFFFFFF  }
0xa7: {  	s28 =	simm.s32 $_size_execute0_lowered;
	s3 =	sadd.s32 s3, s5;
	[dreg:$0x0] =	wrdreg $0x0  }
0xa8: {  	s5 =	sshll.u32 s28, $0x1;
	[dreg:$0x2] =	wrdreg s3  }
0xa9: {  	[dreg:$0x3] =	wrdreg s5  }
0xaa: {  	[dreg:$0x4] =	wrdreg $0xC0  }
0xab: {  	_ =	task [dreg:s7], $0x5FFFF  }
0xac: {  	[dreg:$0x1] =	wrdreg $0xFFFFFFFF  }
0xad: {  	[dreg:$0x0] =	wrdreg $0x60  }
0xae: {  	[dreg:$0x2] =	wrdreg s2  }
0xaf: {  	[dreg:$0x3] =	wrdreg s24  }
0xb0: {  	[dreg:$0x4] =	wrdreg $0x9  }
0xb1: {  	_ =	task.clear_ibuf [dreg:s7], $0x5FFFF;
	_ =	strace $0x90000046  }
0xb2: {  	s29 =	simm.s32 $0x9;
	_ =	strace $0x80000048  }
0xb3: {  	_ =	swait.ge [sflag:s29], $0x1  }
0xb4: {  	[sflag:s29] =	ssyncadd.s32 $0xFFFFFFFF  }
0xb5: {  	_ =	strace $0x90000048  }
0xb6: {  	_ =	sfence  }
0xb7: {  	s30 =	sld [smem:$0x0];
	_ =	sdelay $0x2  }
0xb8: {  	s31 =	sshll.u32 s1, $0xD;
	s1 =	sshrl.u32 s1, $0x2  }
0xb9: {  	s3 =	sand.u32 $0x4000, s31;
	s1 =	sadd.s32 s1, s30  }
0xba: {  	s0 =	sor.u32 s3, s0;
	s1 =	sshll.u32 s1, $0x11  }
0xbb: {  	s0 =	sor.u32 s1, s0  }
0xbc: {  	s0 =	sadd.s32 $0x8F2B, s0  }
0xbd: {  	[sflag:s0] =	ssyncadd.remote.s32 $0x1  }
0xbe: {  	_ =	sfence.sel $0xFFFF  }
0xbf: {  	[dreg:$0x0] =	wrdreg $0xFFFFFFFF;
	(pc) =	sbr.abs _section_cstart, $3  }
0xc0: {  	[dreg:$0x1] =	wrdreg $0xFFFFFFFF  }
0xc1: {  	_ =	task.clear_ibuf [dreg:s7], $0x2FFFF;
	_ =	strace $0x9FFFFFFF  }
0xc2: {  	(tm) =	ssettm $0x7FFFFFFF  }
0xc3: {  	_ =	shalt  }
tec
execute0_lowered:
.L_overlay_start_1:
0x0: {  	(tag) =	ssettag $0x1  }
0x1: {  	s5 =	rddreg [dreg:$0x0]  }
0x2: {  	s4 =	rddreg [dreg:$0x1]  }
0x3: {  	s0 =	rddreg [dreg:$0x2]  }
0x4: {  	s3 =	srdreg.scid;
	s1 =	stileid.u32  }
0x5: {  	s2 =	simm.s32 $0x0;
	s10 =	simm.s32 $0x6400;
	s11 =	simm.s32 $0x6800  }
0x6: {  	s12 =	simm.s32 $0x1;
	s13 =	simm.s32 $0x16800;
	s14 =	simm.s32 $0x2  }
0x7: {  	s15 =	simm.s32 $0x0;
	s3 =	sand.u32 $0x1, s3;
	s6 =	sshll.u32 s1, $0x1  }
.Ltmp0:
0x8: {  	[smem:$0x7FF] =	sst s2;
	s6 =	sor.u32 s3, s6;
	(pc) =	sbr.rel .LBB2_1-.Ltmp0, $4  }
0x9: {  	_ =	strace $0x80000047;
	s7 =	ssub.s32 $0x2, s3;
	s3 =	sadd.s32 $0xF42E00, s4  }
0xa: {  	s4 =	sadd.s32 $0xA00, s4;
	s8 =	smul.u32 $0xC80, s6;
	s9 =	sshrl.u32 s7, $0x1  }
0xb: {  	s6 =	smul.u32 $0x320000, s6;
	s7 =	ssub.s32 s7, s9;
	s9 =	simm.s32 $0x100  }
0xc: {  	s5 =	sadd.s32 s5, s8;
	s7 =	smax.u32 s7, $0x1;
	s8 =	simm.s32 $0x3  }
.LBB2_9:
0xd: {  	s15 =	sadd.s32 $0x1, s15  }
0xe: {  	p0 =	sne.s32 s15, s7  }
.Ltmp1:
0xf: {  	_ = 	snop;
	(pc) =	sbr.rel @!p0 .LBB2_10-.Ltmp1, $4  }
0x10: {  	_ = 	snop  }
0x11: {  	_ =	swait.ge [sflag:s14], $0x8000  }
0x12: {  	[sflag:s14] =	ssyncset.done $0x0  }
0x13: {  	[sflag:s14] =	ssyncadd.s32 $0xFFFF8000  }
.LBB2_1:
0x14: {  	[tilespmem:s2], [sflag:$0x3] =	stream.linear.gather [hbm4b:s5+s2], $0x6400, $0x38;
	[tilespmem:$0x1E800] =	vst v63  }
0x15: {  	_ =	swait.ge [sflag:s8], $0x6400  }
0x16: {  	[sflag:s8] =	ssyncset.done $0x0  }
0x17: {  	[sflag:s8] =	ssyncadd.s32 $0xFFFF9C00  }
0x18: {  	v0 =	vld [tilespmem:$0x0]  }
0x19: {  	v1 =	vld [tilespmem:$0x10]  }
0x1a: {  	v2 =	vld [tilespmem:$0x20]  }
0x1b: {  	v28 =	vld [tilespmem:$0x30]  }
0x1c: {  	v31 =	vld [tilespmem:$0x40]  }
0x1d: {  	v34 =	vld [tilespmem:$0x50];
	v3 =	vshrl.u32 v0, $0x1  }
0x1e: {  	v37 =	vld [tilespmem:$0x60];
	v29 =	vshrl.u32 v1, $0x1;
	[tilespmem:$0x6400] =	vst v3  }
0x1f: {  	v40 =	vld [tilespmem:$0x70];
	v32 =	vshrl.u32 v2, $0x1;
	[tilespmem:$0x6410] =	vst v29  }
0x20: {  	v43 =	vld [tilespmem:$0x80];
	v35 =	vshrl.u32 v28, $0x1;
	[tilespmem:$0x6420] =	vst v32  }
0x21: {  	v46 =	vld [tilespmem:$0x90];
	v38 =	vshrl.u32 v31, $0x1;
	[tilespmem:$0x6430] =	vst v35  }
0x22: {  	v49 =	vld [tilespmem:$0xA0];
	v41 =	vshrl.u32 v34, $0x1;
	[tilespmem:$0x6440] =	vst v38  }
0x23: {  	v52 =	vld [tilespmem:$0xB0];
	v44 =	vshrl.u32 v37, $0x1;
	[tilespmem:$0x6450] =	vst v41  }
0x24: {  	v55 =	vld [tilespmem:$0xC0];
	v47 =	vshrl.u32 v40, $0x1;
	[tilespmem:$0x6460] =	vst v44  }
0x25: {  	v58 =	vld [tilespmem:$0xD0];
	v50 =	vshrl.u32 v43, $0x1;
	[tilespmem:$0x6470] =	vst v47  }
0x26: {  	v61 =	vld [tilespmem:$0xE0];
	v53 =	vshrl.u32 v46, $0x1;
	[tilespmem:$0x6480] =	vst v50  }
0x27: {  	v6 =	vld [tilespmem:$0xF0];
	v56 =	vshrl.u32 v49, $0x1;
	[tilespmem:$0x6490] =	vst v53  }
0x28: {  	v59 =	vshrl.u32 v52, $0x1;
	[tilespmem:$0x64A0] =	vst v56  }
0x29: {  	v62 =	vshrl.u32 v55, $0x1;
	[tilespmem:$0x64B0] =	vst v59  }
0x2a: {  	v7 =	vshrl.u32 v58, $0x1;
	[tilespmem:$0x64C0] =	vst v62  }
0x2b: {  	v9 =	vshrl.u32 v61, $0x1;
	[tilespmem:$0x64D0] =	vst v7  }
0x2c: {  	v0 =	vshll.u32 v0, $0x6;
	v12 =	vshrl.u32 v6, $0x1;
	[tilespmem:$0x64E0] =	vst v9  }
0x2d: {  	v1 =	vshll.u32 v1, $0x6;
	v0 =	vand.u32 $0x40, v0;
	[tilespmem:$0x64F0] =	vst v12  }
0x2e: {  	v2 =	vshll.u32 v2, $0x6;
	v30 =	vand.u32 $0x40, v1;
	[tilespmem:$0x6600] =	vst v0  }
0x2f: {  	v10 =	vshll.u32 v61, $0x6;
	v33 =	vand.u32 $0x40, v2;
	[tilespmem:$0x6610] =	vst v30  }
0x30: {  	v13 =	vshll.u32 v6, $0x6;
	v11 =	vand.u32 $0x40, v10;
	[tilespmem:$0x6620] =	vst v33  }
0x31: {  	v3 =	vshll.u32 v28, $0x6;
	v14 =	vand.u32 $0x40, v13;
	[tilespmem:$0x6760] =	vst v11  }
0x32: {  	v1 =	vshll.u32 v31, $0x6;
	v36 =	vand.u32 $0x40, v3;
	[tilespmem:$0x6770] =	vst v14  }
0x33: {  	v2 =	vshll.u32 v34, $0x6;
	v39 =	vand.u32 $0x40, v1;
	[tilespmem:$0x6630] =	vst v36  }
0x34: {  	v42 =	vand.u32 $0x40, v2;
	v3 =	vshll.u32 v37, $0x6;
	[tilespmem:$0x6640] =	vst v39  }
0x35: {  	v1 =	vshll.u32 v40, $0x6;
	[tilespmem:$0x6650] =	vst v42;
	v45 =	vand.u32 $0x40, v3  }
0x36: {  	v2 =	vshll.u32 v43, $0x6;
	v48 =	vand.u32 $0x40, v1;
	[tilespmem:$0x6660] =	vst v45  }
0x37: {  	v51 =	vand.u32 $0x40, v2;
	v3 =	vshll.u32 v46, $0x6;
	[tilespmem:$0x6670] =	vst v48  }
0x38: {  	v1 =	vshll.u32 v49, $0x6;
	[tilespmem:$0x6700] =	vst v51;
	v54 =	vand.u32 $0x40, v3  }
0x39: {  	v2 =	vshll.u32 v52, $0x6;
	v57 =	vand.u32 $0x40, v1;
	[tilespmem:$0x6710] =	vst v54  }
0x3a: {  	v60 =	vand.u32 $0x40, v2;
	v3 =	vshll.u32 v55, $0x6;
	[tilespmem:$0x6720] =	vst v57  }
0x3b: {  	v1 =	vshll.u32 v58, $0x6;
	[tilespmem:$0x6730] =	vst v60;
	v63 =	vand.u32 $0x40, v3  }
0x3c: {  	v8 =	vand.u32 $0x40, v1;
	[tilespmem:$0x6740] =	vst v63  }
0x3d: {  	[tilespmem:$0x6750] =	vst v8  }
0x3e: {  	[tilespmem:s11], [sflag:$0x1] =	stream.indirect.gather [hbm4b:s3+s9], $0x80, s10, s9, $0xb8;
	[tilespmem:$0x1E800] =	vst v63  }
0x3f: {  	v15 =	vld [tilespmem:$0x100]  }
0x40: {  	v16 =	vld [tilespmem:$0x110]  }
0x41: {  	v17 =	vld [tilespmem:$0x120]  }
0x42: {  	v19 =	vld [tilespmem:$0x130]  }
0x43: {  	v22 =	vld [tilespmem:$0x140]  }
0x44: {  	v25 =	vld [tilespmem:$0x150];
	v18 =	vshrl.u32 v15, $0x1  }
0x45: {  	v28 =	vld [tilespmem:$0x160];
	v20 =	vshrl.u32 v16, $0x1;
	[tilespmem:$0x6500] =	vst v18  }
0x46: {  	v31 =	vld [tilespmem:$0x170];
	v23 =	vshrl.u32 v17, $0x1;
	[tilespmem:$0x6510] =	vst v20  }
0x47: {  	v34 =	vld [tilespmem:$0x180];
	v26 =	vshrl.u32 v19, $0x1;
	[tilespmem:$0x6520] =	vst v23  }
0x48: {  	v37 =	vld [tilespmem:$0x190];
	v29 =	vshrl.u32 v22, $0x1;
	[tilespmem:$0x6530] =	vst v26  }
0x49: {  	v40 =	vld [tilespmem:$0x1A0];
	v32 =	vshrl.u32 v25, $0x1;
	[tilespmem:$0x6540] =	vst v29  }
0x4a: {  	v43 =	vld [tilespmem:$0x1B0];
	v35 =	vshrl.u32 v28, $0x1;
	[tilespmem:$0x6550] =	vst v32  }
0x4b: {  	v46 =	vld [tilespmem:$0x1C0];
	v38 =	vshrl.u32 v31, $0x1;
	[tilespmem:$0x6560] =	vst v35  }
0x4c: {  	v49 =	vld [tilespmem:$0x1D0];
	v41 =	vshrl.u32 v34, $0x1;
	[tilespmem:$0x6570] =	vst v38  }
0x4d: {  	v52 =	vld [tilespmem:$0x1E0];
	v44 =	vshrl.u32 v37, $0x1;
	[tilespmem:$0x6580] =	vst v41  }
0x4e: {  	v55 =	vld [tilespmem:$0x1F0];
	v47 =	vshrl.u32 v40, $0x1;
	[tilespmem:$0x6590] =	vst v44  }
0x4f: {  	v50 =	vshrl.u32 v43, $0x1;
	[tilespmem:$0x65A0] =	vst v47  }
0x50: {  	v53 =	vshrl.u32 v46, $0x1;
	[tilespmem:$0x65B0] =	vst v50  }
0x51: {  	v56 =	vshrl.u32 v49, $0x1;
	[tilespmem:$0x65C0] =	vst v53  }
0x52: {  	v58 =	vshrl.u32 v52, $0x1;
	[tilespmem:$0x65D0] =	vst v56  }
0x53: {  	v0 =	vshll.u32 v15, $0x6;
	v61 =	vshrl.u32 v55, $0x1;
	[tilespmem:$0x65E0] =	vst v58  }
0x54: {  	v1 =	vshll.u32 v16, $0x6;
	v0 =	vand.u32 $0x40, v0;
	[tilespmem:$0x65F0] =	vst v61  }
0x55: {  	v2 =	vshll.u32 v17, $0x6;
	v21 =	vand.u32 $0x40, v1;
	[tilespmem:$0x6680] =	vst v0  }
0x56: {  	v3 =	vshll.u32 v19, $0x6;
	v24 =	vand.u32 $0x40, v2;
	[tilespmem:$0x6690] =	vst v21  }
0x57: {  	v59 =	vshll.u32 v52, $0x6;
	v27 =	vand.u32 $0x40, v3;
	[tilespmem:$0x66A0] =	vst v24  }
0x58: {  	v62 =	vshll.u32 v55, $0x6;
	v60 =	vand.u32 $0x40, v59;
	[tilespmem:$0x66B0] =	vst v27  }
0x59: {  	v1 =	vshll.u32 v22, $0x6;
	v63 =	vand.u32 $0x40, v62;
	[tilespmem:$0x67E0] =	vst v60  }
0x5a: {  	v2 =	vshll.u32 v25, $0x6;
	v30 =	vand.u32 $0x40, v1;
	[tilespmem:$0x67F0] =	vst v63  }
0x5b: {  	v3 =	vshll.u32 v28, $0x6;
	v33 =	vand.u32 $0x40, v2;
	[tilespmem:$0x66C0] =	vst v30  }
0x5c: {  	v36 =	vand.u32 $0x40, v3;
	v1 =	vshll.u32 v31, $0x6;
	[tilespmem:$0x66D0] =	vst v33  }
0x5d: {  	v2 =	vshll.u32 v34, $0x6;
	[tilespmem:$0x66E0] =	vst v36;
	v39 =	vand.u32 $0x40, v1  }
0x5e: {  	v3 =	vshll.u32 v37, $0x6;
	v42 =	vand.u32 $0x40, v2;
	[tilespmem:$0x66F0] =	vst v39  }
0x5f: {  	v45 =	vand.u32 $0x40, v3;
	v1 =	vshll.u32 v40, $0x6;
	[tilespmem:$0x6780] =	vst v42  }
.Ltmp2:
0x60: {  	v2 =	vshll.u32 v43, $0x6;
	[tilespmem:$0x6790] =	vst v45;
	v48 =	vand.u32 $0x40, v1;
	(pc) =	sbr.rel .LBB2_2-.Ltmp2, $4  }
0x61: {  	v3 =	vshll.u32 v46, $0x6;
	v51 =	vand.u32 $0x40, v2;
	[tilespmem:$0x67A0] =	vst v48  }
0x62: {  	v54 =	vand.u32 $0x40, v3;
	v1 =	vshll.u32 v49, $0x6;
	[tilespmem:$0x67B0] =	vst v51  }
0x63: {  	[tilespmem:$0x67C0] =	vst v54;
	v57 =	vand.u32 $0x40, v1  }
0x64: {  	p0 =	por $0x0, $0x0;
	s16 =	simm.s32 $0x0;
	[tilespmem:$0x67D0] =	vst v57  }
.LBB2_7:
0x65: {  	[tilespmem:$0x6500] =	vst v1  }
0x66: {  	[tilespmem:$0x6680] =	vst v0  }
0x67: {  	v0 =	vld [tilespmem:s18+$0x210];
	_ =	sdelay $0x4  }
0x68: {  	v49 =	vshrl.u32 v0, $0x1;
	v0 =	vshll.u32 v0, $0x6  }
0x69: {  	[tilespmem:$0x6510] =	vst v49;
	v0 =	vand.u32 $0x40, v0  }
0x6a: {  	[tilespmem:$0x6690] =	vst v0  }
0x6b: {  	v0 =	vld [tilespmem:s18+$0x220];
	_ =	sdelay $0x4  }
0x6c: {  	v50 =	vshrl.u32 v0, $0x1;
	v0 =	vshll.u32 v0, $0x6  }
0x6d: {  	[tilespmem:$0x6520] =	vst v50;
	v0 =	vand.u32 $0x40, v0  }
0x6e: {  	[tilespmem:$0x66A0] =	vst v0  }
0x6f: {  	v0 =	vld [tilespmem:s18+$0x230];
	_ =	sdelay $0x4  }
0x70: {  	v51 =	vshrl.u32 v0, $0x1;
	v0 =	vshll.u32 v0, $0x6  }
0x71: {  	[tilespmem:$0x6530] =	vst v51;
	v0 =	vand.u32 $0x40, v0  }
0x72: {  	[tilespmem:$0x66B0] =	vst v0  }
0x73: {  	v0 =	vld [tilespmem:s18+$0x240];
	_ =	sdelay $0x4  }
0x74: {  	v52 =	vshrl.u32 v0, $0x1;
	v0 =	vshll.u32 v0, $0x6  }
0x75: {  	[tilespmem:$0x6540] =	vst v52;
	v0 =	vand.u32 $0x40, v0  }
0x76: {  	[tilespmem:$0x66C0] =	vst v0  }
0x77: {  	v0 =	vld [tilespmem:s18+$0x250];
	_ =	sdelay $0x4  }
0x78: {  	v53 =	vshrl.u32 v0, $0x1;
	v0 =	vshll.u32 v0, $0x6  }
0x79: {  	[tilespmem:$0x6550] =	vst v53;
	v0 =	vand.u32 $0x40, v0  }
0x7a: {  	[tilespmem:$0x66D0] =	vst v0  }
0x7b: {  	v0 =	vld [tilespmem:s18+$0x260];
	_ =	sdelay $0x4  }
0x7c: {  	v54 =	vshrl.u32 v0, $0x1;
	v0 =	vshll.u32 v0, $0x6  }
0x7d: {  	[tilespmem:$0x6560] =	vst v54;
	v0 =	vand.u32 $0x40, v0  }
0x7e: {  	[tilespmem:$0x66E0] =	vst v0  }
0x7f: {  	v0 =	vld [tilespmem:s18+$0x270];
	_ =	sdelay $0x4  }
0x80: {  	v55 =	vshrl.u32 v0, $0x1;
	v0 =	vshll.u32 v0, $0x6  }
0x81: {  	[tilespmem:$0x6570] =	vst v55;
	v0 =	vand.u32 $0x40, v0  }
0x82: {  	[tilespmem:$0x66F0] =	vst v0  }
0x83: {  	v0 =	vld [tilespmem:s18+$0x280];
	_ =	sdelay $0x4  }
0x84: {  	v56 =	vshrl.u32 v0, $0x1;
	v0 =	vshll.u32 v0, $0x6  }
0x85: {  	[tilespmem:$0x6580] =	vst v56;
	v0 =	vand.u32 $0x40, v0  }
0x86: {  	[tilespmem:$0x6780] =	vst v0  }
0x87: {  	v0 =	vld [tilespmem:s18+$0x290];
	_ =	sdelay $0x4  }
0x88: {  	v57 =	vshrl.u32 v0, $0x1;
	v0 =	vshll.u32 v0, $0x6  }
0x89: {  	[tilespmem:$0x6590] =	vst v57;
	v0 =	vand.u32 $0x40, v0  }
0x8a: {  	[tilespmem:$0x6790] =	vst v0  }
0x8b: {  	v0 =	vld [tilespmem:s18+$0x2A0];
	_ =	sdelay $0x4  }
0x8c: {  	v58 =	vshrl.u32 v0, $0x1;
	v0 =	vshll.u32 v0, $0x6  }
0x8d: {  	[tilespmem:$0x65A0] =	vst v58;
	v0 =	vand.u32 $0x40, v0  }
0x8e: {  	[tilespmem:$0x67A0] =	vst v0  }
0x8f: {  	v0 =	vld [tilespmem:s18+$0x2B0];
	_ =	sdelay $0x4  }
0x90: {  	v59 =	vshrl.u32 v0, $0x1;
	v0 =	vshll.u32 v0, $0x6  }
0x91: {  	[tilespmem:$0x65B0] =	vst v59;
	v0 =	vand.u32 $0x40, v0  }
0x92: {  	[tilespmem:$0x67B0] =	vst v0  }
0x93: {  	v0 =	vld [tilespmem:s18+$0x2C0];
	_ =	sdelay $0x4  }
0x94: {  	v60 =	vshrl.u32 v0, $0x1;
	v0 =	vshll.u32 v0, $0x6  }
0x95: {  	[tilespmem:$0x65C0] =	vst v60;
	v0 =	vand.u32 $0x40, v0  }
0x96: {  	[tilespmem:$0x67C0] =	vst v0  }
0x97: {  	v0 =	vld [tilespmem:s18+$0x2D0];
	_ =	sdelay $0x4  }
0x98: {  	v61 =	vshrl.u32 v0, $0x1;
	v0 =	vshll.u32 v0, $0x6  }
0x99: {  	[tilespmem:$0x65D0] =	vst v61;
	v0 =	vand.u32 $0x40, v0  }
0x9a: {  	[tilespmem:$0x67D0] =	vst v0  }
0x9b: {  	v0 =	vld [tilespmem:s18+$0x2E0];
	_ =	sdelay $0x4  }
0x9c: {  	v62 =	vshrl.u32 v0, $0x1;
	v0 =	vshll.u32 v0, $0x6  }
0x9d: {  	[tilespmem:$0x65E0] =	vst v62;
	v0 =	vand.u32 $0x40, v0  }
0x9e: {  	[tilespmem:$0x67E0] =	vst v0  }
0x9f: {  	v0 =	vld [tilespmem:s18+$0x2F0];
	_ =	sdelay $0x4  }
0xa0: {  	v63 =	vshrl.u32 v0, $0x1;
	v0 =	vshll.u32 v0, $0x6  }
0xa1: {  	[tilespmem:$0x65F0] =	vst v63;
	v0 =	vand.u32 $0x40, v0  }
0xa2: {  	[tilespmem:$0x67F0] =	vst v0  }
.LBB2_8:
0xa3: {  	p1 =	sne.s32 s16, $0x64  }
.Ltmp3:
0xa4: {  	_ = 	snop;
	(pc) =	sbr.rel @!p1 .LBB2_9-.Ltmp3, $2  }
0xa5: {  	_ =	sdelay $0x2  }
0xa6: {  	p0 =	por !p0, !p0  }
.LBB2_2:
0xa7: {  	s17 =	sand.u32 $0x1, s16;
	p1 =	seq.s32 s16, $0x63  }
0xa8: {  	s18 =	smov.u32 s16;
	s22 =	simm.s32 $0x0;
	p2 =	seq.s32 @!p1 s17, $0x0  }
0xa9: {  	s31 =	sshll.u32 s18, $0x7;
	p3 =	por !p2, p1;
	p1 =	por p2, p1  }
0xaa: {  	s16 =	simm.s32 @!p3 $0x100;
	s19 =	simm.s32 @!p3 $0x6500;
	s20 =	simm.s32 @!p3 $0xE800  }
0xab: {  	[tilespmem:s20], [sflag:$0x1] =	stream.indirect.gather @!p3 [hbm4b:s3+s16], $0x80, s19, s16, $0xb8;
	[tilespmem:$0x1E800] =	vst v63  }
0xac: {  	s16 =	simm.s32 @!p1 $0x100;
	s19 =	simm.s32 @!p1 $0x6400;
	s20 =	simm.s32 @!p1 $0x6800  }
0xad: {  	[tilespmem:s20], [sflag:$0x1] =	stream.indirect.gather @!p1 [hbm4b:s3+s16], $0x80, s19, s16, $0xb8;
	[tilespmem:$0x1E800] =	vst v63  }
0xae: {  	s21 =	sand.u32 $0x80, s31;
	s16 =	simm.s32 $0x1;
	_ =	swait.ge [sflag:s12], $0x8000  }
0xaf: {  	p1 =	seq.s32 s18, $0x0;
	s16 =	simm.s32 @!p0 $0x0;
	[sflag:s12] =	ssyncset.done $0x0  }
0xb0: {  	s20 =	simm.s32 @!p1 $0x2;
	s16 =	sshll.u32 s16, $0xF;
	[sflag:s12] =	ssyncadd.s32 $0xFFFF8000  }
0xb1: {  	s21 =	sor.u32 $0x6600, s21;
	s19 =	sor.u32 $0x6C00, s16;
	_ =	swait.ge @!p1 [sflag:s20], $0x8000  }
0xb2: {  	s16 =	sadd.s32 $0x1, s18;
	[dreg:$0x3] =	wrdreg s21;
	[sflag:s20] =	ssyncset.done @!p1 $0x0  }
0xb3: {  	s21 =	simm.s32 $0x16C00;
	[sflag:s20] =	ssyncadd.s32 @!p1 $0xFFFF8000;
	s20 =	simm.s32 $0x0  }
.LBB2_3:
0xb4: {  	s23 =	rddreg [dreg:$0x3];
	s24 =	sand.u32 $0x100, s20  }
0xb5: {  	s25 =	sand.u32 $0x70, s22;
	s23 =	sadd.s32 s24, s23  }
0xb6: {  	s23 =	sadd.s32 s25, s23  }
0xb7: {  	v0 =	vld [tilespmem:s23+$0x0];
	_ =	sdelay $0x4  }
0xb8: {  	(v2sf) =	vpush v0, $0x0;
	_ =	sdelay $0xe  }
0xb9: {  	s31 =	spop (v2sf)  }
0xba: {  	s24 =	sadd.s32 $0xFFFFFC00, s19;
	s25 =	sadd.s32 $0xFFFFFC40, s19;
	p1 =	seq.s32 s31, $0x0  }
0xbb: {  	s25 =	smov.u32 @p1 s24  }
0xbc: {  	v1 =	vld [tilespmem:s25+$0x0];
	_ =	sdelay $0x3  }
0xbd: {  	s23 =	sadd.s32 $0xFFFFFC10, s19;
	s24 =	sadd.s32 $0xFFFFFC50, s19  }
0xbe: {  	s24 =	smov.u32 @p1 s23;
	[tilespmem:s21+$0xFFFFFC00] =	vst v1  }
0xbf: {  	(v2sf) =	vpush v0, $0x1;
	v1 =	vld [tilespmem:s24+$0x0];
	_ =	sdelay $0x3  }
0xc0: {  	s23 =	sadd.s32 $0xFFFFFC20, s19;
	s24 =	sadd.s32 $0xFFFFFC60, s19  }
0xc1: {  	s24 =	smov.u32 @p1 s23;
	[tilespmem:s21+$0xFFFFFC10] =	vst v1  }
0xc2: {  	v1 =	vld [tilespmem:s24+$0x0];
	_ =	sdelay $0x3  }
0xc3: {  	s23 =	sadd.s32 $0xFFFFFC30, s19;
	s24 =	sadd.s32 $0xFFFFFC70, s19  }
0xc4: {  	s24 =	smov.u32 @p1 s23;
	[tilespmem:s21+$0xFFFFFC20] =	vst v1  }
0xc5: {  	v1 =	vld [tilespmem:s24+$0x0];
	_ =	sdelay $0x2  }
0xc6: {  	s26 =	spop (v2sf)  }
0xc7: {  	s25 =	sadd.s32 $0xFFFFFCC0, s19;
	p1 =	seq.s32 s26, $0x0;
	s24 =	sadd.s32 $0xFFFFFC80, s19  }
0xc8: {  	s25 =	smov.u32 @p1 s24;
	[tilespmem:s21+$0xFFFFFC30] =	vst v1  }
0xc9: {  	v1 =	vld [tilespmem:s25+$0x0];
	_ =	sdelay $0x3  }
0xca: {  	s23 =	sadd.s32 $0xFFFFFC90, s19;
	s24 =	sadd.s32 $0xFFFFFCD0, s19  }
0xcb: {  	s24 =	smov.u32 @p1 s23;
	[tilespmem:s21+$0xFFFFFC80] =	vst v1  }
0xcc: {  	(v2sf) =	vpush v0, $0x2;
	v1 =	vld [tilespmem:s24+$0x0];
	_ =	sdelay $0x3  }
0xcd: {  	s23 =	sadd.s32 $0xFFFFFCA0, s19;
	s24 =	sadd.s32 $0xFFFFFCE0, s19  }
0xce: {  	s24 =	smov.u32 @p1 s23;
	[tilespmem:s21+$0xFFFFFC90] =	vst v1  }
0xcf: {  	v1 =	vld [tilespmem:s24+$0x0];
	_ =	sdelay $0x3  }
0xd0: {  	s23 =	sadd.s32 $0xFFFFFCB0, s19;
	s24 =	sadd.s32 $0xFFFFFCF0, s19  }
0xd1: {  	s24 =	smov.u32 @p1 s23;
	[tilespmem:s21+$0xFFFFFCA0] =	vst v1  }
0xd2: {  	v1 =	vld [tilespmem:s24+$0x0];
	_ =	sdelay $0x2  }
0xd3: {  	s28 =	spop (v2sf)  }
0xd4: {  	s25 =	sadd.s32 $0xFFFFFD40, s19;
	p1 =	seq.s32 s28, $0x0;
	s24 =	sadd.s32 $0xFFFFFD00, s19  }
0xd5: {  	s25 =	smov.u32 @p1 s24;
	[tilespmem:s21+$0xFFFFFCB0] =	vst v1  }
0xd6: {  	v1 =	vld [tilespmem:s25+$0x0];
	_ =	sdelay $0x3  }
0xd7: {  	s23 =	sadd.s32 $0xFFFFFD10, s19;
	s24 =	sadd.s32 $0xFFFFFD50, s19  }
0xd8: {  	s24 =	smov.u32 @p1 s23;
	[tilespmem:s21+$0xFFFFFD00] =	vst v1  }
0xd9: {  	(v2sf) =	vpush v0, $0x3;
	v1 =	vld [tilespmem:s24+$0x0];
	_ =	sdelay $0x3  }
0xda: {  	s23 =	sadd.s32 $0xFFFFFD20, s19;
	s24 =	sadd.s32 $0xFFFFFD60, s19  }
0xdb: {  	s24 =	smov.u32 @p1 s23;
	[tilespmem:s21+$0xFFFFFD10] =	vst v1  }
0xdc: {  	v1 =	vld [tilespmem:s24+$0x0];
	_ =	sdelay $0x3  }
0xdd: {  	s23 =	sadd.s32 $0xFFFFFD30, s19;
	s24 =	sadd.s32 $0xFFFFFD70, s19  }
0xde: {  	s24 =	smov.u32 @p1 s23;
	[tilespmem:s21+$0xFFFFFD20] =	vst v1  }
0xdf: {  	v1 =	vld [tilespmem:s24+$0x0];
	_ =	sdelay $0x2  }
0xe0: {  	s29 =	spop (v2sf)  }
0xe1: {  	s25 =	sadd.s32 $0xFFFFFDC0, s19;
	p1 =	seq.s32 s29, $0x0;
	s24 =	sadd.s32 $0xFFFFFD80, s19  }
0xe2: {  	s25 =	smov.u32 @p1 s24;
	[tilespmem:s21+$0xFFFFFD30] =	vst v1  }
0xe3: {  	v1 =	vld [tilespmem:s25+$0x0];
	_ =	sdelay $0x3  }
0xe4: {  	s23 =	sadd.s32 $0xFFFFFD90, s19;
	s24 =	sadd.s32 $0xFFFFFDD0, s19  }
0xe5: {  	s24 =	smov.u32 @p1 s23;
	[tilespmem:s21+$0xFFFFFD80] =	vst v1  }
0xe6: {  	(v2sf) =	vpush v0, $0x4;
	v1 =	vld [tilespmem:s24+$0x0];
	_ =	sdelay $0x3  }
0xe7: {  	s23 =	sadd.s32 $0xFFFFFDA0, s19;
	s24 =	sadd.s32 $0xFFFFFDE0, s19  }
0xe8: {  	s24 =	smov.u32 @p1 s23;
	[tilespmem:s21+$0xFFFFFD90] =	vst v1  }
0xe9: {  	v1 =	vld [tilespmem:s24+$0x0];
	_ =	sdelay $0x3  }
0xea: {  	s23 =	sadd.s32 $0xFFFFFDB0, s19;
	s24 =	sadd.s32 $0xFFFFFDF0, s19  }
0xeb: {  	s24 =	smov.u32 @p1 s23;
	[tilespmem:s21+$0xFFFFFDA0] =	vst v1  }
0xec: {  	v1 =	vld [tilespmem:s24+$0x0];
	_ =	sdelay $0x2  }
0xed: {  	s30 =	spop (v2sf)  }
0xee: {  	s25 =	sadd.s32 $0xFFFFFE40, s19;
	p1 =	seq.s32 s30, $0x0;
	s24 =	sadd.s32 $0xFFFFFE00, s19  }
0xef: {  	s25 =	smov.u32 @p1 s24;
	[tilespmem:s21+$0xFFFFFDB0] =	vst v1  }
0xf0: {  	v1 =	vld [tilespmem:s25+$0x0];
	_ =	sdelay $0x3  }
0xf1: {  	s23 =	sadd.s32 $0xFFFFFE10, s19;
	s24 =	sadd.s32 $0xFFFFFE50, s19  }
0xf2: {  	s24 =	smov.u32 @p1 s23;
	[tilespmem:s21+$0xFFFFFE00] =	vst v1  }
0xf3: {  	(v2sf) =	vpush v0, $0x5;
	v1 =	vld [tilespmem:s24+$0x0];
	_ =	sdelay $0x3  }
0xf4: {  	s23 =	sadd.s32 $0xFFFFFE20, s19;
	s24 =	sadd.s32 $0xFFFFFE60, s19  }
0xf5: {  	s24 =	smov.u32 @p1 s23;
	[tilespmem:s21+$0xFFFFFE10] =	vst v1  }
0xf6: {  	v1 =	vld [tilespmem:s24+$0x0];
	_ =	sdelay $0x3  }
0xf7: {  	s23 =	sadd.s32 $0xFFFFFE30, s19;
	s24 =	sadd.s32 $0xFFFFFE70, s19  }
0xf8: {  	s24 =	smov.u32 @p1 s23;
	[tilespmem:s21+$0xFFFFFE20] =	vst v1  }
0xf9: {  	v1 =	vld [tilespmem:s24+$0x0];
	_ =	sdelay $0x2  }
0xfa: {  	s31 =	spop (v2sf)  }
0xfb: {  	s25 =	sadd.s32 $0xFFFFFEC0, s19;
	p1 =	seq.s32 s31, $0x0;
	s24 =	sadd.s32 $0xFFFFFE80, s19  }
0xfc: {  	s25 =	smov.u32 @p1 s24;
	[tilespmem:s21+$0xFFFFFE30] =	vst v1  }
0xfd: {  	v1 =	vld [tilespmem:s25+$0x0];
	_ =	sdelay $0x3  }
0xfe: {  	s23 =	sadd.s32 $0xFFFFFE90, s19;
	s24 =	sadd.s32 $0xFFFFFED0, s19  }
0xff: {  	s24 =	smov.u32 @p1 s23;
	[tilespmem:s21+$0xFFFFFE80] =	vst v1  }
0x100: {  	(v2sf) =	vpush v0, $0x6;
	v1 =	vld [tilespmem:s24+$0x0];
	_ =	sdelay $0x3  }
0x101: {  	s23 =	sadd.s32 $0xFFFFFEA0, s19;
	s24 =	sadd.s32 $0xFFFFFEE0, s19  }
0x102: {  	s24 =	smov.u32 @p1 s23;
	[tilespmem:s21+$0xFFFFFE90] =	vst v1  }
0x103: {  	v1 =	vld [tilespmem:s24+$0x0];
	_ =	sdelay $0x3  }
0x104: {  	s23 =	sadd.s32 $0xFFFFFEB0, s19;
	s24 =	sadd.s32 $0xFFFFFEF0, s19  }
0x105: {  	s24 =	smov.u32 @p1 s23;
	[tilespmem:s21+$0xFFFFFEA0] =	vst v1  }
0x106: {  	v1 =	vld [tilespmem:s24+$0x0];
	_ =	sdelay $0x2  }
0x107: {  	s26 =	spop (v2sf)  }
0x108: {  	s25 =	sadd.s32 $0xFFFFFF40, s19;
	p1 =	seq.s32 s26, $0x0;
	s24 =	sadd.s32 $0xFFFFFF00, s19  }
0x109: {  	s25 =	smov.u32 @p1 s24;
	[tilespmem:s21+$0xFFFFFEB0] =	vst v1  }
0x10a: {  	v1 =	vld [tilespmem:s25+$0x0];
	_ =	sdelay $0x3  }
0x10b: {  	s23 =	sadd.s32 $0xFFFFFF10, s19;
	s24 =	sadd.s32 $0xFFFFFF50, s19  }
0x10c: {  	s24 =	smov.u32 @p1 s23;
	[tilespmem:s21+$0xFFFFFF00] =	vst v1  }
0x10d: {  	(v2sf) =	vpush v0, $0x7;
	v1 =	vld [tilespmem:s24+$0x0];
	_ =	sdelay $0x3  }
0x10e: {  	s23 =	sadd.s32 $0xFFFFFF20, s19;
	s24 =	sadd.s32 $0xFFFFFF60, s19  }
0x10f: {  	s24 =	smov.u32 @p1 s23;
	[tilespmem:s21+$0xFFFFFF10] =	vst v1  }
0x110: {  	v1 =	vld [tilespmem:s24+$0x0];
	_ =	sdelay $0x3  }
0x111: {  	s23 =	sadd.s32 $0xFFFFFF30, s19;
	s24 =	sadd.s32 $0xFFFFFF70, s19  }
0x112: {  	s24 =	smov.u32 @p1 s23;
	[tilespmem:s21+$0xFFFFFF20] =	vst v1  }
0x113: {  	v1 =	vld [tilespmem:s24+$0x0];
	_ =	sdelay $0x2  }
0x114: {  	s28 =	spop (v2sf)  }
0x115: {  	s25 =	sadd.s32 $0xFFFFFFC0, s19;
	p1 =	seq.s32 s28, $0x0;
	s24 =	sadd.s32 $0xFFFFFF80, s19  }
0x116: {  	s25 =	smov.u32 @p1 s24;
	[tilespmem:s21+$0xFFFFFF30] =	vst v1  }
0x117: {  	v1 =	vld [tilespmem:s25+$0x0];
	_ =	sdelay $0x3  }
0x118: {  	s23 =	sadd.s32 $0xFFFFFF90, s19;
	s24 =	sadd.s32 $0xFFFFFFD0, s19  }
0x119: {  	s24 =	smov.u32 @p1 s23;
	[tilespmem:s21+$0xFFFFFF80] =	vst v1  }
0x11a: {  	(v2sf) =	vpush v0, $0x8;
	v1 =	vld [tilespmem:s24+$0x0];
	_ =	sdelay $0x3  }
0x11b: {  	s23 =	sadd.s32 $0xFFFFFFA0, s19;
	s24 =	sadd.s32 $0xFFFFFFE0, s19  }
0x11c: {  	s24 =	smov.u32 @p1 s23;
	[tilespmem:s21+$0xFFFFFF90] =	vst v1  }
0x11d: {  	v1 =	vld [tilespmem:s24+$0x0];
	_ =	sdelay $0x3  }
0x11e: {  	s23 =	sadd.s32 $0xFFFFFFB0, s19;
	s24 =	sadd.s32 $0xFFFFFFF0, s19  }
0x11f: {  	s24 =	smov.u32 @p1 s23;
	[tilespmem:s21+$0xFFFFFFA0] =	vst v1  }
0x120: {  	v1 =	vld [tilespmem:s24+$0x0];
	_ =	sdelay $0x2  }
0x121: {  	s29 =	spop (v2sf)  }
0x122: {  	p1 =	seq.s32 s29, $0x0;
	s24 =	sadd.s32 $0x40, s19  }
0x123: {  	s24 =	smov.u32 @p1 s19;
	[tilespmem:s21+$0xFFFFFFB0] =	vst v1  }
0x124: {  	v1 =	vld [tilespmem:s24+$0x0];
	_ =	sdelay $0x3  }
0x125: {  	s23 =	sadd.s32 $0x10, s19;
	s24 =	sadd.s32 $0x50, s19  }
0x126: {  	s24 =	smov.u32 @p1 s23;
	[tilespmem:s21+$0x0] =	vst v1  }
0x127: {  	(v2sf) =	vpush v0, $0x9;
	v1 =	vld [tilespmem:s24+$0x0];
	_ =	sdelay $0x3  }
0x128: {  	s23 =	sadd.s32 $0x20, s19;
	s24 =	sadd.s32 $0x60, s19  }
0x129: {  	s24 =	smov.u32 @p1 s23;
	[tilespmem:s21+$0x10] =	vst v1  }
0x12a: {  	v1 =	vld [tilespmem:s24+$0x0];
	_ =	sdelay $0x3  }
0x12b: {  	s23 =	sadd.s32 $0x30, s19;
	s24 =	sadd.s32 $0x70, s19  }
0x12c: {  	s24 =	smov.u32 @p1 s23;
	[tilespmem:s21+$0x20] =	vst v1  }
0x12d: {  	v1 =	vld [tilespmem:s24+$0x0];
	_ =	sdelay $0x2  }
0x12e: {  	s30 =	spop (v2sf)  }
0x12f: {  	s25 =	sadd.s32 $0xC0, s19;
	p1 =	seq.s32 s30, $0x0;
	s24 =	sadd.s32 $0x80, s19  }
0x130: {  	s25 =	smov.u32 @p1 s24;
	[tilespmem:s21+$0x30] =	vst v1  }
0x131: {  	v1 =	vld [tilespmem:s25+$0x0];
	_ =	sdelay $0x3  }
0x132: {  	s23 =	sadd.s32 $0x90, s19;
	s24 =	sadd.s32 $0xD0, s19  }
0x133: {  	s24 =	smov.u32 @p1 s23;
	[tilespmem:s21+$0x80] =	vst v1  }
0x134: {  	(v2sf) =	vpush v0, $0xA;
	v1 =	vld [tilespmem:s24+$0x0];
	_ =	sdelay $0x3  }
0x135: {  	s23 =	sadd.s32 $0xA0, s19;
	s24 =	sadd.s32 $0xE0, s19  }
0x136: {  	s24 =	smov.u32 @p1 s23;
	[tilespmem:s21+$0x90] =	vst v1  }
0x137: {  	v1 =	vld [tilespmem:s24+$0x0];
	_ =	sdelay $0x3  }
0x138: {  	s23 =	sadd.s32 $0xB0, s19;
	s24 =	sadd.s32 $0xF0, s19  }
0x139: {  	s24 =	smov.u32 @p1 s23;
	[tilespmem:s21+$0xA0] =	vst v1  }
0x13a: {  	v1 =	vld [tilespmem:s24+$0x0];
	_ =	sdelay $0x2  }
0x13b: {  	s31 =	spop (v2sf)  }
0x13c: {  	s25 =	sadd.s32 $0x140, s19;
	p1 =	seq.s32 s31, $0x0;
	s24 =	sadd.s32 $0x100, s19  }
0x13d: {  	s25 =	smov.u32 @p1 s24;
	[tilespmem:s21+$0xB0] =	vst v1  }
0x13e: {  	v1 =	vld [tilespmem:s25+$0x0];
	_ =	sdelay $0x3  }
0x13f: {  	s23 =	sadd.s32 $0x110, s19;
	s24 =	sadd.s32 $0x150, s19  }
0x140: {  	s24 =	smov.u32 @p1 s23;
	[tilespmem:s21+$0x100] =	vst v1  }
0x141: {  	(v2sf) =	vpush v0, $0xB;
	v1 =	vld [tilespmem:s24+$0x0];
	_ =	sdelay $0x3  }
0x142: {  	s23 =	sadd.s32 $0x120, s19;
	s24 =	sadd.s32 $0x160, s19  }
0x143: {  	s24 =	smov.u32 @p1 s23;
	[tilespmem:s21+$0x110] =	vst v1  }
0x144: {  	v1 =	vld [tilespmem:s24+$0x0];
	_ =	sdelay $0x3  }
0x145: {  	s23 =	sadd.s32 $0x130, s19;
	s24 =	sadd.s32 $0x170, s19  }
0x146: {  	s24 =	smov.u32 @p1 s23;
	[tilespmem:s21+$0x120] =	vst v1  }
0x147: {  	v1 =	vld [tilespmem:s24+$0x0];
	_ =	sdelay $0x2  }
0x148: {  	s26 =	spop (v2sf)  }
0x149: {  	s25 =	sadd.s32 $0x1C0, s19;
	p1 =	seq.s32 s26, $0x0;
	s24 =	sadd.s32 $0x180, s19  }
0x14a: {  	s25 =	smov.u32 @p1 s24;
	[tilespmem:s21+$0x130] =	vst v1  }
0x14b: {  	v1 =	vld [tilespmem:s25+$0x0];
	_ =	sdelay $0x3  }
0x14c: {  	s23 =	sadd.s32 $0x190, s19;
	s24 =	sadd.s32 $0x1D0, s19  }
0x14d: {  	s24 =	smov.u32 @p1 s23;
	[tilespmem:s21+$0x180] =	vst v1  }
0x14e: {  	(v2sf) =	vpush v0, $0xC;
	v1 =	vld [tilespmem:s24+$0x0];
	_ =	sdelay $0x3  }
0x14f: {  	s23 =	sadd.s32 $0x1A0, s19;
	s24 =	sadd.s32 $0x1E0, s19  }
0x150: {  	s24 =	smov.u32 @p1 s23;
	[tilespmem:s21+$0x190] =	vst v1  }
0x151: {  	v1 =	vld [tilespmem:s24+$0x0];
	_ =	sdelay $0x3  }
0x152: {  	s23 =	sadd.s32 $0x1B0, s19;
	s24 =	sadd.s32 $0x1F0, s19  }
0x153: {  	s24 =	smov.u32 @p1 s23;
	[tilespmem:s21+$0x1A0] =	vst v1  }
0x154: {  	v1 =	vld [tilespmem:s24+$0x0];
	_ =	sdelay $0x2  }
0x155: {  	s28 =	spop (v2sf)  }
0x156: {  	s25 =	sadd.s32 $0x240, s19;
	p1 =	seq.s32 s28, $0x0;
	s24 =	sadd.s32 $0x200, s19  }
0x157: {  	s25 =	smov.u32 @p1 s24;
	[tilespmem:s21+$0x1B0] =	vst v1  }
0x158: {  	v1 =	vld [tilespmem:s25+$0x0];
	_ =	sdelay $0x3  }
0x159: {  	s23 =	sadd.s32 $0x210, s19;
	s24 =	sadd.s32 $0x250, s19  }
0x15a: {  	s24 =	smov.u32 @p1 s23;
	[tilespmem:s21+$0x200] =	vst v1  }
0x15b: {  	(v2sf) =	vpush v0, $0xD;
	v1 =	vld [tilespmem:s24+$0x0];
	_ =	sdelay $0x3  }
0x15c: {  	s23 =	sadd.s32 $0x220, s19;
	s24 =	sadd.s32 $0x260, s19  }
0x15d: {  	s24 =	smov.u32 @p1 s23;
	[tilespmem:s21+$0x210] =	vst v1  }
0x15e: {  	v1 =	vld [tilespmem:s24+$0x0];
	_ =	sdelay $0x3  }
0x15f: {  	s23 =	sadd.s32 $0x230, s19;
	s24 =	sadd.s32 $0x270, s19  }
0x160: {  	s24 =	smov.u32 @p1 s23;
	[tilespmem:s21+$0x220] =	vst v1  }
0x161: {  	v1 =	vld [tilespmem:s24+$0x0];
	_ =	sdelay $0x2  }
0x162: {  	s29 =	spop (v2sf)  }
0x163: {  	s25 =	sadd.s32 $0x2C0, s19;
	p1 =	seq.s32 s29, $0x0;
	s24 =	sadd.s32 $0x280, s19  }
0x164: {  	s25 =	smov.u32 @p1 s24;
	[tilespmem:s21+$0x230] =	vst v1  }
0x165: {  	v1 =	vld [tilespmem:s25+$0x0];
	_ =	sdelay $0x3  }
0x166: {  	s23 =	sadd.s32 $0x290, s19;
	s24 =	sadd.s32 $0x2D0, s19  }
0x167: {  	s24 =	smov.u32 @p1 s23;
	[tilespmem:s21+$0x280] =	vst v1  }
0x168: {  	(v2sf) =	vpush v0, $0xE;
	v1 =	vld [tilespmem:s24+$0x0];
	_ =	sdelay $0x3  }
0x169: {  	s23 =	sadd.s32 $0x2A0, s19;
	s24 =	sadd.s32 $0x2E0, s19  }
0x16a: {  	s24 =	smov.u32 @p1 s23;
	[tilespmem:s21+$0x290] =	vst v1  }
0x16b: {  	v1 =	vld [tilespmem:s24+$0x0];
	_ =	sdelay $0x3  }
0x16c: {  	s23 =	sadd.s32 $0x2B0, s19;
	s24 =	sadd.s32 $0x2F0, s19  }
0x16d: {  	s24 =	smov.u32 @p1 s23;
	[tilespmem:s21+$0x2A0] =	vst v1  }
0x16e: {  	v1 =	vld [tilespmem:s24+$0x0];
	_ =	sdelay $0x2  }
0x16f: {  	s30 =	spop (v2sf)  }
0x170: {  	s25 =	sadd.s32 $0x340, s19;
	p1 =	seq.s32 s30, $0x0;
	s24 =	sadd.s32 $0x300, s19  }
0x171: {  	s25 =	smov.u32 @p1 s24;
	[tilespmem:s21+$0x2B0] =	vst v1  }
0x172: {  	v1 =	vld [tilespmem:s25+$0x0];
	_ =	sdelay $0x3  }
0x173: {  	s23 =	sadd.s32 $0x310, s19;
	s24 =	sadd.s32 $0x350, s19  }
0x174: {  	s24 =	smov.u32 @p1 s23;
	[tilespmem:s21+$0x300] =	vst v1  }
0x175: {  	(v2sf) =	vpush v0, $0xF;
	v1 =	vld [tilespmem:s24+$0x0];
	_ =	sdelay $0x3  }
0x176: {  	s23 =	sadd.s32 $0x320, s19;
	s24 =	sadd.s32 $0x360, s19  }
0x177: {  	s24 =	smov.u32 @p1 s23;
	[tilespmem:s21+$0x310] =	vst v1  }
0x178: {  	v63 =	vld [tilespmem:s24+$0x0];
	_ =	sdelay $0x3  }
0x179: {  	s23 =	sadd.s32 $0x330, s19;
	s24 =	sadd.s32 $0x370, s19  }
0x17a: {  	s24 =	smov.u32 @p1 s23;
	[tilespmem:s21+$0x320] =	vst v63  }
0x17b: {  	v0 =	vld [tilespmem:s24+$0x0];
	_ =	sdelay $0x2  }
0x17c: {  	s31 =	spop (v2sf)  }
0x17d: {  	s25 =	sadd.s32 $0x3C0, s19;
	p1 =	seq.s32 s31, $0x0;
	s24 =	sadd.s32 $0x380, s19  }
0x17e: {  	s25 =	smov.u32 @p1 s24;
	[tilespmem:s21+$0x330] =	vst v0  }
0x17f: {  	v0 =	vld [tilespmem:s25+$0x0];
	_ =	sdelay $0x3  }
0x180: {  	s23 =	sadd.s32 $0x390, s19;
	s24 =	sadd.s32 $0x3D0, s19  }
0x181: {  	s24 =	smov.u32 @p1 s23;
	[tilespmem:s21+$0x380] =	vst v0  }
0x182: {  	v0 =	vld [tilespmem:s24+$0x0];
	_ =	sdelay $0x3  }
0x183: {  	s23 =	sadd.s32 $0x3A0, s19;
	s24 =	sadd.s32 $0x3E0, s19  }
0x184: {  	s24 =	smov.u32 @p1 s23;
	[tilespmem:s21+$0x390] =	vst v0  }
0x185: {  	v0 =	vld [tilespmem:s24+$0x0];
	_ =	sdelay $0x3  }
0x186: {  	s23 =	sadd.s32 $0x3B0, s19;
	s24 =	sadd.s32 $0x3F0, s19  }
0x187: {  	s24 =	smov.u32 @p1 s23;
	[tilespmem:s21+$0x3A0] =	vst v0  }
0x188: {  	p1 =	sne.s32 s22, $0xF0;
	v0 =	vld [tilespmem:s24+$0x0]  }
.Ltmp4:
0x189: {  	_ = 	snop;
	(pc) =	sbr.rel @p1 .LBB2_3-.Ltmp4, $3  }
0x18a: {  	_ =	sdelay $0x1  }
0x18b: {  	s20 =	sadd.s32 $0x20, s20  }
0x18c: {  	s19 =	sadd.s32 $0x800, s19;
	s22 =	sadd.s32 $0x10, s22;
	[tilespmem:s21+$0x3B0] =	vst v0;
	s21 =	sadd.s32 $0x800, s21  }
0x18d: {  	p1 =	sgt.u32 s18, $0x61  }
.Ltmp5:
0x18e: {  	s19 =	sshll.u32 s18, $0xF;
	(pc) =	sbr.rel @p1 .LBB2_8-.Ltmp5, $4  }
0x18f: {  	s19 =	sadd.s32 s6, s19  }
0x190: {  	s19 =	sshrl.u32 s19, $0x3  }
0x191: {  	s19 =	sadd.s32 s4, s19  }
0x192: {  	[hbm4b:s19+s2] =	stream.linear.scatter [tilespmem:s13], [sflag:$0x2], $0x8000, $0x38;
	[tilespmem:$0x1E800] =	vst v63  }
0x193: {  	s18 =	sshll.u32 s18, $0x8  }
0x194: {  	s18 =	sand.u32 $0x3FFFFF00, s18  }
0x195: {  	v0 =	vld [tilespmem:s18+$0x200]  }
0x196: {  	p1 =	sne.s32 s17, $0x0  }
.Ltmp6:
0x197: {  	_ = 	snop;
	(pc) =	sbr.rel @p1 .LBB2_7-.Ltmp6, $3  }
0x198: {  	_ =	sdelay $0x1  }
0x199: {  	v2 =	vshll.u32 v0, $0x6  }
0x19a: {  	v1 =	vshrl.u32 v0, $0x1;
	v0 =	vand.u32 $0x40, v2  }
0x19b: {  	[tilespmem:$0x6400] =	vst v1  }
0x19c: {  	[tilespmem:$0x6600] =	vst v0  }
0x19d: {  	v0 =	vld [tilespmem:s18+$0x210];
	_ =	sdelay $0x4  }
0x19e: {  	v49 =	vshrl.u32 v0, $0x1;
	v0 =	vshll.u32 v0, $0x6  }
0x19f: {  	[tilespmem:$0x6410] =	vst v49;
	v0 =	vand.u32 $0x40, v0  }
0x1a0: {  	[tilespmem:$0x6610] =	vst v0  }
0x1a1: {  	v0 =	vld [tilespmem:s18+$0x220];
	_ =	sdelay $0x4  }
0x1a2: {  	v50 =	vshrl.u32 v0, $0x1;
	v0 =	vshll.u32 v0, $0x6  }
0x1a3: {  	[tilespmem:$0x6420] =	vst v50;
	v0 =	vand.u32 $0x40, v0  }
0x1a4: {  	[tilespmem:$0x6620] =	vst v0  }
0x1a5: {  	v0 =	vld [tilespmem:s18+$0x230];
	_ =	sdelay $0x4  }
0x1a6: {  	v51 =	vshrl.u32 v0, $0x1;
	v0 =	vshll.u32 v0, $0x6  }
0x1a7: {  	[tilespmem:$0x6430] =	vst v51;
	v0 =	vand.u32 $0x40, v0  }
0x1a8: {  	[tilespmem:$0x6630] =	vst v0  }
0x1a9: {  	v0 =	vld [tilespmem:s18+$0x240];
	_ =	sdelay $0x4  }
0x1aa: {  	v52 =	vshrl.u32 v0, $0x1;
	v0 =	vshll.u32 v0, $0x6  }
0x1ab: {  	[tilespmem:$0x6440] =	vst v52;
	v0 =	vand.u32 $0x40, v0  }
0x1ac: {  	[tilespmem:$0x6640] =	vst v0  }
0x1ad: {  	v0 =	vld [tilespmem:s18+$0x250];
	_ =	sdelay $0x4  }
0x1ae: {  	v53 =	vshrl.u32 v0, $0x1;
	v0 =	vshll.u32 v0, $0x6  }
0x1af: {  	[tilespmem:$0x6450] =	vst v53;
	v0 =	vand.u32 $0x40, v0  }
0x1b0: {  	[tilespmem:$0x6650] =	vst v0  }
0x1b1: {  	v0 =	vld [tilespmem:s18+$0x260];
	_ =	sdelay $0x4  }
0x1b2: {  	v54 =	vshrl.u32 v0, $0x1;
	v0 =	vshll.u32 v0, $0x6  }
0x1b3: {  	[tilespmem:$0x6460] =	vst v54;
	v0 =	vand.u32 $0x40, v0  }
0x1b4: {  	[tilespmem:$0x6660] =	vst v0  }
0x1b5: {  	v0 =	vld [tilespmem:s18+$0x270];
	_ =	sdelay $0x4  }
0x1b6: {  	v55 =	vshrl.u32 v0, $0x1;
	v0 =	vshll.u32 v0, $0x6  }
0x1b7: {  	[tilespmem:$0x6470] =	vst v55;
	v0 =	vand.u32 $0x40, v0  }
0x1b8: {  	[tilespmem:$0x6670] =	vst v0  }
0x1b9: {  	v0 =	vld [tilespmem:s18+$0x280];
	_ =	sdelay $0x4  }
0x1ba: {  	v56 =	vshrl.u32 v0, $0x1;
	v0 =	vshll.u32 v0, $0x6  }
0x1bb: {  	[tilespmem:$0x6480] =	vst v56;
	v0 =	vand.u32 $0x40, v0  }
0x1bc: {  	[tilespmem:$0x6700] =	vst v0  }
0x1bd: {  	v0 =	vld [tilespmem:s18+$0x290];
	_ =	sdelay $0x4  }
0x1be: {  	v57 =	vshrl.u32 v0, $0x1;
	v0 =	vshll.u32 v0, $0x6  }
0x1bf: {  	[tilespmem:$0x6490] =	vst v57;
	v0 =	vand.u32 $0x40, v0  }
0x1c0: {  	[tilespmem:$0x6710] =	vst v0  }
0x1c1: {  	v0 =	vld [tilespmem:s18+$0x2A0];
	_ =	sdelay $0x4  }
0x1c2: {  	v58 =	vshrl.u32 v0, $0x1;
	v0 =	vshll.u32 v0, $0x6  }
0x1c3: {  	[tilespmem:$0x64A0] =	vst v58;
	v0 =	vand.u32 $0x40, v0  }
0x1c4: {  	[tilespmem:$0x6720] =	vst v0  }
0x1c5: {  	v0 =	vld [tilespmem:s18+$0x2B0];
	_ =	sdelay $0x4  }
0x1c6: {  	v59 =	vshrl.u32 v0, $0x1;
	v0 =	vshll.u32 v0, $0x6  }
0x1c7: {  	[tilespmem:$0x64B0] =	vst v59;
	v0 =	vand.u32 $0x40, v0  }
0x1c8: {  	[tilespmem:$0x6730] =	vst v0  }
0x1c9: {  	v0 =	vld [tilespmem:s18+$0x2C0];
	_ =	sdelay $0x4  }
0x1ca: {  	v60 =	vshrl.u32 v0, $0x1;
	v0 =	vshll.u32 v0, $0x6  }
0x1cb: {  	[tilespmem:$0x64C0] =	vst v60;
	v0 =	vand.u32 $0x40, v0  }
0x1cc: {  	[tilespmem:$0x6740] =	vst v0  }
0x1cd: {  	v0 =	vld [tilespmem:s18+$0x2D0];
	_ =	sdelay $0x4  }
0x1ce: {  	v61 =	vshrl.u32 v0, $0x1;
	v0 =	vshll.u32 v0, $0x6  }
0x1cf: {  	[tilespmem:$0x64D0] =	vst v61;
	v0 =	vand.u32 $0x40, v0  }
0x1d0: {  	[tilespmem:$0x6750] =	vst v0  }
0x1d1: {  	v0 =	vld [tilespmem:s18+$0x2E0];
	_ =	sdelay $0x4  }
0x1d2: {  	v62 =	vshrl.u32 v0, $0x1;
	v0 =	vshll.u32 v0, $0x6  }
0x1d3: {  	[tilespmem:$0x64E0] =	vst v62;
	v0 =	vand.u32 $0x40, v0  }
0x1d4: {  	[tilespmem:$0x6760] =	vst v0  }
0x1d5: {  	v0 =	vld [tilespmem:s18+$0x2F0];
	_ =	sdelay $0x2  }
.Ltmp7:
0x1d6: {  	_ = 	snop;
	(pc) =	sbr.rel .LBB2_8-.Ltmp7, $4  }
0x1d7: {  	_ = 	snop  }
0x1d8: {  	v63 =	vshrl.u32 v0, $0x1;
	v0 =	vshll.u32 v0, $0x6  }
0x1d9: {  	[tilespmem:$0x64F0] =	vst v63;
	v0 =	vand.u32 $0x40, v0  }
0x1da: {  	[tilespmem:$0x6770] =	vst v0  }
.LBB2_10:
0x1db: {  	_ =	sfence.sel $0x180000  }
0x1dc: {  	[bflag:$0x0] =	sbarrier.arrive $0xFFFF  }
0x1dd: {  	p0 =	sne.s32 s1, $0x0;
	_ =	strace $0x90000047  }
0x1de: {  	s0 =	sadd.s32 @!p0 $0x100000, s0;
	[bflag:$0x2] =	sbarrier.arrive $0xFFFF  }
0x1df: {  	[sflag:s0] =	ssyncadd.tile.s32 @!p0 $0x1;
	_ =	shalt  }
.Lfunc_end2:
_tile_overlayer_lowered:
.L_overlay_start_2:
0x1e0: {  	(tag) =	ssettag $0x2  }
0x1e1: {  	s0 =	rddreg [dreg:$0x0];
	s2 =	stileid.u32  }
0x1e2: {  	s1 =	rddreg [dreg:$0x1];
	p0 =	sne.s32 s2, $0x0  }
0x1e3: {  	s3 =	rddreg [dreg:$0x2];
	[bflag:$0x3] =	sbarrier.arrive $0xFFFF;
	s2 =	simm.s32 @!p0 $0x1C03  }
0x1e4: {  	[timem:s3], [sflag:s2] =	dma.local @!p0 [hbm:s0], s1  }
0x1e5: {  	s0 =	simm.s32 @!p0 $0x3  }
0x1e6: {  	_ =	swait.ge @!p0 [sflag:s0], s1  }
0x1e7: {  	s1 =	ssub.s32 @!p0 $0x0, s1;
	[sflag:s0] =	ssyncset.done @!p0 $0x0  }
0x1e8: {  	[sflag:s0] =	ssyncadd.s32 @!p0 s1  }
0x1e9: {  	[bflag:$0x3] =	sbarrier.arrive $0xFFFF  }
0x1ea: {  	_ =	shalt  }

// kernel: sparse-core-data-format-call.cloned.1.call-start
scs
called_computation_lowered:
.L_overlay_start_0:
0x0: {  	s2 =	sld [smem:$0x3FD9]  }
0x1: {  	s3 =	sld [smem:$0x3FFE];
	_ =	sdelay $0x1  }
0x2: {  	s1 =	srdreg.scid  }
0x3: {  	s0 =	sand.u32 $0x1, s1  }
0x4: {  	s18 =	sshll.u32 s0, $0xA;
	s2 =	sadd.s32 s3, s2  }
0x5: {  	s2 =	sadd.s32 s2, s18  }
0x6: {  	[smem:$0x3FC6] =	sst s2  }
0x7: {  	_ = 	snop  }
0x8: {  	s2 =	sld [smem:$0x3FD0];
	(tm) =	ssettm $0x1  }
0x9: {  	s19 =	sld [smem:$0x3FFB];
	_ =	sdelay $0x3  }
0xa: {  	_ =	strace s19  }
0xb: {  	s3 =	sld [smem:$0x3FFC];
	_ =	sdelay $0x3  }
0xc: {  	_ =	strace s3  }
0xd: {  	s3 =	sld [smem:$0x3FFD];
	_ =	sdelay $0x3  }
0xe: {  	_ =	strace s3  }
0xf: {  	_ =	strace $0x8FFFFFFF  }
0x10: {  	s20 =	sld [smem:$0x3FDB];
	_ =	sdelay $0x1  }
0x11: {  	s4 =	simm.s32 $_scs_section_size  }
0x12: {  	s5 =	simm.s32 $_size__tile_overlayer_lowered;
	s6 =	simm.s32 $_tile_overlayer_lowered  }
0x13: {  	s23 =	simm.s32 $0x1BFF;
	s22 =	sshll.u32 s6, $0x1;
	s3 =	sadd.s32 s4, s20  }
0x14: {  	s7 =	simm.s32 $0x0;
	s21 =	sshll.u32 s5, $0x1;
	s5 =	sadd.s32 s22, s3  }
0x15: {  	[timem:s7], [sflag:s23] =	dma.local [hbm:s5], s21  }
0x16: {  	_ =	swait.ge [sflag:s23], s21  }
0x17: {  	s4 =	ssub.s32 $0x0, s21;
	[sflag:s23] =	ssyncset.done $0x0  }
0x18: {  	[sflag:s23] =	ssyncadd.s32 s4;
	_ =	sdelay $0x1  }
0x19: {  	s24 =	simm.s32 $0x1B8B  }
0x1a: {  	_ =	swait.ge [sflag:s24], $0x1  }
0x1b: {  	[sflag:s24] =	ssyncset.done $0x0  }
0x1c: {  	s26 =	simm.s32 $0x1B8E;
	s25 =	sld [smem:$0x3FFE];
	[sflag:s24] =	ssyncadd.s32 $0xFFFFFFFF  }
0x1d: {  	s27 =	simm.s32 $execute0_lowered;
	[smem:$0x3FD2] =	sst s26  }
0x1e: {  	s5 =	sshll.u32 s27, $0x1;
	_ =	strace $0x80000049;
	[dreg:$0x1] =	wrdreg $0xFFFFFFFF  }
0x1f: {  	s28 =	simm.s32 $_size_execute0_lowered;
	s3 =	sadd.s32 s3, s5;
	[dreg:$0x0] =	wrdreg $0x0  }
0x20: {  	s5 =	sshll.u32 s28, $0x1;
	[dreg:$0x2] =	wrdreg s3  }
0x21: {  	[dreg:$0x3] =	wrdreg s5  }
0x22: {  	[dreg:$0x4] =	wrdreg $0xC0  }
0x23: {  	_ =	task [dreg:s7], $0x5FFFF  }
0x24: {  	[dreg:$0x1] =	wrdreg $0xFFFFFFFF  }
0x25: {  	[dreg:$0x0] =	wrdreg $0x60  }
0x26: {  	[dreg:$0x2] =	wrdreg s25  }
0x27: {  	[dreg:$0x3] =	wrdreg s2  }
0x28: {  	[dreg:$0x4] =	wrdreg $0x9  }
0x29: {  	_ =	task.clear_ibuf [dreg:s7], $0x5FFFF;
	_ =	strace $0x90000049  }
0x2a: {  	s29 =	simm.s32 $0x9;
	_ =	strace $0x8000004B  }
0x2b: {  	_ =	swait.ge [sflag:s29], $0x1  }
0x2c: {  	[sflag:s29] =	ssyncadd.s32 $0xFFFFFFFF  }
0x2d: {  	_ =	strace $0x9000004B  }
0x2e: {  	_ =	sfence  }
0x2f: {  	s30 =	sld [smem:$0x0];
	_ =	sdelay $0x2  }
0x30: {  	s31 =	sshll.u32 s1, $0xD;
	s1 =	sshrl.u32 s1, $0x2  }
0x31: {  	s3 =	sand.u32 $0x4000, s31;
	s1 =	sadd.s32 s1, s30  }
0x32: {  	s0 =	sor.u32 s3, s0;
	s1 =	sshll.u32 s1, $0x11  }
0x33: {  	s0 =	sor.u32 s1, s0  }
0x34: {  	s0 =	sadd.s32 $0x8F2B, s0  }
0x35: {  	[sflag:s0] =	ssyncadd.remote.s32 $0x1  }
0x36: {  	_ =	sfence.sel $0xFFFF  }
0x37: {  	[dreg:$0x0] =	wrdreg $0xFFFFFFFF;
	(pc) =	sbr.abs _section_cstart, $3  }
0x38: {  	[dreg:$0x1] =	wrdreg $0xFFFFFFFF  }
0x39: {  	_ =	task.clear_ibuf [dreg:s7], $0x2FFFF;
	_ =	strace $0x9FFFFFFF  }
0x3a: {  	(tm) =	ssettm $0x7FFFFFFF  }
0x3b: {  	_ =	shalt  }
tec
execute0_lowered:
.L_overlay_start_1:
0x0: {  	(tag) =	ssettag $0x1  }
0x1: {  	s0 =	srdreg.scid  }
0x2: {  	s1 =	sshll.u32 s0, $0x4  }
0x3: {  	s0 =	stileid.u32;
	s1 =	sand.u32 $0x10, s1  }
0x4: {  	s1 =	sor.u32 s0, s1  }
0x5: {  	s6 =	rddreg [dreg:$0x0];
	s4 =	simm.s32 $0x1;
	s2 =	sshll.u32 s1, $0x7  }
0x6: {  	s7 =	simm.s32 $0x2;
	s12 =	simm.s32 $0x0;
	s1 =	ssub.s32 $0x1000, s2  }
0x7: {  	s8 =	simm.s32 $0x8000;
	s13 =	simm.s32 $0x0;
	s3 =	sand.u32 $0xF80, s1  }
0x8: {  	s9 =	simm.s32 $0x0;
	s5 =	sshrl.u32 s1, $0xC;
	p0 =	sne.s32 s3, $0x0  }
.Ltmp0:
0x9: {  	s1 =	rddreg [dreg:$0x2];
	s4 =	simm.s32 @!p0 $0x0;
	(pc) =	sbr.rel .LBB1_1-.Ltmp0, $4  }
0xa: {  	s11 =	simm.s32 $0x0;
	s3 =	rddreg [dreg:$0x1];
	s5 =	sadd.s32 s4, s5  }
0xb: {  	_ =	strace $0x8000004A;
	s4 =	simm.s32 $0x1;
	s5 =	smul.u32 $0xC8, s5  }
0xc: {  	s6 =	sadd.s32 $0xA00, s6;
	s10 =	smov.u32 s2;
	[sflag:s4] =	ssyncpa.u1 $0x0  }
0xd: {  	p0 =	por $0x0, $0x0;
	[sflag:s7] =	ssyncpa.u1 $0x0;
	s7 =	sor.u32 $0x1, s5  }
.LBB1_4:
0xe: {  	s16 =	sshll.u32 s13, $0x3;
	s17 =	sand.u32 $0x78, s13  }
0xf: {  	s30 =	sand.u32 $0x7E00, s13;
	s12 =	sshll.u32 s12, $0xF;
	s16 =	sand.u32 $0xC00, s16  }
0x10: {  	[tilespmem:s15+$0x810 ss:$0x81] =	vst.msk $0xffff, v2;
	s31 =	sand.u32 $0x7, s13;
	s16 =	sor.u32 s17, s16;
	s17 =	sadd.s32 s3, s30  }
0x11: {  	[tilespmem:s15+$0x1020 ss:$0x81] =	vst.msk $0xffff, v0;
	s13 =	sshll.u32 s31, $0x12;
	s12 =	sadd.s32 s12, s17;
	s16 =	sshrl.u32 s16, $0x3  }
0x12: {  	[tilespmem:s15+$0x0 ss:$0x81] =	vst.msk $0xffff, v1;
	s13 =	sor.u32 $0x400, s13;
	s12 =	sadd.s32 s16, s12  }
0x13: {  	[hbm4b:s12+s13] =	stream.strided.scatter [tilespmem:s14], [sflag:$0x2], $0x2000, s8, s13, $0x20;
	[tilespmem:$0x8080] =	vst v63  }
.LBB1_5:
0x14: {  	s14 =	sadd.s32 $0x1, s9  }
0x15: {  	s12 =	sadd.s32 $0x1000, s10;
	s16 =	smov.u32 s10;
	p2 =	sgt.s32 s14, $0xC7  }
0x16: {  	s16 =	smov.u32 @p2 s12  }
0x17: {  	s14 =	simm.s32 @p2 $0x0;
	p2 =	sgt.s32 s16, $0xFFF  }
0x18: {  	s16 =	smov.u32 @p2 s2;
	p2 =	sne.s32 s11, s7  }
.Ltmp1:
0x19: {  	p1 =	slt.u32 s11, $0x2;
	(pc) =	sbr.rel @!p2 .LBB1_6-.Ltmp1, $4  }
0x1a: {  	s15 =	simm.s32 @!p1 $0x2  }
0x1b: {  	s13 =	smov.u32 s10;
	p0 =	por !p0, !p0;
	_ =	swait.ge @!p1 [sflag:s15], $0x2000  }
0x1c: {  	s12 =	smov.u32 s9;
	[sflag:s15] =	ssyncset.done @!p1 $0x0;
	s9 =	smov.u32 s14  }
0x1d: {  	s11 =	sadd.s32 $0x1, s11;
	[sflag:s15] =	ssyncadd.s32 @!p1 $0xFFFFE000;
	s10 =	smov.u32 s16  }
.LBB1_1:
0x1e: {  	p1 =	sge.u32 s11, s5  }
0x1f: {  	s14 =	sand.u32 @!p1 $0x1FFFFFF, s9  }
0x20: {  	s15 =	smulhi.u32 @!p1 $0x147AE15, s14;
	_ =	sdelay $0x1  }
0x21: {  	s15 =	smul.u32 @!p1 $0xC8, s15  }
0x22: {  	s16 =	sxor.u32 @!p1 $0xFFFFFFFF, s11;
	s17 =	smul.u32 @!p1 $0xC80, s10  }
0x23: {  	s31 =	sadd.s32 $0xFFFFFFFF, s11;
	s16 =	sshll.u32 @!p1 s16, $0xD;
	s14 =	ssub.s32 @!p1 s14, s15  }
0x24: {  	s15 =	sand.u32 @!p1 $0x2000, s16;
	s16 =	sadd.s32 @!p1 s6, s17;
	s14 =	sshll.u32 @!p1 s14, $0x4  }
0x25: {  	s17 =	simm.s32 @!p1 $0x6400;
	s14 =	sadd.s32 @!p1 s14, s16;
	s16 =	simm.s32 @!p1 $0x40  }
0x26: {  	[tilespmem:s15], [sflag:$0x1] =	stream.strided.gather @!p1 [hbm4b:s14+s16], $0x2000, s17, s16, $0x38;
	[tilespmem:$0x8080] =	vst v63  }
0x27: {  	p1 =	sge.u32 s31, s5  }
.Ltmp2:
0x28: {  	_ = 	snop;
	(pc) =	sbr.rel @p1 .LBB1_5-.Ltmp2, $1  }
0x29: {  	_ =	sdelay $0x3  }
0x2a: {  	s14 =	simm.s32 $0x1  }
0x2b: {  	_ =	swait.ge [sflag:s4], $0x2000;
	s14 =	simm.s32 @!p0 $0x0  }
0x2c: {  	[sflag:s4] =	ssyncset.done $0x0;
	s15 =	sshll.u32 s14, $0xD  }
0x2d: {  	[sflag:s4] =	ssyncadd.s32 $0xFFFFE000;
	s18 =	sor.u32 $0x20, s15  }
0x2e: {  	s14 =	smul.u32 $0x8100, s14;
	v3 =	vld [tilespmem:s18+$0x10]  }
0x2f: {  	s30 =	sand.u32 $0x1, s11;
	v2 =	vld [tilespmem:s18+$0xFFFFFFF0]  }
0x30: {  	s15 =	smul.u32 $0x8100, s30;
	s14 =	sshrl.u32 s14, $0x2;
	v0 =	vld [tilespmem:s18+$0x0]  }
0x31: {  	v1 =	vld [tilespmem:s18+$0xFFFFFFE0];
	s16 =	sor.u32 $0x4000, s14  }
0x32: {  	s31 =	sshrl.u32 s15, $0x2;
	s15 =	sadd.s32 $0x0, s16  }
0x33: {  	s17 =	simm.s32 $0x4;
	s18 =	sadd.s32 $0x40, s18;
	s14 =	sor.u32 $0x4000, s31;
	[tilespmem:s15+$0x1830 ss:$0x81] =	vst.msk $0xffff, v3  }
.LBB1_3:
0x34: {  	v3 =	vld [tilespmem:s18+$0x10];
	p1 =	sne.s32 s17, $0x1FC;
	[tilespmem:s15+$0x810 ss:$0x81] =	vst.msk $0xffff, v2;
	s19 =	smov.u32 s17;
	s17 =	sadd.s32 $0x4, s17  }
.Ltmp3:
0x35: {  	v2 =	vld [tilespmem:s18+$0xFFFFFFF0];
	[tilespmem:s15+$0x1020 ss:$0x81] =	vst.msk $0xffff, v0;
	(pc) =	sbr.rel @p1 .LBB1_3-.Ltmp3, $4  }
0x36: {  	v0 =	vld [tilespmem:s18+$0x0];
	[tilespmem:s15+$0x0 ss:$0x81] =	vst.msk $0xffff, v1  }
0x37: {  	s15 =	sshra.s32 s19, $0x2;
	v1 =	vld [tilespmem:s18+$0xFFFFFFE0]  }
0x38: {  	s15 =	sadd.s32 s15, s16  }
0x39: {  	s18 =	sadd.s32 $0x40, s18;
	[tilespmem:s15+$0x1830 ss:$0x81] =	vst.msk $0xffff, v3  }
.Ltmp4:
0x3a: {  	_ = 	snop;
	(pc) =	sbr.rel .LBB1_4-.Ltmp4, $1  }
0x3b: {  	_ =	sdelay $0x3  }
.LBB1_6:
0x3c: {  	_ =	sfence.sel $0x180000  }
0x3d: {  	s2 =	simm.s32 $0x1;
	[bflag:$0x0] =	sbarrier.arrive $0xFFFF  }
0x3e: {  	s31 =	simm.s32 $0x2;
	[sflag:s2] =	ssyncpa.u1 $0x1  }
0x3f: {  	[sflag:s31] =	ssyncpa.u1 $0x1  }
0x40: {  	p0 =	sne.s32 s0, $0x0;
	_ =	strace $0x9000004A  }
0x41: {  	s0 =	sadd.s32 @!p0 $0x100000, s1;
	[bflag:$0x2] =	sbarrier.arrive $0xFFFF  }
0x42: {  	[sflag:s0] =	ssyncadd.tile.s32 @!p0 $0x1;
	_ =	shalt  }
.Lfunc_end1:
_tile_overlayer_lowered:
.L_overlay_start_2:
0x43: {  	(tag) =	ssettag $0x2  }
0x44: {  	s0 =	rddreg [dreg:$0x0];
	s2 =	stileid.u32  }
0x45: {  	s1 =	rddreg [dreg:$0x1];
	p0 =	sne.s32 s2, $0x0  }
0x46: {  	s3 =	rddreg [dreg:$0x2];
	[bflag:$0x3] =	sbarrier.arrive $0xFFFF;
	s2 =	simm.s32 @!p0 $0x1C01  }
0x47: {  	[timem:s3], [sflag:s2] =	dma.local @!p0 [hbm:s0], s1  }
0x48: {  	s0 =	simm.s32 @!p0 $0x1  }
0x49: {  	_ =	swait.ge @!p0 [sflag:s0], s1  }
0x4a: {  	s1 =	ssub.s32 @!p0 $0x0, s1;
	[sflag:s0] =	ssyncset.done @!p0 $0x0  }
0x4b: {  	[sflag:s0] =	ssyncadd.s32 @!p0 s1  }
0x4c: {  	[bflag:$0x3] =	sbarrier.arrive $0xFFFF  }
0x4d: {  	_ =	shalt  }

</sc_bundles>
